<compile_context>
chip_gen: v7x
topology: tpu7x:2x2x1
jax: 0.10.2.dev20260603
libtpu: 0.0.44.dev20260713+nightly
codegen_flags: <defaults>
</compile_context>

<pallas_src>
import functools

import jax
import jax.numpy as jnp
from jax import lax
from jax.experimental import pallas as pl
from jax.experimental.pallas import tpu as pltpu
from jax.experimental.pallas import tpu_sc as plsc

B = 256
S = 197
D = 768
P = 8192
L = 8
K = 8

_EPS = 1e-12


_BB = 8


def _mean_norm_copy_body(x_ref, copy_ref, xn_ref):
    xb = x_ref[...]
    copy_ref[...] = xb
    mean = jnp.sum(xb, axis=0) * jnp.float32(1.0 / S)
    ss = jnp.sum(mean * mean, axis=1, keepdims=True)
    xn_ref[...] = mean * lax.rsqrt(jnp.maximum(ss, jnp.float32(_EPS)))


def _k_mean_norm_copy(x_t):
    return pl.pallas_call(
        _mean_norm_copy_body,
        grid=(B // _BB,),
        in_specs=[pl.BlockSpec((S, _BB, D), lambda i: (0, i, 0))],
        out_specs=[
            pl.BlockSpec((S, _BB, D), lambda i: (0, i, 0)),
            pl.BlockSpec((_BB, D), lambda i: (i, 0)),
        ],
        out_shape=[
            jax.ShapeDtypeStruct((S, B, D), jnp.float32),
            jax.ShapeDtypeStruct((B, D), jnp.float32),
        ],
    )(x_t)



_PB = 512


def _keynorm_body(k_ref, kn_ref):
    kb = k_ref[...]
    ss = jnp.sum(kb * kb, axis=1, keepdims=True)
    kn_ref[...] = kb * lax.rsqrt(jnp.maximum(ss, jnp.float32(_EPS)))


def _k_keynorm(prompt_key):
    return pl.pallas_call(
        _keynorm_body,
        grid=(P // _PB,),
        in_specs=[pl.BlockSpec((_PB, D), lambda i: (i, 0))],
        out_specs=pl.BlockSpec((_PB, D), lambda i: (i, 0)),
        out_shape=jax.ShapeDtypeStruct((P, D), jnp.float32),
    )(prompt_key)



_PC = 1024
_NPC = P // _PC


def _sim_topk_body(xn_ref, keys_ref, sim_ref, topk_ref, idx_ref, red_ref,
                   acc_ref):
    i = pl.program_id(0)
    ch = lax.dot_general(
        xn_ref[...], keys_ref[...],
        dimension_numbers=(((1,), (1,)), ((), ())),
        preferred_element_type=jnp.float32,
    )
    sim_ref[...] = ch
    acc_ref[:, pl.ds(i * _PC, _PC)] = ch

    @pl.when(i == _NPC - 1)
    def _():
        vals = []
        ids = []
        for _k in range(K):
            s = acc_ref[...]
            m = jnp.max(s, axis=1, keepdims=True)
            iota = lax.broadcasted_iota(jnp.int32, (B, P), 1)
            ik = jnp.min(jnp.where(s == m, iota, jnp.int32(P)),
                         axis=1, keepdims=True)
            vals.append(m)
            ids.append(ik)
            acc_ref[...] = jnp.where(iota == ik, jnp.float32(-jnp.inf), s)
        tv = jnp.concatenate(vals, axis=1)
        topk_ref[...] = tv
        idx_ref[...] = jnp.concatenate(ids, axis=1)
        red_ref[0, 0] = jnp.sum(tv) * jnp.float32(1.0 / B)


def _k_sim_topk(xn, pkn):
    return pl.pallas_call(
        _sim_topk_body,
        grid=(_NPC,),
        in_specs=[
            pl.BlockSpec((B, D), lambda i: (0, 0)),
            pl.BlockSpec((_PC, D), lambda i: (i, 0)),
        ],
        out_specs=[
            pl.BlockSpec((B, _PC), lambda i: (0, i)),
            pl.BlockSpec((B, K), lambda i: (0, 0)),
            pl.BlockSpec((B, K), lambda i: (0, 0)),
            pl.BlockSpec((1, 1), lambda i: (0, 0), memory_space=pltpu.SMEM),
        ],
        out_shape=[
            jax.ShapeDtypeStruct((B, P), jnp.float32),
            jax.ShapeDtypeStruct((B, K), jnp.float32),
            jax.ShapeDtypeStruct((B, K), jnp.int32),
            jax.ShapeDtypeStruct((1, 1), jnp.float32),
        ],
        scratch_shapes=[pltpu.VMEM((B, P), jnp.float32)],
    )(xn, pkn)



_NW = 32
_BW = B // _NW


def _sc_gather_body(prompt_hbm, pkn_hbm, idx_hbm,
                    out1, out2, outk,
                    idx_v, bufp, bufk, semp0, semp1, semk0, semk1):
    c = lax.axis_index("c")
    s = lax.axis_index("s")
    wid = s * 2 + c
    b0 = wid * _BW
    pltpu.sync_copy(idx_hbm.at[pl.ds(b0, _BW)], idx_v)

    semp = [semp0, semp1]
    semk = [semk0, semk1]

    def _fire(ci):
        slot = ci % 2
        dp = pltpu.make_async_copy(
            prompt_hbm.at[idx_v.at[ci]], bufp.at[slot], semp[slot])
        dp.start()
        dk = pltpu.make_async_copy(
            pkn_hbm.at[idx_v.at[ci]], bufk.at[slot], semk[slot])
        dk.start()
        return dp, dk

    descs = [_fire(0)]
    for ci in range(_BW):
        slot = ci % 2
        if ci + 1 < _BW:
            descs.append(_fire(ci + 1))
        dp, dk = descs[ci]
        dp.wait()
        b = b0 + ci
        pltpu.sync_copy(bufp.at[slot], out1.at[b])
        pltpu.sync_copy(bufp.at[slot], out2.at[pl.ds(b * K, K)])
        dk.wait()
        pltpu.sync_copy(bufk.at[slot], outk.at[b])


@functools.cache
def _sc_gather():
    return pl.kernel(
        _sc_gather_body,
        mesh=plsc.VectorSubcoreMesh(core_axis_name="c", subcore_axis_name="s"),
        out_type=(
            jax.ShapeDtypeStruct((B, K, L, D), jnp.float32),
            jax.ShapeDtypeStruct((B * K, L, D), jnp.float32),
            jax.ShapeDtypeStruct((B, K, D), jnp.float32),
        ),
        scratch_types=[
            pltpu.VMEM((_BW, K), jnp.int32),
            pltpu.VMEM((2, K, L, D), jnp.float32),
            pltpu.VMEM((2, K, D), jnp.float32),
            pltpu.SemaphoreType.DMA,
            pltpu.SemaphoreType.DMA,
            pltpu.SemaphoreType.DMA,
            pltpu.SemaphoreType.DMA,
        ],
    )




def kernel(x_embed, prompt, prompt_key, is_training):
    pe_t, xn = _k_mean_norm_copy(jnp.transpose(x_embed, (1, 0, 2)))
    pe = jnp.transpose(pe_t, (1, 0, 2))
    pkn = _k_keynorm(prompt_key)
    sim, topk, idx, red = _k_sim_topk(xn, pkn)
    g1, g2, gk = _sc_gather()(prompt, pkn, idx)
    batched_prompt = g1.reshape(B, K * L, D)
    selected_prompt = g2.reshape(B, K * L * D)
    selected_key = gk.reshape(B, K * D)
    return (batched_prompt, red[0, 0], sim, topk, idx, pkn, xn,
            selected_key, selected_prompt, pe)

# --- scband reference (transcript-rebuilt; emitter-appended) ---
"""Pipeline reference for scband-prompt-62156766708047 (READ-ONLY COPY).

The authoritative reference and input builder live on the scoring server;
editing this copy changes nothing except your own understanding.
"""

import jax, jax.numpy as jnp
import numpy as np

BATCH = 256
SEQ = 197
EMBED_DIM = 768
POOL_SIZE = 8192
LENGTH = 8
TOP_K = 8


def l2_normalize(x, axis):
    square_sum = jnp.sum(x ** 2, axis=axis, keepdims=True)
    x_inv_norm = jax.lax.rsqrt(jnp.maximum(square_sum, 1e-12))
    return x * x_inv_norm


def setup_inputs(seed: int = 0) -> dict:
    key = jax.random.key(seed)
    k1, k2, k3 = jax.random.split(key, 3)
    x_embed = jax.random.normal(k1, (BATCH, SEQ, EMBED_DIM), dtype=jnp.float32)
    # learned params (prompt_init='uniform', prompt_key_init='uniform' -> U(-1, 1))
    prompt = jax.random.uniform(k2, (POOL_SIZE, LENGTH, EMBED_DIM), minval=-1.0, maxval=1.0, dtype=jnp.float32)
    prompt_key = jax.random.uniform(k3, (POOL_SIZE, EMBED_DIM), minval=-1.0, maxval=1.0, dtype=jnp.float32)
    return {"x_embed": x_embed, "prompt": prompt, "prompt_key": prompt_key, "is_training": 1}


def reference(x_embed, prompt, prompt_key, is_training):
    # is_training=True path: prompt/prompt_key are the single task's params
    # embedding_key == 'mean'
    x_embed_mean = jnp.mean(x_embed, axis=1)
    prompt_key_norm = l2_normalize(prompt_key, axis=1)
    x_embed_norm = l2_normalize(x_embed_mean, axis=1)
    similarity = jnp.matmul(x_embed_norm, prompt_key_norm.T)
    topk_similarity, idx = jax.lax.top_k(similarity, TOP_K)
    batched_prompt_raw = prompt[idx]  # [B, top_k, length, C] gather
    batch_size = batched_prompt_raw.shape[0]
    batched_prompt = batched_prompt_raw.reshape(batch_size, TOP_K * LENGTH, EMBED_DIM)
    batched_key_norm = prompt_key_norm[idx]  # [B, top_k, C] gather
    selected_key = batched_key_norm.reshape(batch_size, TOP_K * EMBED_DIM)
    selected_prompt = batched_prompt.reshape(batch_size, TOP_K * LENGTH * EMBED_DIM)
    x_embed_norm_e = x_embed_norm[:, None, :]
    sim = batched_key_norm * x_embed_norm_e
    reduce_sim = jnp.sum(sim) / x_embed.shape[0]
    prompted_embedding = jnp.concatenate([x_embed], axis=1)
    return (batched_prompt, reduce_sim, similarity, topk_similarity, idx,
            prompt_key_norm, x_embed_norm, selected_key, selected_prompt,
            prompted_embedding)

if __name__ == "__main__":
    import jax
    _d = setup_inputs()
    print(jax.jit(kernel)(*tuple(_d.values())))

</pallas_src>

<mosaic_0001>
#map = affine_map<(d0, d1) -> (0, 0, 0)>
#map1 = affine_map<(d0, d1) -> (0, 0)>
#map2 = affine_map<(d0, d1) -> (0, 0, 0, 0)>
module attributes {stable_mosaic.version = 14 : i64} {
  func.func @_sc_gather_body(%arg0: i32, %arg1: i32, %arg2: memref<8192x8x768xf32, #tpu.memory_space<hbm>>, %arg3: memref<8192x768xf32, #tpu.memory_space<hbm>>, %arg4: memref<256x8xi32, #tpu.memory_space<hbm>>, %arg5: memref<256x8x8x768xf32, #tpu.memory_space<hbm>>, %arg6: memref<2048x8x768xf32, #tpu.memory_space<hbm>>, %arg7: memref<256x8x768xf32, #tpu.memory_space<hbm>>, %arg8: memref<8x8xi32, #tpu.memory_space<vmem>>, %arg9: memref<2x8x8x768xf32, #tpu.memory_space<vmem>>, %arg10: memref<2x8x768xf32, #tpu.memory_space<vmem>>, %arg11: memref<!tpu.dma_semaphore, #tpu.memory_space<semaphore_mem>>, %arg12: memref<!tpu.dma_semaphore, #tpu.memory_space<semaphore_mem>>, %arg13: memref<!tpu.dma_semaphore, #tpu.memory_space<semaphore_mem>>, %arg14: memref<!tpu.dma_semaphore, #tpu.memory_space<semaphore_mem>>) attributes {dimension_semantics = [#tpu.dimension_semantics<core_parallel>, #tpu.dimension_semantics<subcore_parallel>], iteration_bounds = array<i64: 2, 16>, scalar_prefetch = 0 : i64, scratch_operands = 7 : i64, tpu.core_type = #tpu.core_type<sc_vector_subcore>, window_params = [{transform_indices = #map}, {transform_indices = #map1}, {transform_indices = #map1}, {transform_indices = #map2}, {transform_indices = #map}, {transform_indices = #map}]} {
    %mul3A = arith.constant 2 : i32
    %mul3A_0 = arith.muli %arg1, %mul3A : i32
    %add3A = arith.addi %mul3A_0, %arg0 : i32
    %mul3A_1 = arith.constant 8 : i32
    %mul3A_2 = arith.muli %add3A, %mul3A_1 : i32
    "tpu.region"() ({
      %run_scoped3A_472 = tpu.sem_alloc : memref<!tpu.dma_semaphore, #tpu.memory_space<semaphore_mem>>
      %dma_start3A_473 = arith.constant 0 : i32
      %dma_start3A_474 = tpu.memref_slice %arg4[%mul3A_2, %dma_start3A_473] : memref<256x8xi32, #tpu.memory_space<hbm>> -> memref<8x8xi32, #tpu.memory_space<hbm>>
      %dma_start3A_475 = arith.constant 0 : i32
      %dma_start3A_476 = tpu.memref_slice %arg4[%mul3A_2, %dma_start3A_475] : memref<256x8xi32, #tpu.memory_space<hbm>> -> memref<8x8xi32, #tpu.memory_space<hbm>>
      tpu.enqueue_dma source(%dma_start3A_476 : memref<8x8xi32, #tpu.memory_space<hbm>>) target(%arg8 : memref<8x8xi32, #tpu.memory_space<vmem>>) target_semaphore(%run_scoped3A_472 : memref<!tpu.dma_semaphore, #tpu.memory_space<semaphore_mem>>)
      %dma_wait3A_477 = arith.constant 0 : i32
      %dma_wait3A_478 = tpu.memref_slice %arg4[%mul3A_2, %dma_wait3A_477] : memref<256x8xi32, #tpu.memory_space<hbm>> -> memref<8x8xi32, #tpu.memory_space<hbm>>
      %dma_wait3A_479 = arith.constant 0 : i32
      %dma_wait3A_480 = tpu.memref_slice %arg4[%mul3A_2, %dma_wait3A_479] : memref<256x8xi32, #tpu.memory_space<hbm>> -> memref<8x8xi32, #tpu.memory_space<hbm>>
      tpu.wait_dma2 semaphore(%run_scoped3A_472 : memref<!tpu.dma_semaphore, #tpu.memory_space<semaphore_mem>>) src(%dma_wait3A_480 : memref<8x8xi32, #tpu.memory_space<hbm>>) dst(%arg8 : memref<8x8xi32, #tpu.memory_space<vmem>>)
      tpu.yield
    }) : () -> ()
    %dma_start3A = arith.constant 0 : i32
    %dma_start3A_3 = arith.constant 0 : i32
    %dma_start3A_4 = arith.constant 0 : i32
    %dma_start3A_5 = arith.constant 0 : i32
    %dma_start3A_6 = arith.constant 0 : i32
    %dma_start3A_7 = tpu.memref_slice %arg9[%dma_start3A_3, %dma_start3A_4, %dma_start3A_5, %dma_start3A_6] : memref<2x8x8x768xf32, #tpu.memory_space<vmem>> -> memref<1x8x8x768xf32, #tpu.memory_space<vmem>>
    %dma_start3A_8 = tpu.memref_squeeze %dma_start3A_7 : memref<1x8x8x768xf32, #tpu.memory_space<vmem>> -> memref<8x8x768xf32, #tpu.memory_space<vmem>>
    %dma_start3A_9 = arith.constant 0 : i32
    %dma_start3A_10 = tpu.memref_slice %arg8[%dma_start3A, %dma_start3A_9] : memref<8x8xi32, #tpu.memory_space<vmem>> -> memref<1x8xi32, #tpu.memory_space<vmem>>
    %dma_start3A_11 = tpu.memref_squeeze %dma_start3A_10 : memref<1x8xi32, #tpu.memory_space<vmem>> -> memref<8xi32, #tpu.memory_space<vmem>>
    %dma_start3A_12 = arith.constant 0 : i32
    %dma_start3A_13 = arith.constant 0 : i32
    %dma_start3A_14 = arith.constant 0 : i32
    %dma_start3A_15 = tpu.memref_slice %arg2[%dma_start3A_12, %dma_start3A_13, %dma_start3A_14] : memref<8192x8x768xf32, #tpu.memory_space<hbm>> -> memref<8192x8x768xf32, #tpu.memory_space<hbm>>
    tpu.enqueue_indirect_dma source(%dma_start3A_15 : memref<8192x8x768xf32, #tpu.memory_space<hbm>>) target(%dma_start3A_8 : memref<8x8x768xf32, #tpu.memory_space<vmem>>) offsets(%dma_start3A_11 : memref<8xi32, #tpu.memory_space<vmem>>) semaphore(%arg11 : memref<!tpu.dma_semaphore, #tpu.memory_space<semaphore_mem>>)
    %dma_start3A_16 = arith.constant 0 : i32
    %dma_start3A_17 = arith.constant 0 : i32
    %dma_start3A_18 = arith.constant 0 : i32
    %dma_start3A_19 = arith.constant 0 : i32
    %dma_start3A_20 = tpu.memref_slice %arg10[%dma_start3A_17, %dma_start3A_18, %dma_start3A_19] : memref<2x8x768xf32, #tpu.memory_space<vmem>> -> memref<1x8x768xf32, #tpu.memory_space<vmem>>
    %dma_start3A_21 = tpu.memref_squeeze %dma_start3A_20 : memref<1x8x768xf32, #tpu.memory_space<vmem>> -> memref<8x768xf32, #tpu.memory_space<vmem>>
    %dma_start3A_22 = arith.constant 0 : i32
    %dma_start3A_23 = tpu.memref_slice %arg8[%dma_start3A_16, %dma_start3A_22] : memref<8x8xi32, #tpu.memory_space<vmem>> -> memref<1x8xi32, #tpu.memory_space<vmem>>
    %dma_start3A_24 = tpu.memref_squeeze %dma_start3A_23 : memref<1x8xi32, #tpu.memory_space<vmem>> -> memref<8xi32, #tpu.memory_space<vmem>>
    %dma_start3A_25 = arith.constant 0 : i32
    %dma_start3A_26 = arith.constant 0 : i32
    %dma_start3A_27 = tpu.memref_slice %arg3[%dma_start3A_25, %dma_start3A_26] : memref<8192x768xf32, #tpu.memory_space<hbm>> -> memref<8192x768xf32, #tpu.memory_space<hbm>>
    tpu.enqueue_indirect_dma source(%dma_start3A_27 : memref<8192x768xf32, #tpu.memory_space<hbm>>) target(%dma_start3A_21 : memref<8x768xf32, #tpu.memory_space<vmem>>) offsets(%dma_start3A_24 : memref<8xi32, #tpu.memory_space<vmem>>) semaphore(%arg13 : memref<!tpu.dma_semaphore, #tpu.memory_space<semaphore_mem>>)
    %dma_start3A_28 = arith.constant 1 : i32
    %dma_start3A_29 = arith.constant 1 : i32
    %dma_start3A_30 = arith.constant 0 : i32
    %dma_start3A_31 = arith.constant 0 : i32
    %dma_start3A_32 = arith.constant 0 : i32
    %dma_start3A_33 = tpu.memref_slice %arg9[%dma_start3A_29, %dma_start3A_30, %dma_start3A_31, %dma_start3A_32] : memref<2x8x8x768xf32, #tpu.memory_space<vmem>> -> memref<1x8x8x768xf32, #tpu.memory_space<vmem>>
    %dma_start3A_34 = tpu.memref_squeeze %dma_start3A_33 : memref<1x8x8x768xf32, #tpu.memory_space<vmem>> -> memref<8x8x768xf32, #tpu.memory_space<vmem>>
    %dma_start3A_35 = arith.constant 0 : i32
    %dma_start3A_36 = tpu.memref_slice %arg8[%dma_start3A_28, %dma_start3A_35] : memref<8x8xi32, #tpu.memory_space<vmem>> -> memref<1x8xi32, #tpu.memory_space<vmem>>
    %dma_start3A_37 = tpu.memref_squeeze %dma_start3A_36 : memref<1x8xi32, #tpu.memory_space<vmem>> -> memref<8xi32, #tpu.memory_space<vmem>>
    %dma_start3A_38 = arith.constant 0 : i32
    %dma_start3A_39 = arith.constant 0 : i32
    %dma_start3A_40 = arith.constant 0 : i32
    %dma_start3A_41 = tpu.memref_slice %arg2[%dma_start3A_38, %dma_start3A_39, %dma_start3A_40] : memref<8192x8x768xf32, #tpu.memory_space<hbm>> -> memref<8192x8x768xf32, #tpu.memory_space<hbm>>
    tpu.enqueue_indirect_dma source(%dma_start3A_41 : memref<8192x8x768xf32, #tpu.memory_space<hbm>>) target(%dma_start3A_34 : memref<8x8x768xf32, #tpu.memory_space<vmem>>) offsets(%dma_start3A_37 : memref<8xi32, #tpu.memory_space<vmem>>) semaphore(%arg12 : memref<!tpu.dma_semaphore, #tpu.memory_space<semaphore_mem>>)
    %dma_start3A_42 = arith.constant 1 : i32
    %dma_start3A_43 = arith.constant 1 : i32
    %dma_start3A_44 = arith.constant 0 : i32
    %dma_start3A_45 = arith.constant 0 : i32
    %dma_start3A_46 = tpu.memref_slice %arg10[%dma_start3A_43, %dma_start3A_44, %dma_start3A_45] : memref<2x8x768xf32, #tpu.memory_space<vmem>> -> memref<1x8x768xf32, #tpu.memory_space<vmem>>
    %dma_start3A_47 = tpu.memref_squeeze %dma_start3A_46 : memref<1x8x768xf32, #tpu.memory_space<vmem>> -> memref<8x768xf32, #tpu.memory_space<vmem>>
    %dma_start3A_48 = arith.constant 0 : i32
    %dma_start3A_49 = tpu.memref_slice %arg8[%dma_start3A_42, %dma_start3A_48] : memref<8x8xi32, #tpu.memory_space<vmem>> -> memref<1x8xi32, #tpu.memory_space<vmem>>
    %dma_start3A_50 = tpu.memref_squeeze %dma_start3A_49 : memref<1x8xi32, #tpu.memory_space<vmem>> -> memref<8xi32, #tpu.memory_space<vmem>>
    %dma_start3A_51 = arith.constant 0 : i32
    %dma_start3A_52 = arith.constant 0 : i32
    %dma_start3A_53 = tpu.memref_slice %arg3[%dma_start3A_51, %dma_start3A_52] : memref<8192x768xf32, #tpu.memory_space<hbm>> -> memref<8192x768xf32, #tpu.memory_space<hbm>>
    tpu.enqueue_indirect_dma source(%dma_start3A_53 : memref<8192x768xf32, #tpu.memory_space<hbm>>) target(%dma_start3A_47 : memref<8x768xf32, #tpu.memory_space<vmem>>) offsets(%dma_start3A_50 : memref<8xi32, #tpu.memory_space<vmem>>) semaphore(%arg14 : memref<!tpu.dma_semaphore, #tpu.memory_space<semaphore_mem>>)
    %dma_wait3A = arith.constant 0 : i32
    %dma_wait3A_54 = arith.constant 0 : i32
    %dma_wait3A_55 = arith.constant 0 : i32
    %dma_wait3A_56 = arith.constant 0 : i32
    %dma_wait3A_57 = arith.constant 0 : i32
    %dma_wait3A_58 = tpu.memref_slice %arg9[%dma_wait3A_54, %dma_wait3A_55, %dma_wait3A_56, %dma_wait3A_57] : memref<2x8x8x768xf32, #tpu.memory_space<vmem>> -> memref<1x8x8x768xf32, #tpu.memory_space<vmem>>
    %dma_wait3A_59 = tpu.memref_squeeze %dma_wait3A_58 : memref<1x8x8x768xf32, #tpu.memory_space<vmem>> -> memref<8x8x768xf32, #tpu.memory_space<vmem>>
    %dma_wait3A_60 = arith.constant 0 : i32
    %dma_wait3A_61 = tpu.memref_slice %arg8[%dma_wait3A, %dma_wait3A_60] : memref<8x8xi32, #tpu.memory_space<vmem>> -> memref<1x8xi32, #tpu.memory_space<vmem>>
    %dma_wait3A_62 = tpu.memref_squeeze %dma_wait3A_61 : memref<1x8xi32, #tpu.memory_space<vmem>> -> memref<8xi32, #tpu.memory_space<vmem>>
    %dma_wait3A_63 = arith.constant 0 : i32
    %dma_wait3A_64 = arith.constant 0 : i32
    %dma_wait3A_65 = arith.constant 0 : i32
    %dma_wait3A_66 = tpu.memref_slice %arg2[%dma_wait3A_63, %dma_wait3A_64, %dma_wait3A_65] : memref<8192x8x768xf32, #tpu.memory_space<hbm>> -> memref<8192x8x768xf32, #tpu.memory_space<hbm>>
    tpu.wait_indirect_dma semaphore(%arg11 : memref<!tpu.dma_semaphore, #tpu.memory_space<semaphore_mem>>) src(%dma_wait3A_66 : memref<8192x8x768xf32, #tpu.memory_space<hbm>>) dst(%dma_wait3A_59 : memref<8x8x768xf32, #tpu.memory_space<vmem>>)
    %add3A_67 = arith.constant 0 : i32
    %add3A_68 = arith.addi %mul3A_2, %add3A_67 : i32
    %run_scoped3A = arith.constant 0 : i32
    "tpu.region"() ({
      %run_scoped3A_472 = tpu.sem_alloc : memref<!tpu.dma_semaphore, #tpu.memory_space<semaphore_mem>>
      %dma_start3A_473 = arith.constant 0 : i32
      %dma_start3A_474 = arith.constant 0 : i32
      %dma_start3A_475 = arith.constant 0 : i32
      %dma_start3A_476 = tpu.memref_slice %arg9[%run_scoped3A, %dma_start3A_473, %dma_start3A_474, %dma_start3A_475] : memref<2x8x8x768xf32, #tpu.memory_space<vmem>> -> memref<1x8x8x768xf32, #tpu.memory_space<vmem>>
      %dma_start3A_477 = tpu.memref_squeeze %dma_start3A_476 : memref<1x8x8x768xf32, #tpu.memory_space<vmem>> -> memref<8x8x768xf32, #tpu.memory_space<vmem>>
      %dma_start3A_478 = arith.constant 0 : i32
      %dma_start3A_479 = arith.constant 0 : i32
      %dma_start3A_480 = arith.constant 0 : i32
      %dma_start3A_481 = tpu.memref_slice %arg5[%add3A_68, %dma_start3A_478, %dma_start3A_479, %dma_start3A_480] : memref<256x8x8x768xf32, #tpu.memory_space<hbm>> -> memref<1x8x8x768xf32, #tpu.memory_space<hbm>>
      %dma_start3A_482 = tpu.memref_squeeze %dma_start3A_481 : memref<1x8x8x768xf32, #tpu.memory_space<hbm>> -> memref<8x8x768xf32, #tpu.memory_space<hbm>>
      %dma_start3A_483 = arith.constant 0 : i32
      %dma_start3A_484 = arith.constant 0 : i32
      %dma_start3A_485 = arith.constant 0 : i32
      %dma_start3A_486 = tpu.memref_slice %arg5[%add3A_68, %dma_start3A_483, %dma_start3A_484, %dma_start3A_485] : memref<256x8x8x768xf32, #tpu.memory_space<hbm>> -> memref<1x8x8x768xf32, #tpu.memory_space<hbm>>
      %dma_start3A_487 = tpu.memref_squeeze %dma_start3A_486 : memref<1x8x8x768xf32, #tpu.memory_space<hbm>> -> memref<8x8x768xf32, #tpu.memory_space<hbm>>
      %dma_start3A_488 = arith.constant 0 : i32
      %dma_start3A_489 = arith.constant 0 : i32
      %dma_start3A_490 = arith.constant 0 : i32
      %dma_start3A_491 = tpu.memref_slice %arg9[%run_scoped3A, %dma_start3A_488, %dma_start3A_489, %dma_start3A_490] : memref<2x8x8x768xf32, #tpu.memory_space<vmem>> -> memref<1x8x8x768xf32, #tpu.memory_space<vmem>>
      %dma_start3A_492 = tpu.memref_squeeze %dma_start3A_491 : memref<1x8x8x768xf32, #tpu.memory_space<vmem>> -> memref<8x8x768xf32, #tpu.memory_space<vmem>>
      tpu.enqueue_dma source(%dma_start3A_492 : memref<8x8x768xf32, #tpu.memory_space<vmem>>) target(%dma_start3A_487 : memref<8x8x768xf32, #tpu.memory_space<hbm>>) target_semaphore(%run_scoped3A_472 : memref<!tpu.dma_semaphore, #tpu.memory_space<semaphore_mem>>)
      %dma_wait3A_493 = arith.constant 0 : i32
      %dma_wait3A_494 = arith.constant 0 : i32
      %dma_wait3A_495 = arith.constant 0 : i32
      %dma_wait3A_496 = tpu.memref_slice %arg9[%run_scoped3A, %dma_wait3A_493, %dma_wait3A_494, %dma_wait3A_495] : memref<2x8x8x768xf32, #tpu.memory_space<vmem>> -> memref<1x8x8x768xf32, #tpu.memory_space<vmem>>
      %dma_wait3A_497 = tpu.memref_squeeze %dma_wait3A_496 : memref<1x8x8x768xf32, #tpu.memory_space<vmem>> -> memref<8x8x768xf32, #tpu.memory_space<vmem>>
      %dma_wait3A_498 = arith.constant 0 : i32
      %dma_wait3A_499 = arith.constant 0 : i32
      %dma_wait3A_500 = arith.constant 0 : i32
      %dma_wait3A_501 = tpu.memref_slice %arg5[%add3A_68, %dma_wait3A_498, %dma_wait3A_499, %dma_wait3A_500] : memref<256x8x8x768xf32, #tpu.memory_space<hbm>> -> memref<1x8x8x768xf32, #tpu.memory_space<hbm>>
      %dma_wait3A_502 = tpu.memref_squeeze %dma_wait3A_501 : memref<1x8x8x768xf32, #tpu.memory_space<hbm>> -> memref<8x8x768xf32, #tpu.memory_space<hbm>>
      %dma_wait3A_503 = arith.constant 0 : i32
      %dma_wait3A_504 = arith.constant 0 : i32
      %dma_wait3A_505 = arith.constant 0 : i32
      %dma_wait3A_506 = tpu.memref_slice %arg5[%add3A_68, %dma_wait3A_503, %dma_wait3A_504, %dma_wait3A_505] : memref<256x8x8x768xf32, #tpu.memory_space<hbm>> -> memref<1x8x8x768xf32, #tpu.memory_space<hbm>>
      %dma_wait3A_507 = tpu.memref_squeeze %dma_wait3A_506 : memref<1x8x8x768xf32, #tpu.memory_space<hbm>> -> memref<8x8x768xf32, #tpu.memory_space<hbm>>
      %dma_wait3A_508 = arith.constant 0 : i32
      %dma_wait3A_509 = arith.constant 0 : i32
      %dma_wait3A_510 = arith.constant 0 : i32
      %dma_wait3A_511 = tpu.memref_slice %arg9[%run_scoped3A, %dma_wait3A_508, %dma_wait3A_509, %dma_wait3A_510] : memref<2x8x8x768xf32, #tpu.memory_space<vmem>> -> memref<1x8x8x768xf32, #tpu.memory_space<vmem>>
      %dma_wait3A_512 = tpu.memref_squeeze %dma_wait3A_511 : memref<1x8x8x768xf32, #tpu.memory_space<vmem>> -> memref<8x8x768xf32, #tpu.memory_space<vmem>>
      tpu.wait_dma2 semaphore(%run_scoped3A_472 : memref<!tpu.dma_semaphore, #tpu.memory_space<semaphore_mem>>) src(%dma_wait3A_512 : memref<8x8x768xf32, #tpu.memory_space<vmem>>) dst(%dma_wait3A_507 : memref<8x8x768xf32, #tpu.memory_space<hbm>>)
      tpu.yield
    }) : () -> ()
    %mul3A_69 = arith.constant 8 : i32
    %mul3A_70 = arith.muli %add3A_68, %mul3A_69 : i32
    %run_scoped3A_71 = arith.constant 0 : i32
    "tpu.region"() ({
      %run_scoped3A_472 = tpu.sem_alloc : memref<!tpu.dma_semaphore, #tpu.memory_space<semaphore_mem>>
      %dma_start3A_473 = arith.constant 0 : i32
      %dma_start3A_474 = arith.constant 0 : i32
      %dma_start3A_475 = arith.constant 0 : i32
      %dma_start3A_476 = tpu.memref_slice %arg9[%run_scoped3A_71, %dma_start3A_473, %dma_start3A_474, %dma_start3A_475] : memref<2x8x8x768xf32, #tpu.memory_space<vmem>> -> memref<1x8x8x768xf32, #tpu.memory_space<vmem>>
      %dma_start3A_477 = tpu.memref_squeeze %dma_start3A_476 : memref<1x8x8x768xf32, #tpu.memory_space<vmem>> -> memref<8x8x768xf32, #tpu.memory_space<vmem>>
      %dma_start3A_478 = arith.constant 0 : i32
      %dma_start3A_479 = arith.constant 0 : i32
      %dma_start3A_480 = tpu.memref_slice %arg6[%mul3A_70, %dma_start3A_478, %dma_start3A_479] : memref<2048x8x768xf32, #tpu.memory_space<hbm>> -> memref<8x8x768xf32, #tpu.memory_space<hbm>>
      %dma_start3A_481 = arith.constant 0 : i32
      %dma_start3A_482 = arith.constant 0 : i32
      %dma_start3A_483 = tpu.memref_slice %arg6[%mul3A_70, %dma_start3A_481, %dma_start3A_482] : memref<2048x8x768xf32, #tpu.memory_space<hbm>> -> memref<8x8x768xf32, #tpu.memory_space<hbm>>
      %dma_start3A_484 = arith.constant 0 : i32
      %dma_start3A_485 = arith.constant 0 : i32
      %dma_start3A_486 = arith.constant 0 : i32
      %dma_start3A_487 = tpu.memref_slice %arg9[%run_scoped3A_71, %dma_start3A_484, %dma_start3A_485, %dma_start3A_486] : memref<2x8x8x768xf32, #tpu.memory_space<vmem>> -> memref<1x8x8x768xf32, #tpu.memory_space<vmem>>
      %dma_start3A_488 = tpu.memref_squeeze %dma_start3A_487 : memref<1x8x8x768xf32, #tpu.memory_space<vmem>> -> memref<8x8x768xf32, #tpu.memory_space<vmem>>
      tpu.enqueue_dma source(%dma_start3A_488 : memref<8x8x768xf32, #tpu.memory_space<vmem>>) target(%dma_start3A_483 : memref<8x8x768xf32, #tpu.memory_space<hbm>>) target_semaphore(%run_scoped3A_472 : memref<!tpu.dma_semaphore, #tpu.memory_space<semaphore_mem>>)
      %dma_wait3A_489 = arith.constant 0 : i32
      %dma_wait3A_490 = arith.constant 0 : i32
      %dma_wait3A_491 = arith.constant 0 : i32
      %dma_wait3A_492 = tpu.memref_slice %arg9[%run_scoped3A_71, %dma_wait3A_489, %dma_wait3A_490, %dma_wait3A_491] : memref<2x8x8x768xf32, #tpu.memory_space<vmem>> -> memref<1x8x8x768xf32, #tpu.memory_space<vmem>>
      %dma_wait3A_493 = tpu.memref_squeeze %dma_wait3A_492 : memref<1x8x8x768xf32, #tpu.memory_space<vmem>> -> memref<8x8x768xf32, #tpu.memory_space<vmem>>
      %dma_wait3A_494 = arith.constant 0 : i32
      %dma_wait3A_495 = arith.constant 0 : i32
      %dma_wait3A_496 = tpu.memref_slice %arg6[%mul3A_70, %dma_wait3A_494, %dma_wait3A_495] : memref<2048x8x768xf32, #tpu.memory_space<hbm>> -> memref<8x8x768xf32, #tpu.memory_space<hbm>>
      %dma_wait3A_497 = arith.constant 0 : i32
      %dma_wait3A_498 = arith.constant 0 : i32
      %dma_wait3A_499 = tpu.memref_slice %arg6[%mul3A_70, %dma_wait3A_497, %dma_wait3A_498] : memref<2048x8x768xf32, #tpu.memory_space<hbm>> -> memref<8x8x768xf32, #tpu.memory_space<hbm>>
      %dma_wait3A_500 = arith.constant 0 : i32
      %dma_wait3A_501 = arith.constant 0 : i32
      %dma_wait3A_502 = arith.constant 0 : i32
      %dma_wait3A_503 = tpu.memref_slice %arg9[%run_scoped3A_71, %dma_wait3A_500, %dma_wait3A_501, %dma_wait3A_502] : memref<2x8x8x768xf32, #tpu.memory_space<vmem>> -> memref<1x8x8x768xf32, #tpu.memory_space<vmem>>
      %dma_wait3A_504 = tpu.memref_squeeze %dma_wait3A_503 : memref<1x8x8x768xf32, #tpu.memory_space<vmem>> -> memref<8x8x768xf32, #tpu.memory_space<vmem>>
      tpu.wait_dma2 semaphore(%run_scoped3A_472 : memref<!tpu.dma_semaphore, #tpu.memory_space<semaphore_mem>>) src(%dma_wait3A_504 : memref<8x8x768xf32, #tpu.memory_space<vmem>>) dst(%dma_wait3A_499 : memref<8x8x768xf32, #tpu.memory_space<hbm>>)
      tpu.yield
    }) : () -> ()
    %dma_wait3A_72 = arith.constant 0 : i32
    %dma_wait3A_73 = arith.constant 0 : i32
    %dma_wait3A_74 = arith.constant 0 : i32
    %dma_wait3A_75 = arith.constant 0 : i32
    %dma_wait3A_76 = tpu.memref_slice %arg10[%dma_wait3A_73, %dma_wait3A_74, %dma_wait3A_75] : memref<2x8x768xf32, #tpu.memory_space<vmem>> -> memref<1x8x768xf32, #tpu.memory_space<vmem>>
    %dma_wait3A_77 = tpu.memref_squeeze %dma_wait3A_76 : memref<1x8x768xf32, #tpu.memory_space<vmem>> -> memref<8x768xf32, #tpu.memory_space<vmem>>
    %dma_wait3A_78 = arith.constant 0 : i32
    %dma_wait3A_79 = tpu.memref_slice %arg8[%dma_wait3A_72, %dma_wait3A_78] : memref<8x8xi32, #tpu.memory_space<vmem>> -> memref<1x8xi32, #tpu.memory_space<vmem>>
    %dma_wait3A_80 = tpu.memref_squeeze %dma_wait3A_79 : memref<1x8xi32, #tpu.memory_space<vmem>> -> memref<8xi32, #tpu.memory_space<vmem>>
    %dma_wait3A_81 = arith.constant 0 : i32
    %dma_wait3A_82 = arith.constant 0 : i32
    %dma_wait3A_83 = tpu.memref_slice %arg3[%dma_wait3A_81, %dma_wait3A_82] : memref<8192x768xf32, #tpu.memory_space<hbm>> -> memref<8192x768xf32, #tpu.memory_space<hbm>>
    tpu.wait_indirect_dma semaphore(%arg13 : memref<!tpu.dma_semaphore, #tpu.memory_space<semaphore_mem>>) src(%dma_wait3A_83 : memref<8192x768xf32, #tpu.memory_space<hbm>>) dst(%dma_wait3A_77 : memref<8x768xf32, #tpu.memory_space<vmem>>)
    %run_scoped3A_84 = arith.constant 0 : i32
    "tpu.region"() ({
      %run_scoped3A_472 = tpu.sem_alloc : memref<!tpu.dma_semaphore, #tpu.memory_space<semaphore_mem>>
      %dma_start3A_473 = arith.constant 0 : i32
      %dma_start3A_474 = arith.constant 0 : i32
      %dma_start3A_475 = tpu.memref_slice %arg10[%run_scoped3A_84, %dma_start3A_473, %dma_start3A_474] : memref<2x8x768xf32, #tpu.memory_space<vmem>> -> memref<1x8x768xf32, #tpu.memory_space<vmem>>
      %dma_start3A_476 = tpu.memref_squeeze %dma_start3A_475 : memref<1x8x768xf32, #tpu.memory_space<vmem>> -> memref<8x768xf32, #tpu.memory_space<vmem>>
      %dma_start3A_477 = arith.constant 0 : i32
      %dma_start3A_478 = arith.constant 0 : i32
      %dma_start3A_479 = tpu.memref_slice %arg7[%add3A_68, %dma_start3A_477, %dma_start3A_478] : memref<256x8x768xf32, #tpu.memory_space<hbm>> -> memref<1x8x768xf32, #tpu.memory_space<hbm>>
      %dma_start3A_480 = tpu.memref_squeeze %dma_start3A_479 : memref<1x8x768xf32, #tpu.memory_space<hbm>> -> memref<8x768xf32, #tpu.memory_space<hbm>>
      %dma_start3A_481 = arith.constant 0 : i32
      %dma_start3A_482 = arith.constant 0 : i32
      %dma_start3A_483 = tpu.memref_slice %arg7[%add3A_68, %dma_start3A_481, %dma_start3A_482] : memref<256x8x768xf32, #tpu.memory_space<hbm>> -> memref<1x8x768xf32, #tpu.memory_space<hbm>>
      %dma_start3A_484 = tpu.memref_squeeze %dma_start3A_483 : memref<1x8x768xf32, #tpu.memory_space<hbm>> -> memref<8x768xf32, #tpu.memory_space<hbm>>
      %dma_start3A_485 = arith.constant 0 : i32
      %dma_start3A_486 = arith.constant 0 : i32
      %dma_start3A_487 = tpu.memref_slice %arg10[%run_scoped3A_84, %dma_start3A_485, %dma_start3A_486] : memref<2x8x768xf32, #tpu.memory_space<vmem>> -> memref<1x8x768xf32, #tpu.memory_space<vmem>>
      %dma_start3A_488 = tpu.memref_squeeze %dma_start3A_487 : memref<1x8x768xf32, #tpu.memory_space<vmem>> -> memref<8x768xf32, #tpu.memory_space<vmem>>
      tpu.enqueue_dma source(%dma_start3A_488 : memref<8x768xf32, #tpu.memory_space<vmem>>) target(%dma_start3A_484 : memref<8x768xf32, #tpu.memory_space<hbm>>) target_semaphore(%run_scoped3A_472 : memref<!tpu.dma_semaphore, #tpu.memory_space<semaphore_mem>>)
      %dma_wait3A_489 = arith.constant 0 : i32
      %dma_wait3A_490 = arith.constant 0 : i32
      %dma_wait3A_491 = tpu.memref_slice %arg10[%run_scoped3A_84, %dma_wait3A_489, %dma_wait3A_490] : memref<2x8x768xf32, #tpu.memory_space<vmem>> -> memref<1x8x768xf32, #tpu.memory_space<vmem>>
      %dma_wait3A_492 = tpu.memref_squeeze %dma_wait3A_491 : memref<1x8x768xf32, #tpu.memory_space<vmem>> -> memref<8x768xf32, #tpu.memory_space<vmem>>
      %dma_wait3A_493 = arith.constant 0 : i32
      %dma_wait3A_494 = arith.constant 0 : i32
      %dma_wait3A_495 = tpu.memref_slice %arg7[%add3A_68, %dma_wait3A_493, %dma_wait3A_494] : memref<256x8x768xf32, #tpu.memory_space<hbm>> -> memref<1x8x768xf32, #tpu.memory_space<hbm>>
      %dma_wait3A_496 = tpu.memref_squeeze %dma_wait3A_495 : memref<1x8x768xf32, #tpu.memory_space<hbm>> -> memref<8x768xf32, #tpu.memory_space<hbm>>
      %dma_wait3A_497 = arith.constant 0 : i32
      %dma_wait3A_498 = arith.constant 0 : i32
      %dma_wait3A_499 = tpu.memref_slice %arg7[%add3A_68, %dma_wait3A_497, %dma_wait3A_498] : memref<256x8x768xf32, #tpu.memory_space<hbm>> -> memref<1x8x768xf32, #tpu.memory_space<hbm>>
      %dma_wait3A_500 = tpu.memref_squeeze %dma_wait3A_499 : memref<1x8x768xf32, #tpu.memory_space<hbm>> -> memref<8x768xf32, #tpu.memory_space<hbm>>
      %dma_wait3A_501 = arith.constant 0 : i32
      %dma_wait3A_502 = arith.constant 0 : i32
      %dma_wait3A_503 = tpu.memref_slice %arg10[%run_scoped3A_84, %dma_wait3A_501, %dma_wait3A_502] : memref<2x8x768xf32, #tpu.memory_space<vmem>> -> memref<1x8x768xf32, #tpu.memory_space<vmem>>
      %dma_wait3A_504 = tpu.memref_squeeze %dma_wait3A_503 : memref<1x8x768xf32, #tpu.memory_space<vmem>> -> memref<8x768xf32, #tpu.memory_space<vmem>>
      tpu.wait_dma2 semaphore(%run_scoped3A_472 : memref<!tpu.dma_semaphore, #tpu.memory_space<semaphore_mem>>) src(%dma_wait3A_504 : memref<8x768xf32, #tpu.memory_space<vmem>>) dst(%dma_wait3A_500 : memref<8x768xf32, #tpu.memory_space<hbm>>)
      tpu.yield
    }) : () -> ()
    %dma_start3A_85 = arith.constant 2 : i32
    %dma_start3A_86 = arith.constant 0 : i32
    %dma_start3A_87 = arith.constant 0 : i32
    %dma_start3A_88 = arith.constant 0 : i32
    %dma_start3A_89 = arith.constant 0 : i32
    %dma_start3A_90 = tpu.memref_slice %arg9[%dma_start3A_86, %dma_start3A_87, %dma_start3A_88, %dma_start3A_89] : memref<2x8x8x768xf32, #tpu.memory_space<vmem>> -> memref<1x8x8x768xf32, #tpu.memory_space<vmem>>
    %dma_start3A_91 = tpu.memref_squeeze %dma_start3A_90 : memref<1x8x8x768xf32, #tpu.memory_space<vmem>> -> memref<8x8x768xf32, #tpu.memory_space<vmem>>
    %dma_start3A_92 = arith.constant 0 : i32
    %dma_start3A_93 = tpu.memref_slice %arg8[%dma_start3A_85, %dma_start3A_92] : memref<8x8xi32, #tpu.memory_space<vmem>> -> memref<1x8xi32, #tpu.memory_space<vmem>>
    %dma_start3A_94 = tpu.memref_squeeze %dma_start3A_93 : memref<1x8xi32, #tpu.memory_space<vmem>> -> memref<8xi32, #tpu.memory_space<vmem>>
    %dma_start3A_95 = arith.constant 0 : i32
    %dma_start3A_96 = arith.constant 0 : i32
    %dma_start3A_97 = arith.constant 0 : i32
    %dma_start3A_98 = tpu.memref_slice %arg2[%dma_start3A_95, %dma_start3A_96, %dma_start3A_97] : memref<8192x8x768xf32, #tpu.memory_space<hbm>> -> memref<8192x8x768xf32, #tpu.memory_space<hbm>>
    tpu.enqueue_indirect_dma source(%dma_start3A_98 : memref<8192x8x768xf32, #tpu.memory_space<hbm>>) target(%dma_start3A_91 : memref<8x8x768xf32, #tpu.memory_space<vmem>>) offsets(%dma_start3A_94 : memref<8xi32, #tpu.memory_space<vmem>>) semaphore(%arg11 : memref<!tpu.dma_semaphore, #tpu.memory_space<semaphore_mem>>)
    %dma_start3A_99 = arith.constant 2 : i32
    %dma_start3A_100 = arith.constant 0 : i32
    %dma_start3A_101 = arith.constant 0 : i32
    %dma_start3A_102 = arith.constant 0 : i32
    %dma_start3A_103 = tpu.memref_slice %arg10[%dma_start3A_100, %dma_start3A_101, %dma_start3A_102] : memref<2x8x768xf32, #tpu.memory_space<vmem>> -> memref<1x8x768xf32, #tpu.memory_space<vmem>>
    %dma_start3A_104 = tpu.memref_squeeze %dma_start3A_103 : memref<1x8x768xf32, #tpu.memory_space<vmem>> -> memref<8x768xf32, #tpu.memory_space<vmem>>
    %dma_start3A_105 = arith.constant 0 : i32
    %dma_start3A_106 = tpu.memref_slice %arg8[%dma_start3A_99, %dma_start3A_105] : memref<8x8xi32, #tpu.memory_space<vmem>> -> memref<1x8xi32, #tpu.memory_space<vmem>>
    %dma_start3A_107 = tpu.memref_squeeze %dma_start3A_106 : memref<1x8xi32, #tpu.memory_space<vmem>> -> memref<8xi32, #tpu.memory_space<vmem>>
    %dma_start3A_108 = arith.constant 0 : i32
    %dma_start3A_109 = arith.constant 0 : i32
    %dma_start3A_110 = tpu.memref_slice %arg3[%dma_start3A_108, %dma_start3A_109] : memref<8192x768xf32, #tpu.memory_space<hbm>> -> memref<8192x768xf32, #tpu.memory_space<hbm>>
    tpu.enqueue_indirect_dma source(%dma_start3A_110 : memref<8192x768xf32, #tpu.memory_space<hbm>>) target(%dma_start3A_104 : memref<8x768xf32, #tpu.memory_space<vmem>>) offsets(%dma_start3A_107 : memref<8xi32, #tpu.memory_space<vmem>>) semaphore(%arg13 : memref<!tpu.dma_semaphore, #tpu.memory_space<semaphore_mem>>)
    %dma_wait3A_111 = arith.constant 1 : i32
    %dma_wait3A_112 = arith.constant 1 : i32
    %dma_wait3A_113 = arith.constant 0 : i32
    %dma_wait3A_114 = arith.constant 0 : i32
    %dma_wait3A_115 = arith.constant 0 : i32
    %dma_wait3A_116 = tpu.memref_slice %arg9[%dma_wait3A_112, %dma_wait3A_113, %dma_wait3A_114, %dma_wait3A_115] : memref<2x8x8x768xf32, #tpu.memory_space<vmem>> -> memref<1x8x8x768xf32, #tpu.memory_space<vmem>>
    %dma_wait3A_117 = tpu.memref_squeeze %dma_wait3A_116 : memref<1x8x8x768xf32, #tpu.memory_space<vmem>> -> memref<8x8x768xf32, #tpu.memory_space<vmem>>
    %dma_wait3A_118 = arith.constant 0 : i32
    %dma_wait3A_119 = tpu.memref_slice %arg8[%dma_wait3A_111, %dma_wait3A_118] : memref<8x8xi32, #tpu.memory_space<vmem>> -> memref<1x8xi32, #tpu.memory_space<vmem>>
    %dma_wait3A_120 = tpu.memref_squeeze %dma_wait3A_119 : memref<1x8xi32, #tpu.memory_space<vmem>> -> memref<8xi32, #tpu.memory_space<vmem>>
    %dma_wait3A_121 = arith.constant 0 : i32
    %dma_wait3A_122 = arith.constant 0 : i32
    %dma_wait3A_123 = arith.constant 0 : i32
    %dma_wait3A_124 = tpu.memref_slice %arg2[%dma_wait3A_121, %dma_wait3A_122, %dma_wait3A_123] : memref<8192x8x768xf32, #tpu.memory_space<hbm>> -> memref<8192x8x768xf32, #tpu.memory_space<hbm>>
    tpu.wait_indirect_dma semaphore(%arg12 : memref<!tpu.dma_semaphore, #tpu.memory_space<semaphore_mem>>) src(%dma_wait3A_124 : memref<8192x8x768xf32, #tpu.memory_space<hbm>>) dst(%dma_wait3A_117 : memref<8x8x768xf32, #tpu.memory_space<vmem>>)
    %add3A_125 = arith.constant 1 : i32
    %add3A_126 = arith.addi %mul3A_2, %add3A_125 : i32
    %run_scoped3A_127 = arith.constant 1 : i32
    "tpu.region"() ({
      %run_scoped3A_472 = tpu.sem_alloc : memref<!tpu.dma_semaphore, #tpu.memory_space<semaphore_mem>>
      %dma_start3A_473 = arith.constant 0 : i32
      %dma_start3A_474 = arith.constant 0 : i32
      %dma_start3A_475 = arith.constant 0 : i32
      %dma_start3A_476 = tpu.memref_slice %arg9[%run_scoped3A_127, %dma_start3A_473, %dma_start3A_474, %dma_start3A_475] : memref<2x8x8x768xf32, #tpu.memory_space<vmem>> -> memref<1x8x8x768xf32, #tpu.memory_space<vmem>>
      %dma_start3A_477 = tpu.memref_squeeze %dma_start3A_476 : memref<1x8x8x768xf32, #tpu.memory_space<vmem>> -> memref<8x8x768xf32, #tpu.memory_space<vmem>>
      %dma_start3A_478 = arith.constant 0 : i32
      %dma_start3A_479 = arith.constant 0 : i32
      %dma_start3A_480 = arith.constant 0 : i32
      %dma_start3A_481 = tpu.memref_slice %arg5[%add3A_126, %dma_start3A_478, %dma_start3A_479, %dma_start3A_480] : memref<256x8x8x768xf32, #tpu.memory_space<hbm>> -> memref<1x8x8x768xf32, #tpu.memory_space<hbm>>
      %dma_start3A_482 = tpu.memref_squeeze %dma_start3A_481 : memref<1x8x8x768xf32, #tpu.memory_space<hbm>> -> memref<8x8x768xf32, #tpu.memory_space<hbm>>
      %dma_start3A_483 = arith.constant 0 : i32
      %dma_start3A_484 = arith.constant 0 : i32
      %dma_start3A_485 = arith.constant 0 : i32
      %dma_start3A_486 = tpu.memref_slice %arg5[%add3A_126, %dma_start3A_483, %dma_start3A_484, %dma_start3A_485] : memref<256x8x8x768xf32, #tpu.memory_space<hbm>> -> memref<1x8x8x768xf32, #tpu.memory_space<hbm>>
      %dma_start3A_487 = tpu.memref_squeeze %dma_start3A_486 : memref<1x8x8x768xf32, #tpu.memory_space<hbm>> -> memref<8x8x768xf32, #tpu.memory_space<hbm>>
      %dma_start3A_488 = arith.constant 0 : i32
      %dma_start3A_489 = arith.constant 0 : i32
      %dma_start3A_490 = arith.constant 0 : i32
      %dma_start3A_491 = tpu.memref_slice %arg9[%run_scoped3A_127, %dma_start3A_488, %dma_start3A_489, %dma_start3A_490] : memref<2x8x8x768xf32, #tpu.memory_space<vmem>> -> memref<1x8x8x768xf32, #tpu.memory_space<vmem>>
      %dma_start3A_492 = tpu.memref_squeeze %dma_start3A_491 : memref<1x8x8x768xf32, #tpu.memory_space<vmem>> -> memref<8x8x768xf32, #tpu.memory_space<vmem>>
      tpu.enqueue_dma source(%dma_start3A_492 : memref<8x8x768xf32, #tpu.memory_space<vmem>>) target(%dma_start3A_487 : memref<8x8x768xf32, #tpu.memory_space<hbm>>) target_semaphore(%run_scoped3A_472 : memref<!tpu.dma_semaphore, #tpu.memory_space<semaphore_mem>>)
      %dma_wait3A_493 = arith.constant 0 : i32
      %dma_wait3A_494 = arith.constant 0 : i32
      %dma_wait3A_495 = arith.constant 0 : i32
      %dma_wait3A_496 = tpu.memref_slice %arg9[%run_scoped3A_127, %dma_wait3A_493, %dma_wait3A_494, %dma_wait3A_495] : memref<2x8x8x768xf32, #tpu.memory_space<vmem>> -> memref<1x8x8x768xf32, #tpu.memory_space<vmem>>
      %dma_wait3A_497 = tpu.memref_squeeze %dma_wait3A_496 : memref<1x8x8x768xf32, #tpu.memory_space<vmem>> -> memref<8x8x768xf32, #tpu.memory_space<vmem>>
      %dma_wait3A_498 = arith.constant 0 : i32
      %dma_wait3A_499 = arith.constant 0 : i32
      %dma_wait3A_500 = arith.constant 0 : i32
      %dma_wait3A_501 = tpu.memref_slice %arg5[%add3A_126, %dma_wait3A_498, %dma_wait3A_499, %dma_wait3A_500] : memref<256x8x8x768xf32, #tpu.memory_space<hbm>> -> memref<1x8x8x768xf32, #tpu.memory_space<hbm>>
      %dma_wait3A_502 = tpu.memref_squeeze %dma_wait3A_501 : memref<1x8x8x768xf32, #tpu.memory_space<hbm>> -> memref<8x8x768xf32, #tpu.memory_space<hbm>>
      %dma_wait3A_503 = arith.constant 0 : i32
      %dma_wait3A_504 = arith.constant 0 : i32
      %dma_wait3A_505 = arith.constant 0 : i32
      %dma_wait3A_506 = tpu.memref_slice %arg5[%add3A_126, %dma_wait3A_503, %dma_wait3A_504, %dma_wait3A_505] : memref<256x8x8x768xf32, #tpu.memory_space<hbm>> -> memref<1x8x8x768xf32, #tpu.memory_space<hbm>>
      %dma_wait3A_507 = tpu.memref_squeeze %dma_wait3A_506 : memref<1x8x8x768xf32, #tpu.memory_space<hbm>> -> memref<8x8x768xf32, #tpu.memory_space<hbm>>
      %dma_wait3A_508 = arith.constant 0 : i32
      %dma_wait3A_509 = arith.constant 0 : i32
      %dma_wait3A_510 = arith.constant 0 : i32
      %dma_wait3A_511 = tpu.memref_slice %arg9[%run_scoped3A_127, %dma_wait3A_508, %dma_wait3A_509, %dma_wait3A_510] : memref<2x8x8x768xf32, #tpu.memory_space<vmem>> -> memref<1x8x8x768xf32, #tpu.memory_space<vmem>>
      %dma_wait3A_512 = tpu.memref_squeeze %dma_wait3A_511 : memref<1x8x8x768xf32, #tpu.memory_space<vmem>> -> memref<8x8x768xf32, #tpu.memory_space<vmem>>
      tpu.wait_dma2 semaphore(%run_scoped3A_472 : memref<!tpu.dma_semaphore, #tpu.memory_space<semaphore_mem>>) src(%dma_wait3A_512 : memref<8x8x768xf32, #tpu.memory_space<vmem>>) dst(%dma_wait3A_507 : memref<8x8x768xf32, #tpu.memory_space<hbm>>)
      tpu.yield
    }) : () -> ()
    %mul3A_128 = arith.constant 8 : i32
    %mul3A_129 = arith.muli %add3A_126, %mul3A_128 : i32
    %run_scoped3A_130 = arith.constant 1 : i32
    "tpu.region"() ({
      %run_scoped3A_472 = tpu.sem_alloc : memref<!tpu.dma_semaphore, #tpu.memory_space<semaphore_mem>>
      %dma_start3A_473 = arith.constant 0 : i32
      %dma_start3A_474 = arith.constant 0 : i32
      %dma_start3A_475 = arith.constant 0 : i32
      %dma_start3A_476 = tpu.memref_slice %arg9[%run_scoped3A_130, %dma_start3A_473, %dma_start3A_474, %dma_start3A_475] : memref<2x8x8x768xf32, #tpu.memory_space<vmem>> -> memref<1x8x8x768xf32, #tpu.memory_space<vmem>>
      %dma_start3A_477 = tpu.memref_squeeze %dma_start3A_476 : memref<1x8x8x768xf32, #tpu.memory_space<vmem>> -> memref<8x8x768xf32, #tpu.memory_space<vmem>>
      %dma_start3A_478 = arith.constant 0 : i32
      %dma_start3A_479 = arith.constant 0 : i32
      %dma_start3A_480 = tpu.memref_slice %arg6[%mul3A_129, %dma_start3A_478, %dma_start3A_479] : memref<2048x8x768xf32, #tpu.memory_space<hbm>> -> memref<8x8x768xf32, #tpu.memory_space<hbm>>
      %dma_start3A_481 = arith.constant 0 : i32
      %dma_start3A_482 = arith.constant 0 : i32
      %dma_start3A_483 = tpu.memref_slice %arg6[%mul3A_129, %dma_start3A_481, %dma_start3A_482] : memref<2048x8x768xf32, #tpu.memory_space<hbm>> -> memref<8x8x768xf32, #tpu.memory_space<hbm>>
      %dma_start3A_484 = arith.constant 0 : i32
      %dma_start3A_485 = arith.constant 0 : i32
      %dma_start3A_486 = arith.constant 0 : i32
      %dma_start3A_487 = tpu.memref_slice %arg9[%run_scoped3A_130, %dma_start3A_484, %dma_start3A_485, %dma_start3A_486] : memref<2x8x8x768xf32, #tpu.memory_space<vmem>> -> memref<1x8x8x768xf32, #tpu.memory_space<vmem>>
      %dma_start3A_488 = tpu.memref_squeeze %dma_start3A_487 : memref<1x8x8x768xf32, #tpu.memory_space<vmem>> -> memref<8x8x768xf32, #tpu.memory_space<vmem>>
      tpu.enqueue_dma source(%dma_start3A_488 : memref<8x8x768xf32, #tpu.memory_space<vmem>>) target(%dma_start3A_483 : memref<8x8x768xf32, #tpu.memory_space<hbm>>) target_semaphore(%run_scoped3A_472 : memref<!tpu.dma_semaphore, #tpu.memory_space<semaphore_mem>>)
      %dma_wait3A_489 = arith.constant 0 : i32
      %dma_wait3A_490 = arith.constant 0 : i32
      %dma_wait3A_491 = arith.constant 0 : i32
      %dma_wait3A_492 = tpu.memref_slice %arg9[%run_scoped3A_130, %dma_wait3A_489, %dma_wait3A_490, %dma_wait3A_491] : memref<2x8x8x768xf32, #tpu.memory_space<vmem>> -> memref<1x8x8x768xf32, #tpu.memory_space<vmem>>
      %dma_wait3A_493 = tpu.memref_squeeze %dma_wait3A_492 : memref<1x8x8x768xf32, #tpu.memory_space<vmem>> -> memref<8x8x768xf32, #tpu.memory_space<vmem>>
      %dma_wait3A_494 = arith.constant 0 : i32
      %dma_wait3A_495 = arith.constant 0 : i32
      %dma_wait3A_496 = tpu.memref_slice %arg6[%mul3A_129, %dma_wait3A_494, %dma_wait3A_495] : memref<2048x8x768xf32, #tpu.memory_space<hbm>> -> memref<8x8x768xf32, #tpu.memory_space<hbm>>
      %dma_wait3A_497 = arith.constant 0 : i32
      %dma_wait3A_498 = arith.constant 0 : i32
      %dma_wait3A_499 = tpu.memref_slice %arg6[%mul3A_129, %dma_wait3A_497, %dma_wait3A_498] : memref<2048x8x768xf32, #tpu.memory_space<hbm>> -> memref<8x8x768xf32, #tpu.memory_space<hbm>>
      %dma_wait3A_500 = arith.constant 0 : i32
      %dma_wait3A_501 = arith.constant 0 : i32
      %dma_wait3A_502 = arith.constant 0 : i32
      %dma_wait3A_503 = tpu.memref_slice %arg9[%run_scoped3A_130, %dma_wait3A_500, %dma_wait3A_501, %dma_wait3A_502] : memref<2x8x8x768xf32, #tpu.memory_space<vmem>> -> memref<1x8x8x768xf32, #tpu.memory_space<vmem>>
      %dma_wait3A_504 = tpu.memref_squeeze %dma_wait3A_503 : memref<1x8x8x768xf32, #tpu.memory_space<vmem>> -> memref<8x8x768xf32, #tpu.memory_space<vmem>>
      tpu.wait_dma2 semaphore(%run_scoped3A_472 : memref<!tpu.dma_semaphore, #tpu.memory_space<semaphore_mem>>) src(%dma_wait3A_504 : memref<8x8x768xf32, #tpu.memory_space<vmem>>) dst(%dma_wait3A_499 : memref<8x8x768xf32, #tpu.memory_space<hbm>>)
      tpu.yield
    }) : () -> ()
    %dma_wait3A_131 = arith.constant 1 : i32
    %dma_wait3A_132 = arith.constant 1 : i32
    %dma_wait3A_133 = arith.constant 0 : i32
    %dma_wait3A_134 = arith.constant 0 : i32
    %dma_wait3A_135 = tpu.memref_slice %arg10[%dma_wait3A_132, %dma_wait3A_133, %dma_wait3A_134] : memref<2x8x768xf32, #tpu.memory_space<vmem>> -> memref<1x8x768xf32, #tpu.memory_space<vmem>>
    %dma_wait3A_136 = tpu.memref_squeeze %dma_wait3A_135 : memref<1x8x768xf32, #tpu.memory_space<vmem>> -> memref<8x768xf32, #tpu.memory_space<vmem>>
    %dma_wait3A_137 = arith.constant 0 : i32
    %dma_wait3A_138 = tpu.memref_slice %arg8[%dma_wait3A_131, %dma_wait3A_137] : memref<8x8xi32, #tpu.memory_space<vmem>> -> memref<1x8xi32, #tpu.memory_space<vmem>>
    %dma_wait3A_139 = tpu.memref_squeeze %dma_wait3A_138 : memref<1x8xi32, #tpu.memory_space<vmem>> -> memref<8xi32, #tpu.memory_space<vmem>>
    %dma_wait3A_140 = arith.constant 0 : i32
    %dma_wait3A_141 = arith.constant 0 : i32
    %dma_wait3A_142 = tpu.memref_slice %arg3[%dma_wait3A_140, %dma_wait3A_141] : memref<8192x768xf32, #tpu.memory_space<hbm>> -> memref<8192x768xf32, #tpu.memory_space<hbm>>
    tpu.wait_indirect_dma semaphore(%arg14 : memref<!tpu.dma_semaphore, #tpu.memory_space<semaphore_mem>>) src(%dma_wait3A_142 : memref<8192x768xf32, #tpu.memory_space<hbm>>) dst(%dma_wait3A_136 : memref<8x768xf32, #tpu.memory_space<vmem>>)
    %run_scoped3A_143 = arith.constant 1 : i32
    "tpu.region"() ({
      %run_scoped3A_472 = tpu.sem_alloc : memref<!tpu.dma_semaphore, #tpu.memory_space<semaphore_mem>>
      %dma_start3A_473 = arith.constant 0 : i32
      %dma_start3A_474 = arith.constant 0 : i32
      %dma_start3A_475 = tpu.memref_slice %arg10[%run_scoped3A_143, %dma_start3A_473, %dma_start3A_474] : memref<2x8x768xf32, #tpu.memory_space<vmem>> -> memref<1x8x768xf32, #tpu.memory_space<vmem>>
      %dma_start3A_476 = tpu.memref_squeeze %dma_start3A_475 : memref<1x8x768xf32, #tpu.memory_space<vmem>> -> memref<8x768xf32, #tpu.memory_space<vmem>>
      %dma_start3A_477 = arith.constant 0 : i32
      %dma_start3A_478 = arith.constant 0 : i32
      %dma_start3A_479 = tpu.memref_slice %arg7[%add3A_126, %dma_start3A_477, %dma_start3A_478] : memref<256x8x768xf32, #tpu.memory_space<hbm>> -> memref<1x8x768xf32, #tpu.memory_space<hbm>>
      %dma_start3A_480 = tpu.memref_squeeze %dma_start3A_479 : memref<1x8x768xf32, #tpu.memory_space<hbm>> -> memref<8x768xf32, #tpu.memory_space<hbm>>
      %dma_start3A_481 = arith.constant 0 : i32
      %dma_start3A_482 = arith.constant 0 : i32
      %dma_start3A_483 = tpu.memref_slice %arg7[%add3A_126, %dma_start3A_481, %dma_start3A_482] : memref<256x8x768xf32, #tpu.memory_space<hbm>> -> memref<1x8x768xf32, #tpu.memory_space<hbm>>
      %dma_start3A_484 = tpu.memref_squeeze %dma_start3A_483 : memref<1x8x768xf32, #tpu.memory_space<hbm>> -> memref<8x768xf32, #tpu.memory_space<hbm>>
      %dma_start3A_485 = arith.constant 0 : i32
      %dma_start3A_486 = arith.constant 0 : i32
      %dma_start3A_487 = tpu.memref_slice %arg10[%run_scoped3A_143, %dma_start3A_485, %dma_start3A_486] : memref<2x8x768xf32, #tpu.memory_space<vmem>> -> memref<1x8x768xf32, #tpu.memory_space<vmem>>
      %dma_start3A_488 = tpu.memref_squeeze %dma_start3A_487 : memref<1x8x768xf32, #tpu.memory_space<vmem>> -> memref<8x768xf32, #tpu.memory_space<vmem>>
      tpu.enqueue_dma source(%dma_start3A_488 : memref<8x768xf32, #tpu.memory_space<vmem>>) target(%dma_start3A_484 : memref<8x768xf32, #tpu.memory_space<hbm>>) target_semaphore(%run_scoped3A_472 : memref<!tpu.dma_semaphore, #tpu.memory_space<semaphore_mem>>)
      %dma_wait3A_489 = arith.constant 0 : i32
      %dma_wait3A_490 = arith.constant 0 : i32
      %dma_wait3A_491 = tpu.memref_slice %arg10[%run_scoped3A_143, %dma_wait3A_489, %dma_wait3A_490] : memref<2x8x768xf32, #tpu.memory_space<vmem>> -> memref<1x8x768xf32, #tpu.memory_space<vmem>>
      %dma_wait3A_492 = tpu.memref_squeeze %dma_wait3A_491 : memref<1x8x768xf32, #tpu.memory_space<vmem>> -> memref<8x768xf32, #tpu.memory_space<vmem>>
      %dma_wait3A_493 = arith.constant 0 : i32
      %dma_wait3A_494 = arith.constant 0 : i32
      %dma_wait3A_495 = tpu.memref_slice %arg7[%add3A_126, %dma_wait3A_493, %dma_wait3A_494] : memref<256x8x768xf32, #tpu.memory_space<hbm>> -> memref<1x8x768xf32, #tpu.memory_space<hbm>>
      %dma_wait3A_496 = tpu.memref_squeeze %dma_wait3A_495 : memref<1x8x768xf32, #tpu.memory_space<hbm>> -> memref<8x768xf32, #tpu.memory_space<hbm>>
      %dma_wait3A_497 = arith.constant 0 : i32
      %dma_wait3A_498 = arith.constant 0 : i32
      %dma_wait3A_499 = tpu.memref_slice %arg7[%add3A_126, %dma_wait3A_497, %dma_wait3A_498] : memref<256x8x768xf32, #tpu.memory_space<hbm>> -> memref<1x8x768xf32, #tpu.memory_space<hbm>>
      %dma_wait3A_500 = tpu.memref_squeeze %dma_wait3A_499 : memref<1x8x768xf32, #tpu.memory_space<hbm>> -> memref<8x768xf32, #tpu.memory_space<hbm>>
      %dma_wait3A_501 = arith.constant 0 : i32
      %dma_wait3A_502 = arith.constant 0 : i32
      %dma_wait3A_503 = tpu.memref_slice %arg10[%run_scoped3A_143, %dma_wait3A_501, %dma_wait3A_502] : memref<2x8x768xf32, #tpu.memory_space<vmem>> -> memref<1x8x768xf32, #tpu.memory_space<vmem>>
      %dma_wait3A_504 = tpu.memref_squeeze %dma_wait3A_503 : memref<1x8x768xf32, #tpu.memory_space<vmem>> -> memref<8x768xf32, #tpu.memory_space<vmem>>
      tpu.wait_dma2 semaphore(%run_scoped3A_472 : memref<!tpu.dma_semaphore, #tpu.memory_space<semaphore_mem>>) src(%dma_wait3A_504 : memref<8x768xf32, #tpu.memory_space<vmem>>) dst(%dma_wait3A_500 : memref<8x768xf32, #tpu.memory_space<hbm>>)
      tpu.yield
    }) : () -> ()
    %dma_start3A_144 = arith.constant 3 : i32
    %dma_start3A_145 = arith.constant 1 : i32
    %dma_start3A_146 = arith.constant 0 : i32
    %dma_start3A_147 = arith.constant 0 : i32
    %dma_start3A_148 = arith.constant 0 : i32
    %dma_start3A_149 = tpu.memref_slice %arg9[%dma_start3A_145, %dma_start3A_146, %dma_start3A_147, %dma_start3A_148] : memref<2x8x8x768xf32, #tpu.memory_space<vmem>> -> memref<1x8x8x768xf32, #tpu.memory_space<vmem>>
    %dma_start3A_150 = tpu.memref_squeeze %dma_start3A_149 : memref<1x8x8x768xf32, #tpu.memory_space<vmem>> -> memref<8x8x768xf32, #tpu.memory_space<vmem>>
    %dma_start3A_151 = arith.constant 0 : i32
    %dma_start3A_152 = tpu.memref_slice %arg8[%dma_start3A_144, %dma_start3A_151] : memref<8x8xi32, #tpu.memory_space<vmem>> -> memref<1x8xi32, #tpu.memory_space<vmem>>
    %dma_start3A_153 = tpu.memref_squeeze %dma_start3A_152 : memref<1x8xi32, #tpu.memory_space<vmem>> -> memref<8xi32, #tpu.memory_space<vmem>>
    %dma_start3A_154 = arith.constant 0 : i32
    %dma_start3A_155 = arith.constant 0 : i32
    %dma_start3A_156 = arith.constant 0 : i32
    %dma_start3A_157 = tpu.memref_slice %arg2[%dma_start3A_154, %dma_start3A_155, %dma_start3A_156] : memref<8192x8x768xf32, #tpu.memory_space<hbm>> -> memref<8192x8x768xf32, #tpu.memory_space<hbm>>
    tpu.enqueue_indirect_dma source(%dma_start3A_157 : memref<8192x8x768xf32, #tpu.memory_space<hbm>>) target(%dma_start3A_150 : memref<8x8x768xf32, #tpu.memory_space<vmem>>) offsets(%dma_start3A_153 : memref<8xi32, #tpu.memory_space<vmem>>) semaphore(%arg12 : memref<!tpu.dma_semaphore, #tpu.memory_space<semaphore_mem>>)
    %dma_start3A_158 = arith.constant 3 : i32
    %dma_start3A_159 = arith.constant 1 : i32
    %dma_start3A_160 = arith.constant 0 : i32
    %dma_start3A_161 = arith.constant 0 : i32
    %dma_start3A_162 = tpu.memref_slice %arg10[%dma_start3A_159, %dma_start3A_160, %dma_start3A_161] : memref<2x8x768xf32, #tpu.memory_space<vmem>> -> memref<1x8x768xf32, #tpu.memory_space<vmem>>
    %dma_start3A_163 = tpu.memref_squeeze %dma_start3A_162 : memref<1x8x768xf32, #tpu.memory_space<vmem>> -> memref<8x768xf32, #tpu.memory_space<vmem>>
    %dma_start3A_164 = arith.constant 0 : i32
    %dma_start3A_165 = tpu.memref_slice %arg8[%dma_start3A_158, %dma_start3A_164] : memref<8x8xi32, #tpu.memory_space<vmem>> -> memref<1x8xi32, #tpu.memory_space<vmem>>
    %dma_start3A_166 = tpu.memref_squeeze %dma_start3A_165 : memref<1x8xi32, #tpu.memory_space<vmem>> -> memref<8xi32, #tpu.memory_space<vmem>>
    %dma_start3A_167 = arith.constant 0 : i32
    %dma_start3A_168 = arith.constant 0 : i32
    %dma_start3A_169 = tpu.memref_slice %arg3[%dma_start3A_167, %dma_start3A_168] : memref<8192x768xf32, #tpu.memory_space<hbm>> -> memref<8192x768xf32, #tpu.memory_space<hbm>>
    tpu.enqueue_indirect_dma source(%dma_start3A_169 : memref<8192x768xf32, #tpu.memory_space<hbm>>) target(%dma_start3A_163 : memref<8x768xf32, #tpu.memory_space<vmem>>) offsets(%dma_start3A_166 : memref<8xi32, #tpu.memory_space<vmem>>) semaphore(%arg14 : memref<!tpu.dma_semaphore, #tpu.memory_space<semaphore_mem>>)
    %dma_wait3A_170 = arith.constant 2 : i32
    %dma_wait3A_171 = arith.constant 0 : i32
    %dma_wait3A_172 = arith.constant 0 : i32
    %dma_wait3A_173 = arith.constant 0 : i32
    %dma_wait3A_174 = arith.constant 0 : i32
    %dma_wait3A_175 = tpu.memref_slice %arg9[%dma_wait3A_171, %dma_wait3A_172, %dma_wait3A_173, %dma_wait3A_174] : memref<2x8x8x768xf32, #tpu.memory_space<vmem>> -> memref<1x8x8x768xf32, #tpu.memory_space<vmem>>
    %dma_wait3A_176 = tpu.memref_squeeze %dma_wait3A_175 : memref<1x8x8x768xf32, #tpu.memory_space<vmem>> -> memref<8x8x768xf32, #tpu.memory_space<vmem>>
    %dma_wait3A_177 = arith.constant 0 : i32
    %dma_wait3A_178 = tpu.memref_slice %arg8[%dma_wait3A_170, %dma_wait3A_177] : memref<8x8xi32, #tpu.memory_space<vmem>> -> memref<1x8xi32, #tpu.memory_space<vmem>>
    %dma_wait3A_179 = tpu.memref_squeeze %dma_wait3A_178 : memref<1x8xi32, #tpu.memory_space<vmem>> -> memref<8xi32, #tpu.memory_space<vmem>>
    %dma_wait3A_180 = arith.constant 0 : i32
    %dma_wait3A_181 = arith.constant 0 : i32
    %dma_wait3A_182 = arith.constant 0 : i32
    %dma_wait3A_183 = tpu.memref_slice %arg2[%dma_wait3A_180, %dma_wait3A_181, %dma_wait3A_182] : memref<8192x8x768xf32, #tpu.memory_space<hbm>> -> memref<8192x8x768xf32, #tpu.memory_space<hbm>>
    tpu.wait_indirect_dma semaphore(%arg11 : memref<!tpu.dma_semaphore, #tpu.memory_space<semaphore_mem>>) src(%dma_wait3A_183 : memref<8192x8x768xf32, #tpu.memory_space<hbm>>) dst(%dma_wait3A_176 : memref<8x8x768xf32, #tpu.memory_space<vmem>>)
    %add3A_184 = arith.constant 2 : i32
    %add3A_185 = arith.addi %mul3A_2, %add3A_184 : i32
    %run_scoped3A_186 = arith.constant 0 : i32
    "tpu.region"() ({
      %run_scoped3A_472 = tpu.sem_alloc : memref<!tpu.dma_semaphore, #tpu.memory_space<semaphore_mem>>
      %dma_start3A_473 = arith.constant 0 : i32
      %dma_start3A_474 = arith.constant 0 : i32
      %dma_start3A_475 = arith.constant 0 : i32
      %dma_start3A_476 = tpu.memref_slice %arg9[%run_scoped3A_186, %dma_start3A_473, %dma_start3A_474, %dma_start3A_475] : memref<2x8x8x768xf32, #tpu.memory_space<vmem>> -> memref<1x8x8x768xf32, #tpu.memory_space<vmem>>
      %dma_start3A_477 = tpu.memref_squeeze %dma_start3A_476 : memref<1x8x8x768xf32, #tpu.memory_space<vmem>> -> memref<8x8x768xf32, #tpu.memory_space<vmem>>
      %dma_start3A_478 = arith.constant 0 : i32
      %dma_start3A_479 = arith.constant 0 : i32
      %dma_start3A_480 = arith.constant 0 : i32
      %dma_start3A_481 = tpu.memref_slice %arg5[%add3A_185, %dma_start3A_478, %dma_start3A_479, %dma_start3A_480] : memref<256x8x8x768xf32, #tpu.memory_space<hbm>> -> memref<1x8x8x768xf32, #tpu.memory_space<hbm>>
      %dma_start3A_482 = tpu.memref_squeeze %dma_start3A_481 : memref<1x8x8x768xf32, #tpu.memory_space<hbm>> -> memref<8x8x768xf32, #tpu.memory_space<hbm>>
      %dma_start3A_483 = arith.constant 0 : i32
      %dma_start3A_484 = arith.constant 0 : i32
      %dma_start3A_485 = arith.constant 0 : i32
      %dma_start3A_486 = tpu.memref_slice %arg5[%add3A_185, %dma_start3A_483, %dma_start3A_484, %dma_start3A_485] : memref<256x8x8x768xf32, #tpu.memory_space<hbm>> -> memref<1x8x8x768xf32, #tpu.memory_space<hbm>>
      %dma_start3A_487 = tpu.memref_squeeze %dma_start3A_486 : memref<1x8x8x768xf32, #tpu.memory_space<hbm>> -> memref<8x8x768xf32, #tpu.memory_space<hbm>>
      %dma_start3A_488 = arith.constant 0 : i32
      %dma_start3A_489 = arith.constant 0 : i32
      %dma_start3A_490 = arith.constant 0 : i32
      %dma_start3A_491 = tpu.memref_slice %arg9[%run_scoped3A_186, %dma_start3A_488, %dma_start3A_489, %dma_start3A_490] : memref<2x8x8x768xf32, #tpu.memory_space<vmem>> -> memref<1x8x8x768xf32, #tpu.memory_space<vmem>>
      %dma_start3A_492 = tpu.memref_squeeze %dma_start3A_491 : memref<1x8x8x768xf32, #tpu.memory_space<vmem>> -> memref<8x8x768xf32, #tpu.memory_space<vmem>>
      tpu.enqueue_dma source(%dma_start3A_492 : memref<8x8x768xf32, #tpu.memory_space<vmem>>) target(%dma_start3A_487 : memref<8x8x768xf32, #tpu.memory_space<hbm>>) target_semaphore(%run_scoped3A_472 : memref<!tpu.dma_semaphore, #tpu.memory_space<semaphore_mem>>)
      %dma_wait3A_493 = arith.constant 0 : i32
      %dma_wait3A_494 = arith.constant 0 : i32
      %dma_wait3A_495 = arith.constant 0 : i32
      %dma_wait3A_496 = tpu.memref_slice %arg9[%run_scoped3A_186, %dma_wait3A_493, %dma_wait3A_494, %dma_wait3A_495] : memref<2x8x8x768xf32, #tpu.memory_space<vmem>> -> memref<1x8x8x768xf32, #tpu.memory_space<vmem>>
      %dma_wait3A_497 = tpu.memref_squeeze %dma_wait3A_496 : memref<1x8x8x768xf32, #tpu.memory_space<vmem>> -> memref<8x8x768xf32, #tpu.memory_space<vmem>>
      %dma_wait3A_498 = arith.constant 0 : i32
      %dma_wait3A_499 = arith.constant 0 : i32
      %dma_wait3A_500 = arith.constant 0 : i32
      %dma_wait3A_501 = tpu.memref_slice %arg5[%add3A_185, %dma_wait3A_498, %dma_wait3A_499, %dma_wait3A_500] : memref<256x8x8x768xf32, #tpu.memory_space<hbm>> -> memref<1x8x8x768xf32, #tpu.memory_space<hbm>>
      %dma_wait3A_502 = tpu.memref_squeeze %dma_wait3A_501 : memref<1x8x8x768xf32, #tpu.memory_space<hbm>> -> memref<8x8x768xf32, #tpu.memory_space<hbm>>
      %dma_wait3A_503 = arith.constant 0 : i32
      %dma_wait3A_504 = arith.constant 0 : i32
      %dma_wait3A_505 = arith.constant 0 : i32
      %dma_wait3A_506 = tpu.memref_slice %arg5[%add3A_185, %dma_wait3A_503, %dma_wait3A_504, %dma_wait3A_505] : memref<256x8x8x768xf32, #tpu.memory_space<hbm>> -> memref<1x8x8x768xf32, #tpu.memory_space<hbm>>
      %dma_wait3A_507 = tpu.memref_squeeze %dma_wait3A_506 : memref<1x8x8x768xf32, #tpu.memory_space<hbm>> -> memref<8x8x768xf32, #tpu.memory_space<hbm>>
      %dma_wait3A_508 = arith.constant 0 : i32
      %dma_wait3A_509 = arith.constant 0 : i32
      %dma_wait3A_510 = arith.constant 0 : i32
      %dma_wait3A_511 = tpu.memref_slice %arg9[%run_scoped3A_186, %dma_wait3A_508, %dma_wait3A_509, %dma_wait3A_510] : memref<2x8x8x768xf32, #tpu.memory_space<vmem>> -> memref<1x8x8x768xf32, #tpu.memory_space<vmem>>
      %dma_wait3A_512 = tpu.memref_squeeze %dma_wait3A_511 : memref<1x8x8x768xf32, #tpu.memory_space<vmem>> -> memref<8x8x768xf32, #tpu.memory_space<vmem>>
      tpu.wait_dma2 semaphore(%run_scoped3A_472 : memref<!tpu.dma_semaphore, #tpu.memory_space<semaphore_mem>>) src(%dma_wait3A_512 : memref<8x8x768xf32, #tpu.memory_space<vmem>>) dst(%dma_wait3A_507 : memref<8x8x768xf32, #tpu.memory_space<hbm>>)
      tpu.yield
    }) : () -> ()
    %mul3A_187 = arith.constant 8 : i32
    %mul3A_188 = arith.muli %add3A_185, %mul3A_187 : i32
    %run_scoped3A_189 = arith.constant 0 : i32
    "tpu.region"() ({
      %run_scoped3A_472 = tpu.sem_alloc : memref<!tpu.dma_semaphore, #tpu.memory_space<semaphore_mem>>
      %dma_start3A_473 = arith.constant 0 : i32
      %dma_start3A_474 = arith.constant 0 : i32
      %dma_start3A_475 = arith.constant 0 : i32
      %dma_start3A_476 = tpu.memref_slice %arg9[%run_scoped3A_189, %dma_start3A_473, %dma_start3A_474, %dma_start3A_475] : memref<2x8x8x768xf32, #tpu.memory_space<vmem>> -> memref<1x8x8x768xf32, #tpu.memory_space<vmem>>
      %dma_start3A_477 = tpu.memref_squeeze %dma_start3A_476 : memref<1x8x8x768xf32, #tpu.memory_space<vmem>> -> memref<8x8x768xf32, #tpu.memory_space<vmem>>
      %dma_start3A_478 = arith.constant 0 : i32
      %dma_start3A_479 = arith.constant 0 : i32
      %dma_start3A_480 = tpu.memref_slice %arg6[%mul3A_188, %dma_start3A_478, %dma_start3A_479] : memref<2048x8x768xf32, #tpu.memory_space<hbm>> -> memref<8x8x768xf32, #tpu.memory_space<hbm>>
      %dma_start3A_481 = arith.constant 0 : i32
      %dma_start3A_482 = arith.constant 0 : i32
      %dma_start3A_483 = tpu.memref_slice %arg6[%mul3A_188, %dma_start3A_481, %dma_start3A_482] : memref<2048x8x768xf32, #tpu.memory_space<hbm>> -> memref<8x8x768xf32, #tpu.memory_space<hbm>>
      %dma_start3A_484 = arith.constant 0 : i32
      %dma_start3A_485 = arith.constant 0 : i32
      %dma_start3A_486 = arith.constant 0 : i32
      %dma_start3A_487 = tpu.memref_slice %arg9[%run_scoped3A_189, %dma_start3A_484, %dma_start3A_485, %dma_start3A_486] : memref<2x8x8x768xf32, #tpu.memory_space<vmem>> -> memref<1x8x8x768xf32, #tpu.memory_space<vmem>>
      %dma_start3A_488 = tpu.memref_squeeze %dma_start3A_487 : memref<1x8x8x768xf32, #tpu.memory_space<vmem>> -> memref<8x8x768xf32, #tpu.memory_space<vmem>>
      tpu.enqueue_dma source(%dma_start3A_488 : memref<8x8x768xf32, #tpu.memory_space<vmem>>) target(%dma_start3A_483 : memref<8x8x768xf32, #tpu.memory_space<hbm>>) target_semaphore(%run_scoped3A_472 : memref<!tpu.dma_semaphore, #tpu.memory_space<semaphore_mem>>)
      %dma_wait3A_489 = arith.constant 0 : i32
      %dma_wait3A_490 = arith.constant 0 : i32
      %dma_wait3A_491 = arith.constant 0 : i32
      %dma_wait3A_492 = tpu.memref_slice %arg9[%run_scoped3A_189, %dma_wait3A_489, %dma_wait3A_490, %dma_wait3A_491] : memref<2x8x8x768xf32, #tpu.memory_space<vmem>> -> memref<1x8x8x768xf32, #tpu.memory_space<vmem>>
      %dma_wait3A_493 = tpu.memref_squeeze %dma_wait3A_492 : memref<1x8x8x768xf32, #tpu.memory_space<vmem>> -> memref<8x8x768xf32, #tpu.memory_space<vmem>>
      %dma_wait3A_494 = arith.constant 0 : i32
      %dma_wait3A_495 = arith.constant 0 : i32
      %dma_wait3A_496 = tpu.memref_slice %arg6[%mul3A_188, %dma_wait3A_494, %dma_wait3A_495] : memref<2048x8x768xf32, #tpu.memory_space<hbm>> -> memref<8x8x768xf32, #tpu.memory_space<hbm>>
      %dma_wait3A_497 = arith.constant 0 : i32
      %dma_wait3A_498 = arith.constant 0 : i32
      %dma_wait3A_499 = tpu.memref_slice %arg6[%mul3A_188, %dma_wait3A_497, %dma_wait3A_498] : memref<2048x8x768xf32, #tpu.memory_space<hbm>> -> memref<8x8x768xf32, #tpu.memory_space<hbm>>
      %dma_wait3A_500 = arith.constant 0 : i32
      %dma_wait3A_501 = arith.constant 0 : i32
      %dma_wait3A_502 = arith.constant 0 : i32
      %dma_wait3A_503 = tpu.memref_slice %arg9[%run_scoped3A_189, %dma_wait3A_500, %dma_wait3A_501, %dma_wait3A_502] : memref<2x8x8x768xf32, #tpu.memory_space<vmem>> -> memref<1x8x8x768xf32, #tpu.memory_space<vmem>>
      %dma_wait3A_504 = tpu.memref_squeeze %dma_wait3A_503 : memref<1x8x8x768xf32, #tpu.memory_space<vmem>> -> memref<8x8x768xf32, #tpu.memory_space<vmem>>
      tpu.wait_dma2 semaphore(%run_scoped3A_472 : memref<!tpu.dma_semaphore, #tpu.memory_space<semaphore_mem>>) src(%dma_wait3A_504 : memref<8x8x768xf32, #tpu.memory_space<vmem>>) dst(%dma_wait3A_499 : memref<8x8x768xf32, #tpu.memory_space<hbm>>)
      tpu.yield
    }) : () -> ()
    %dma_wait3A_190 = arith.constant 2 : i32
    %dma_wait3A_191 = arith.constant 0 : i32
    %dma_wait3A_192 = arith.constant 0 : i32
    %dma_wait3A_193 = arith.constant 0 : i32
    %dma_wait3A_194 = tpu.memref_slice %arg10[%dma_wait3A_191, %dma_wait3A_192, %dma_wait3A_193] : memref<2x8x768xf32, #tpu.memory_space<vmem>> -> memref<1x8x768xf32, #tpu.memory_space<vmem>>
    %dma_wait3A_195 = tpu.memref_squeeze %dma_wait3A_194 : memref<1x8x768xf32, #tpu.memory_space<vmem>> -> memref<8x768xf32, #tpu.memory_space<vmem>>
    %dma_wait3A_196 = arith.constant 0 : i32
    %dma_wait3A_197 = tpu.memref_slice %arg8[%dma_wait3A_190, %dma_wait3A_196] : memref<8x8xi32, #tpu.memory_space<vmem>> -> memref<1x8xi32, #tpu.memory_space<vmem>>
    %dma_wait3A_198 = tpu.memref_squeeze %dma_wait3A_197 : memref<1x8xi32, #tpu.memory_space<vmem>> -> memref<8xi32, #tpu.memory_space<vmem>>
    %dma_wait3A_199 = arith.constant 0 : i32
    %dma_wait3A_200 = arith.constant 0 : i32
    %dma_wait3A_201 = tpu.memref_slice %arg3[%dma_wait3A_199, %dma_wait3A_200] : memref<8192x768xf32, #tpu.memory_space<hbm>> -> memref<8192x768xf32, #tpu.memory_space<hbm>>
    tpu.wait_indirect_dma semaphore(%arg13 : memref<!tpu.dma_semaphore, #tpu.memory_space<semaphore_mem>>) src(%dma_wait3A_201 : memref<8192x768xf32, #tpu.memory_space<hbm>>) dst(%dma_wait3A_195 : memref<8x768xf32, #tpu.memory_space<vmem>>)
    %run_scoped3A_202 = arith.constant 0 : i32
    "tpu.region"() ({
      %run_scoped3A_472 = tpu.sem_alloc : memref<!tpu.dma_semaphore, #tpu.memory_space<semaphore_mem>>
      %dma_start3A_473 = arith.constant 0 : i32
      %dma_start3A_474 = arith.constant 0 : i32
      %dma_start3A_475 = tpu.memref_slice %arg10[%run_scoped3A_202, %dma_start3A_473, %dma_start3A_474] : memref<2x8x768xf32, #tpu.memory_space<vmem>> -> memref<1x8x768xf32, #tpu.memory_space<vmem>>
      %dma_start3A_476 = tpu.memref_squeeze %dma_start3A_475 : memref<1x8x768xf32, #tpu.memory_space<vmem>> -> memref<8x768xf32, #tpu.memory_space<vmem>>
      %dma_start3A_477 = arith.constant 0 : i32
      %dma_start3A_478 = arith.constant 0 : i32
      %dma_start3A_479 = tpu.memref_slice %arg7[%add3A_185, %dma_start3A_477, %dma_start3A_478] : memref<256x8x768xf32, #tpu.memory_space<hbm>> -> memref<1x8x768xf32, #tpu.memory_space<hbm>>
      %dma_start3A_480 = tpu.memref_squeeze %dma_start3A_479 : memref<1x8x768xf32, #tpu.memory_space<hbm>> -> memref<8x768xf32, #tpu.memory_space<hbm>>
      %dma_start3A_481 = arith.constant 0 : i32
      %dma_start3A_482 = arith.constant 0 : i32
      %dma_start3A_483 = tpu.memref_slice %arg7[%add3A_185, %dma_start3A_481, %dma_start3A_482] : memref<256x8x768xf32, #tpu.memory_space<hbm>> -> memref<1x8x768xf32, #tpu.memory_space<hbm>>
      %dma_start3A_484 = tpu.memref_squeeze %dma_start3A_483 : memref<1x8x768xf32, #tpu.memory_space<hbm>> -> memref<8x768xf32, #tpu.memory_space<hbm>>
      %dma_start3A_485 = arith.constant 0 : i32
      %dma_start3A_486 = arith.constant 0 : i32
      %dma_start3A_487 = tpu.memref_slice %arg10[%run_scoped3A_202, %dma_start3A_485, %dma_start3A_486] : memref<2x8x768xf32, #tpu.memory_space<vmem>> -> memref<1x8x768xf32, #tpu.memory_space<vmem>>
      %dma_start3A_488 = tpu.memref_squeeze %dma_start3A_487 : memref<1x8x768xf32, #tpu.memory_space<vmem>> -> memref<8x768xf32, #tpu.memory_space<vmem>>
      tpu.enqueue_dma source(%dma_start3A_488 : memref<8x768xf32, #tpu.memory_space<vmem>>) target(%dma_start3A_484 : memref<8x768xf32, #tpu.memory_space<hbm>>) target_semaphore(%run_scoped3A_472 : memref<!tpu.dma_semaphore, #tpu.memory_space<semaphore_mem>>)
      %dma_wait3A_489 = arith.constant 0 : i32
      %dma_wait3A_490 = arith.constant 0 : i32
      %dma_wait3A_491 = tpu.memref_slice %arg10[%run_scoped3A_202, %dma_wait3A_489, %dma_wait3A_490] : memref<2x8x768xf32, #tpu.memory_space<vmem>> -> memref<1x8x768xf32, #tpu.memory_space<vmem>>
      %dma_wait3A_492 = tpu.memref_squeeze %dma_wait3A_491 : memref<1x8x768xf32, #tpu.memory_space<vmem>> -> memref<8x768xf32, #tpu.memory_space<vmem>>
      %dma_wait3A_493 = arith.constant 0 : i32
      %dma_wait3A_494 = arith.constant 0 : i32
      %dma_wait3A_495 = tpu.memref_slice %arg7[%add3A_185, %dma_wait3A_493, %dma_wait3A_494] : memref<256x8x768xf32, #tpu.memory_space<hbm>> -> memref<1x8x768xf32, #tpu.memory_space<hbm>>
      %dma_wait3A_496 = tpu.memref_squeeze %dma_wait3A_495 : memref<1x8x768xf32, #tpu.memory_space<hbm>> -> memref<8x768xf32, #tpu.memory_space<hbm>>
      %dma_wait3A_497 = arith.constant 0 : i32
      %dma_wait3A_498 = arith.constant 0 : i32
      %dma_wait3A_499 = tpu.memref_slice %arg7[%add3A_185, %dma_wait3A_497, %dma_wait3A_498] : memref<256x8x768xf32, #tpu.memory_space<hbm>> -> memref<1x8x768xf32, #tpu.memory_space<hbm>>
      %dma_wait3A_500 = tpu.memref_squeeze %dma_wait3A_499 : memref<1x8x768xf32, #tpu.memory_space<hbm>> -> memref<8x768xf32, #tpu.memory_space<hbm>>
      %dma_wait3A_501 = arith.constant 0 : i32
      %dma_wait3A_502 = arith.constant 0 : i32
      %dma_wait3A_503 = tpu.memref_slice %arg10[%run_scoped3A_202, %dma_wait3A_501, %dma_wait3A_502] : memref<2x8x768xf32, #tpu.memory_space<vmem>> -> memref<1x8x768xf32, #tpu.memory_space<vmem>>
      %dma_wait3A_504 = tpu.memref_squeeze %dma_wait3A_503 : memref<1x8x768xf32, #tpu.memory_space<vmem>> -> memref<8x768xf32, #tpu.memory_space<vmem>>
      tpu.wait_dma2 semaphore(%run_scoped3A_472 : memref<!tpu.dma_semaphore, #tpu.memory_space<semaphore_mem>>) src(%dma_wait3A_504 : memref<8x768xf32, #tpu.memory_space<vmem>>) dst(%dma_wait3A_500 : memref<8x768xf32, #tpu.memory_space<hbm>>)
      tpu.yield
    }) : () -> ()
    %dma_start3A_203 = arith.constant 4 : i32
    %dma_start3A_204 = arith.constant 0 : i32
    %dma_start3A_205 = arith.constant 0 : i32
    %dma_start3A_206 = arith.constant 0 : i32
    %dma_start3A_207 = arith.constant 0 : i32
    %dma_start3A_208 = tpu.memref_slice %arg9[%dma_start3A_204, %dma_start3A_205, %dma_start3A_206, %dma_start3A_207] : memref<2x8x8x768xf32, #tpu.memory_space<vmem>> -> memref<1x8x8x768xf32, #tpu.memory_space<vmem>>
    %dma_start3A_209 = tpu.memref_squeeze %dma_start3A_208 : memref<1x8x8x768xf32, #tpu.memory_space<vmem>> -> memref<8x8x768xf32, #tpu.memory_space<vmem>>
    %dma_start3A_210 = arith.constant 0 : i32
    %dma_start3A_211 = tpu.memref_slice %arg8[%dma_start3A_203, %dma_start3A_210] : memref<8x8xi32, #tpu.memory_space<vmem>> -> memref<1x8xi32, #tpu.memory_space<vmem>>
    %dma_start3A_212 = tpu.memref_squeeze %dma_start3A_211 : memref<1x8xi32, #tpu.memory_space<vmem>> -> memref<8xi32, #tpu.memory_space<vmem>>
    %dma_start3A_213 = arith.constant 0 : i32
    %dma_start3A_214 = arith.constant 0 : i32
    %dma_start3A_215 = arith.constant 0 : i32
    %dma_start3A_216 = tpu.memref_slice %arg2[%dma_start3A_213, %dma_start3A_214, %dma_start3A_215] : memref<8192x8x768xf32, #tpu.memory_space<hbm>> -> memref<8192x8x768xf32, #tpu.memory_space<hbm>>
    tpu.enqueue_indirect_dma source(%dma_start3A_216 : memref<8192x8x768xf32, #tpu.memory_space<hbm>>) target(%dma_start3A_209 : memref<8x8x768xf32, #tpu.memory_space<vmem>>) offsets(%dma_start3A_212 : memref<8xi32, #tpu.memory_space<vmem>>) semaphore(%arg11 : memref<!tpu.dma_semaphore, #tpu.memory_space<semaphore_mem>>)
    %dma_start3A_217 = arith.constant 4 : i32
    %dma_start3A_218 = arith.constant 0 : i32
    %dma_start3A_219 = arith.constant 0 : i32
    %dma_start3A_220 = arith.constant 0 : i32
    %dma_start3A_221 = tpu.memref_slice %arg10[%dma_start3A_218, %dma_start3A_219, %dma_start3A_220] : memref<2x8x768xf32, #tpu.memory_space<vmem>> -> memref<1x8x768xf32, #tpu.memory_space<vmem>>
    %dma_start3A_222 = tpu.memref_squeeze %dma_start3A_221 : memref<1x8x768xf32, #tpu.memory_space<vmem>> -> memref<8x768xf32, #tpu.memory_space<vmem>>
    %dma_start3A_223 = arith.constant 0 : i32
    %dma_start3A_224 = tpu.memref_slice %arg8[%dma_start3A_217, %dma_start3A_223] : memref<8x8xi32, #tpu.memory_space<vmem>> -> memref<1x8xi32, #tpu.memory_space<vmem>>
    %dma_start3A_225 = tpu.memref_squeeze %dma_start3A_224 : memref<1x8xi32, #tpu.memory_space<vmem>> -> memref<8xi32, #tpu.memory_space<vmem>>
    %dma_start3A_226 = arith.constant 0 : i32
    %dma_start3A_227 = arith.constant 0 : i32
    %dma_start3A_228 = tpu.memref_slice %arg3[%dma_start3A_226, %dma_start3A_227] : memref<8192x768xf32, #tpu.memory_space<hbm>> -> memref<8192x768xf32, #tpu.memory_space<hbm>>
    tpu.enqueue_indirect_dma source(%dma_start3A_228 : memref<8192x768xf32, #tpu.memory_space<hbm>>) target(%dma_start3A_222 : memref<8x768xf32, #tpu.memory_space<vmem>>) offsets(%dma_start3A_225 : memref<8xi32, #tpu.memory_space<vmem>>) semaphore(%arg13 : memref<!tpu.dma_semaphore, #tpu.memory_space<semaphore_mem>>)
    %dma_wait3A_229 = arith.constant 3 : i32
    %dma_wait3A_230 = arith.constant 1 : i32
    %dma_wait3A_231 = arith.constant 0 : i32
    %dma_wait3A_232 = arith.constant 0 : i32
    %dma_wait3A_233 = arith.constant 0 : i32
    %dma_wait3A_234 = tpu.memref_slice %arg9[%dma_wait3A_230, %dma_wait3A_231, %dma_wait3A_232, %dma_wait3A_233] : memref<2x8x8x768xf32, #tpu.memory_space<vmem>> -> memref<1x8x8x768xf32, #tpu.memory_space<vmem>>
    %dma_wait3A_235 = tpu.memref_squeeze %dma_wait3A_234 : memref<1x8x8x768xf32, #tpu.memory_space<vmem>> -> memref<8x8x768xf32, #tpu.memory_space<vmem>>
    %dma_wait3A_236 = arith.constant 0 : i32
    %dma_wait3A_237 = tpu.memref_slice %arg8[%dma_wait3A_229, %dma_wait3A_236] : memref<8x8xi32, #tpu.memory_space<vmem>> -> memref<1x8xi32, #tpu.memory_space<vmem>>
    %dma_wait3A_238 = tpu.memref_squeeze %dma_wait3A_237 : memref<1x8xi32, #tpu.memory_space<vmem>> -> memref<8xi32, #tpu.memory_space<vmem>>
    %dma_wait3A_239 = arith.constant 0 : i32
    %dma_wait3A_240 = arith.constant 0 : i32
    %dma_wait3A_241 = arith.constant 0 : i32
    %dma_wait3A_242 = tpu.memref_slice %arg2[%dma_wait3A_239, %dma_wait3A_240, %dma_wait3A_241] : memref<8192x8x768xf32, #tpu.memory_space<hbm>> -> memref<8192x8x768xf32, #tpu.memory_space<hbm>>
    tpu.wait_indirect_dma semaphore(%arg12 : memref<!tpu.dma_semaphore, #tpu.memory_space<semaphore_mem>>) src(%dma_wait3A_242 : memref<8192x8x768xf32, #tpu.memory_space<hbm>>) dst(%dma_wait3A_235 : memref<8x8x768xf32, #tpu.memory_space<vmem>>)
    %add3A_243 = arith.constant 3 : i32
    %add3A_244 = arith.addi %mul3A_2, %add3A_243 : i32
    %run_scoped3A_245 = arith.constant 1 : i32
    "tpu.region"() ({
      %run_scoped3A_472 = tpu.sem_alloc : memref<!tpu.dma_semaphore, #tpu.memory_space<semaphore_mem>>
      %dma_start3A_473 = arith.constant 0 : i32
      %dma_start3A_474 = arith.constant 0 : i32
      %dma_start3A_475 = arith.constant 0 : i32
      %dma_start3A_476 = tpu.memref_slice %arg9[%run_scoped3A_245, %dma_start3A_473, %dma_start3A_474, %dma_start3A_475] : memref<2x8x8x768xf32, #tpu.memory_space<vmem>> -> memref<1x8x8x768xf32, #tpu.memory_space<vmem>>
      %dma_start3A_477 = tpu.memref_squeeze %dma_start3A_476 : memref<1x8x8x768xf32, #tpu.memory_space<vmem>> -> memref<8x8x768xf32, #tpu.memory_space<vmem>>
      %dma_start3A_478 = arith.constant 0 : i32
      %dma_start3A_479 = arith.constant 0 : i32
      %dma_start3A_480 = arith.constant 0 : i32
      %dma_start3A_481 = tpu.memref_slice %arg5[%add3A_244, %dma_start3A_478, %dma_start3A_479, %dma_start3A_480] : memref<256x8x8x768xf32, #tpu.memory_space<hbm>> -> memref<1x8x8x768xf32, #tpu.memory_space<hbm>>
      %dma_start3A_482 = tpu.memref_squeeze %dma_start3A_481 : memref<1x8x8x768xf32, #tpu.memory_space<hbm>> -> memref<8x8x768xf32, #tpu.memory_space<hbm>>
      %dma_start3A_483 = arith.constant 0 : i32
      %dma_start3A_484 = arith.constant 0 : i32
      %dma_start3A_485 = arith.constant 0 : i32
      %dma_start3A_486 = tpu.memref_slice %arg5[%add3A_244, %dma_start3A_483, %dma_start3A_484, %dma_start3A_485] : memref<256x8x8x768xf32, #tpu.memory_space<hbm>> -> memref<1x8x8x768xf32, #tpu.memory_space<hbm>>
      %dma_start3A_487 = tpu.memref_squeeze %dma_start3A_486 : memref<1x8x8x768xf32, #tpu.memory_space<hbm>> -> memref<8x8x768xf32, #tpu.memory_space<hbm>>
      %dma_start3A_488 = arith.constant 0 : i32
      %dma_start3A_489 = arith.constant 0 : i32
      %dma_start3A_490 = arith.constant 0 : i32
      %dma_start3A_491 = tpu.memref_slice %arg9[%run_scoped3A_245, %dma_start3A_488, %dma_start3A_489, %dma_start3A_490] : memref<2x8x8x768xf32, #tpu.memory_space<vmem>> -> memref<1x8x8x768xf32, #tpu.memory_space<vmem>>
      %dma_start3A_492 = tpu.memref_squeeze %dma_start3A_491 : memref<1x8x8x768xf32, #tpu.memory_space<vmem>> -> memref<8x8x768xf32, #tpu.memory_space<vmem>>
      tpu.enqueue_dma source(%dma_start3A_492 : memref<8x8x768xf32, #tpu.memory_space<vmem>>) target(%dma_start3A_487 : memref<8x8x768xf32, #tpu.memory_space<hbm>>) target_semaphore(%run_scoped3A_472 : memref<!tpu.dma_semaphore, #tpu.memory_space<semaphore_mem>>)
      %dma_wait3A_493 = arith.constant 0 : i32
      %dma_wait3A_494 = arith.constant 0 : i32
      %dma_wait3A_495 = arith.constant 0 : i32
      %dma_wait3A_496 = tpu.memref_slice %arg9[%run_scoped3A_245, %dma_wait3A_493, %dma_wait3A_494, %dma_wait3A_495] : memref<2x8x8x768xf32, #tpu.memory_space<vmem>> -> memref<1x8x8x768xf32, #tpu.memory_space<vmem>>
      %dma_wait3A_497 = tpu.memref_squeeze %dma_wait3A_496 : memref<1x8x8x768xf32, #tpu.memory_space<vmem>> -> memref<8x8x768xf32, #tpu.memory_space<vmem>>
      %dma_wait3A_498 = arith.constant 0 : i32
      %dma_wait3A_499 = arith.constant 0 : i32
      %dma_wait3A_500 = arith.constant 0 : i32
      %dma_wait3A_501 = tpu.memref_slice %arg5[%add3A_244, %dma_wait3A_498, %dma_wait3A_499, %dma_wait3A_500] : memref<256x8x8x768xf32, #tpu.memory_space<hbm>> -> memref<1x8x8x768xf32, #tpu.memory_space<hbm>>
      %dma_wait3A_502 = tpu.memref_squeeze %dma_wait3A_501 : memref<1x8x8x768xf32, #tpu.memory_space<hbm>> -> memref<8x8x768xf32, #tpu.memory_space<hbm>>
      %dma_wait3A_503 = arith.constant 0 : i32
      %dma_wait3A_504 = arith.constant 0 : i32
      %dma_wait3A_505 = arith.constant 0 : i32
      %dma_wait3A_506 = tpu.memref_slice %arg5[%add3A_244, %dma_wait3A_503, %dma_wait3A_504, %dma_wait3A_505] : memref<256x8x8x768xf32, #tpu.memory_space<hbm>> -> memref<1x8x8x768xf32, #tpu.memory_space<hbm>>
      %dma_wait3A_507 = tpu.memref_squeeze %dma_wait3A_506 : memref<1x8x8x768xf32, #tpu.memory_space<hbm>> -> memref<8x8x768xf32, #tpu.memory_space<hbm>>
      %dma_wait3A_508 = arith.constant 0 : i32
      %dma_wait3A_509 = arith.constant 0 : i32
      %dma_wait3A_510 = arith.constant 0 : i32
      %dma_wait3A_511 = tpu.memref_slice %arg9[%run_scoped3A_245, %dma_wait3A_508, %dma_wait3A_509, %dma_wait3A_510] : memref<2x8x8x768xf32, #tpu.memory_space<vmem>> -> memref<1x8x8x768xf32, #tpu.memory_space<vmem>>
      %dma_wait3A_512 = tpu.memref_squeeze %dma_wait3A_511 : memref<1x8x8x768xf32, #tpu.memory_space<vmem>> -> memref<8x8x768xf32, #tpu.memory_space<vmem>>
      tpu.wait_dma2 semaphore(%run_scoped3A_472 : memref<!tpu.dma_semaphore, #tpu.memory_space<semaphore_mem>>) src(%dma_wait3A_512 : memref<8x8x768xf32, #tpu.memory_space<vmem>>) dst(%dma_wait3A_507 : memref<8x8x768xf32, #tpu.memory_space<hbm>>)
      tpu.yield
    }) : () -> ()
    %mul3A_246 = arith.constant 8 : i32
    %mul3A_247 = arith.muli %add3A_244, %mul3A_246 : i32
    %run_scoped3A_248 = arith.constant 1 : i32
    "tpu.region"() ({
      %run_scoped3A_472 = tpu.sem_alloc : memref<!tpu.dma_semaphore, #tpu.memory_space<semaphore_mem>>
      %dma_start3A_473 = arith.constant 0 : i32
      %dma_start3A_474 = arith.constant 0 : i32
      %dma_start3A_475 = arith.constant 0 : i32
      %dma_start3A_476 = tpu.memref_slice %arg9[%run_scoped3A_248, %dma_start3A_473, %dma_start3A_474, %dma_start3A_475] : memref<2x8x8x768xf32, #tpu.memory_space<vmem>> -> memref<1x8x8x768xf32, #tpu.memory_space<vmem>>
      %dma_start3A_477 = tpu.memref_squeeze %dma_start3A_476 : memref<1x8x8x768xf32, #tpu.memory_space<vmem>> -> memref<8x8x768xf32, #tpu.memory_space<vmem>>
      %dma_start3A_478 = arith.constant 0 : i32
      %dma_start3A_479 = arith.constant 0 : i32
      %dma_start3A_480 = tpu.memref_slice %arg6[%mul3A_247, %dma_start3A_478, %dma_start3A_479] : memref<2048x8x768xf32, #tpu.memory_space<hbm>> -> memref<8x8x768xf32, #tpu.memory_space<hbm>>
      %dma_start3A_481 = arith.constant 0 : i32
      %dma_start3A_482 = arith.constant 0 : i32
      %dma_start3A_483 = tpu.memref_slice %arg6[%mul3A_247, %dma_start3A_481, %dma_start3A_482] : memref<2048x8x768xf32, #tpu.memory_space<hbm>> -> memref<8x8x768xf32, #tpu.memory_space<hbm>>
      %dma_start3A_484 = arith.constant 0 : i32
      %dma_start3A_485 = arith.constant 0 : i32
      %dma_start3A_486 = arith.constant 0 : i32
      %dma_start3A_487 = tpu.memref_slice %arg9[%run_scoped3A_248, %dma_start3A_484, %dma_start3A_485, %dma_start3A_486] : memref<2x8x8x768xf32, #tpu.memory_space<vmem>> -> memref<1x8x8x768xf32, #tpu.memory_space<vmem>>
      %dma_start3A_488 = tpu.memref_squeeze %dma_start3A_487 : memref<1x8x8x768xf32, #tpu.memory_space<vmem>> -> memref<8x8x768xf32, #tpu.memory_space<vmem>>
      tpu.enqueue_dma source(%dma_start3A_488 : memref<8x8x768xf32, #tpu.memory_space<vmem>>) target(%dma_start3A_483 : memref<8x8x768xf32, #tpu.memory_space<hbm>>) target_semaphore(%run_scoped3A_472 : memref<!tpu.dma_semaphore, #tpu.memory_space<semaphore_mem>>)
      %dma_wait3A_489 = arith.constant 0 : i32
      %dma_wait3A_490 = arith.constant 0 : i32
      %dma_wait3A_491 = arith.constant 0 : i32
      %dma_wait3A_492 = tpu.memref_slice %arg9[%run_scoped3A_248, %dma_wait3A_489, %dma_wait3A_490, %dma_wait3A_491] : memref<2x8x8x768xf32, #tpu.memory_space<vmem>> -> memref<1x8x8x768xf32, #tpu.memory_space<vmem>>
      %dma_wait3A_493 = tpu.memref_squeeze %dma_wait3A_492 : memref<1x8x8x768xf32, #tpu.memory_space<vmem>> -> memref<8x8x768xf32, #tpu.memory_space<vmem>>
      %dma_wait3A_494 = arith.constant 0 : i32
      %dma_wait3A_495 = arith.constant 0 : i32
      %dma_wait3A_496 = tpu.memref_slice %arg6[%mul3A_247, %dma_wait3A_494, %dma_wait3A_495] : memref<2048x8x768xf32, #tpu.memory_space<hbm>> -> memref<8x8x768xf32, #tpu.memory_space<hbm>>
      %dma_wait3A_497 = arith.constant 0 : i32
      %dma_wait3A_498 = arith.constant 0 : i32
      %dma_wait3A_499 = tpu.memref_slice %arg6[%mul3A_247, %dma_wait3A_497, %dma_wait3A_498] : memref<2048x8x768xf32, #tpu.memory_space<hbm>> -> memref<8x8x768xf32, #tpu.memory_space<hbm>>
      %dma_wait3A_500 = arith.constant 0 : i32
      %dma_wait3A_501 = arith.constant 0 : i32
      %dma_wait3A_502 = arith.constant 0 : i32
      %dma_wait3A_503 = tpu.memref_slice %arg9[%run_scoped3A_248, %dma_wait3A_500, %dma_wait3A_501, %dma_wait3A_502] : memref<2x8x8x768xf32, #tpu.memory_space<vmem>> -> memref<1x8x8x768xf32, #tpu.memory_space<vmem>>
      %dma_wait3A_504 = tpu.memref_squeeze %dma_wait3A_503 : memref<1x8x8x768xf32, #tpu.memory_space<vmem>> -> memref<8x8x768xf32, #tpu.memory_space<vmem>>
      tpu.wait_dma2 semaphore(%run_scoped3A_472 : memref<!tpu.dma_semaphore, #tpu.memory_space<semaphore_mem>>) src(%dma_wait3A_504 : memref<8x8x768xf32, #tpu.memory_space<vmem>>) dst(%dma_wait3A_499 : memref<8x8x768xf32, #tpu.memory_space<hbm>>)
      tpu.yield
    }) : () -> ()
    %dma_wait3A_249 = arith.constant 3 : i32
    %dma_wait3A_250 = arith.constant 1 : i32
    %dma_wait3A_251 = arith.constant 0 : i32
    %dma_wait3A_252 = arith.constant 0 : i32
    %dma_wait3A_253 = tpu.memref_slice %arg10[%dma_wait3A_250, %dma_wait3A_251, %dma_wait3A_252] : memref<2x8x768xf32, #tpu.memory_space<vmem>> -> memref<1x8x768xf32, #tpu.memory_space<vmem>>
    %dma_wait3A_254 = tpu.memref_squeeze %dma_wait3A_253 : memref<1x8x768xf32, #tpu.memory_space<vmem>> -> memref<8x768xf32, #tpu.memory_space<vmem>>
    %dma_wait3A_255 = arith.constant 0 : i32
    %dma_wait3A_256 = tpu.memref_slice %arg8[%dma_wait3A_249, %dma_wait3A_255] : memref<8x8xi32, #tpu.memory_space<vmem>> -> memref<1x8xi32, #tpu.memory_space<vmem>>
    %dma_wait3A_257 = tpu.memref_squeeze %dma_wait3A_256 : memref<1x8xi32, #tpu.memory_space<vmem>> -> memref<8xi32, #tpu.memory_space<vmem>>
    %dma_wait3A_258 = arith.constant 0 : i32
    %dma_wait3A_259 = arith.constant 0 : i32
    %dma_wait3A_260 = tpu.memref_slice %arg3[%dma_wait3A_258, %dma_wait3A_259] : memref<8192x768xf32, #tpu.memory_space<hbm>> -> memref<8192x768xf32, #tpu.memory_space<hbm>>
    tpu.wait_indirect_dma semaphore(%arg14 : memref<!tpu.dma_semaphore, #tpu.memory_space<semaphore_mem>>) src(%dma_wait3A_260 : memref<8192x768xf32, #tpu.memory_space<hbm>>) dst(%dma_wait3A_254 : memref<8x768xf32, #tpu.memory_space<vmem>>)
    %run_scoped3A_261 = arith.constant 1 : i32
    "tpu.region"() ({
      %run_scoped3A_472 = tpu.sem_alloc : memref<!tpu.dma_semaphore, #tpu.memory_space<semaphore_mem>>
      %dma_start3A_473 = arith.constant 0 : i32
      %dma_start3A_474 = arith.constant 0 : i32
      %dma_start3A_475 = tpu.memref_slice %arg10[%run_scoped3A_261, %dma_start3A_473, %dma_start3A_474] : memref<2x8x768xf32, #tpu.memory_space<vmem>> -> memref<1x8x768xf32, #tpu.memory_space<vmem>>
      %dma_start3A_476 = tpu.memref_squeeze %dma_start3A_475 : memref<1x8x768xf32, #tpu.memory_space<vmem>> -> memref<8x768xf32, #tpu.memory_space<vmem>>
      %dma_start3A_477 = arith.constant 0 : i32
      %dma_start3A_478 = arith.constant 0 : i32
      %dma_start3A_479 = tpu.memref_slice %arg7[%add3A_244, %dma_start3A_477, %dma_start3A_478] : memref<256x8x768xf32, #tpu.memory_space<hbm>> -> memref<1x8x768xf32, #tpu.memory_space<hbm>>
      %dma_start3A_480 = tpu.memref_squeeze %dma_start3A_479 : memref<1x8x768xf32, #tpu.memory_space<hbm>> -> memref<8x768xf32, #tpu.memory_space<hbm>>
      %dma_start3A_481 = arith.constant 0 : i32
      %dma_start3A_482 = arith.constant 0 : i32
      %dma_start3A_483 = tpu.memref_slice %arg7[%add3A_244, %dma_start3A_481, %dma_start3A_482] : memref<256x8x768xf32, #tpu.memory_space<hbm>> -> memref<1x8x768xf32, #tpu.memory_space<hbm>>
      %dma_start3A_484 = tpu.memref_squeeze %dma_start3A_483 : memref<1x8x768xf32, #tpu.memory_space<hbm>> -> memref<8x768xf32, #tpu.memory_space<hbm>>
      %dma_start3A_485 = arith.constant 0 : i32
      %dma_start3A_486 = arith.constant 0 : i32
      %dma_start3A_487 = tpu.memref_slice %arg10[%run_scoped3A_261, %dma_start3A_485, %dma_start3A_486] : memref<2x8x768xf32, #tpu.memory_space<vmem>> -> memref<1x8x768xf32, #tpu.memory_space<vmem>>
      %dma_start3A_488 = tpu.memref_squeeze %dma_start3A_487 : memref<1x8x768xf32, #tpu.memory_space<vmem>> -> memref<8x768xf32, #tpu.memory_space<vmem>>
      tpu.enqueue_dma source(%dma_start3A_488 : memref<8x768xf32, #tpu.memory_space<vmem>>) target(%dma_start3A_484 : memref<8x768xf32, #tpu.memory_space<hbm>>) target_semaphore(%run_scoped3A_472 : memref<!tpu.dma_semaphore, #tpu.memory_space<semaphore_mem>>)
      %dma_wait3A_489 = arith.constant 0 : i32
      %dma_wait3A_490 = arith.constant 0 : i32
      %dma_wait3A_491 = tpu.memref_slice %arg10[%run_scoped3A_261, %dma_wait3A_489, %dma_wait3A_490] : memref<2x8x768xf32, #tpu.memory_space<vmem>> -> memref<1x8x768xf32, #tpu.memory_space<vmem>>
      %dma_wait3A_492 = tpu.memref_squeeze %dma_wait3A_491 : memref<1x8x768xf32, #tpu.memory_space<vmem>> -> memref<8x768xf32, #tpu.memory_space<vmem>>
      %dma_wait3A_493 = arith.constant 0 : i32
      %dma_wait3A_494 = arith.constant 0 : i32
      %dma_wait3A_495 = tpu.memref_slice %arg7[%add3A_244, %dma_wait3A_493, %dma_wait3A_494] : memref<256x8x768xf32, #tpu.memory_space<hbm>> -> memref<1x8x768xf32, #tpu.memory_space<hbm>>
      %dma_wait3A_496 = tpu.memref_squeeze %dma_wait3A_495 : memref<1x8x768xf32, #tpu.memory_space<hbm>> -> memref<8x768xf32, #tpu.memory_space<hbm>>
      %dma_wait3A_497 = arith.constant 0 : i32
      %dma_wait3A_498 = arith.constant 0 : i32
      %dma_wait3A_499 = tpu.memref_slice %arg7[%add3A_244, %dma_wait3A_497, %dma_wait3A_498] : memref<256x8x768xf32, #tpu.memory_space<hbm>> -> memref<1x8x768xf32, #tpu.memory_space<hbm>>
      %dma_wait3A_500 = tpu.memref_squeeze %dma_wait3A_499 : memref<1x8x768xf32, #tpu.memory_space<hbm>> -> memref<8x768xf32, #tpu.memory_space<hbm>>
      %dma_wait3A_501 = arith.constant 0 : i32
      %dma_wait3A_502 = arith.constant 0 : i32
      %dma_wait3A_503 = tpu.memref_slice %arg10[%run_scoped3A_261, %dma_wait3A_501, %dma_wait3A_502] : memref<2x8x768xf32, #tpu.memory_space<vmem>> -> memref<1x8x768xf32, #tpu.memory_space<vmem>>
      %dma_wait3A_504 = tpu.memref_squeeze %dma_wait3A_503 : memref<1x8x768xf32, #tpu.memory_space<vmem>> -> memref<8x768xf32, #tpu.memory_space<vmem>>
      tpu.wait_dma2 semaphore(%run_scoped3A_472 : memref<!tpu.dma_semaphore, #tpu.memory_space<semaphore_mem>>) src(%dma_wait3A_504 : memref<8x768xf32, #tpu.memory_space<vmem>>) dst(%dma_wait3A_500 : memref<8x768xf32, #tpu.memory_space<hbm>>)
      tpu.yield
    }) : () -> ()
    %dma_start3A_262 = arith.constant 5 : i32
    %dma_start3A_263 = arith.constant 1 : i32
    %dma_start3A_264 = arith.constant 0 : i32
    %dma_start3A_265 = arith.constant 0 : i32
    %dma_start3A_266 = arith.constant 0 : i32
    %dma_start3A_267 = tpu.memref_slice %arg9[%dma_start3A_263, %dma_start3A_264, %dma_start3A_265, %dma_start3A_266] : memref<2x8x8x768xf32, #tpu.memory_space<vmem>> -> memref<1x8x8x768xf32, #tpu.memory_space<vmem>>
    %dma_start3A_268 = tpu.memref_squeeze %dma_start3A_267 : memref<1x8x8x768xf32, #tpu.memory_space<vmem>> -> memref<8x8x768xf32, #tpu.memory_space<vmem>>
    %dma_start3A_269 = arith.constant 0 : i32
    %dma_start3A_270 = tpu.memref_slice %arg8[%dma_start3A_262, %dma_start3A_269] : memref<8x8xi32, #tpu.memory_space<vmem>> -> memref<1x8xi32, #tpu.memory_space<vmem>>
    %dma_start3A_271 = tpu.memref_squeeze %dma_start3A_270 : memref<1x8xi32, #tpu.memory_space<vmem>> -> memref<8xi32, #tpu.memory_space<vmem>>
    %dma_start3A_272 = arith.constant 0 : i32
    %dma_start3A_273 = arith.constant 0 : i32
    %dma_start3A_274 = arith.constant 0 : i32
    %dma_start3A_275 = tpu.memref_slice %arg2[%dma_start3A_272, %dma_start3A_273, %dma_start3A_274] : memref<8192x8x768xf32, #tpu.memory_space<hbm>> -> memref<8192x8x768xf32, #tpu.memory_space<hbm>>
    tpu.enqueue_indirect_dma source(%dma_start3A_275 : memref<8192x8x768xf32, #tpu.memory_space<hbm>>) target(%dma_start3A_268 : memref<8x8x768xf32, #tpu.memory_space<vmem>>) offsets(%dma_start3A_271 : memref<8xi32, #tpu.memory_space<vmem>>) semaphore(%arg12 : memref<!tpu.dma_semaphore, #tpu.memory_space<semaphore_mem>>)
    %dma_start3A_276 = arith.constant 5 : i32
    %dma_start3A_277 = arith.constant 1 : i32
    %dma_start3A_278 = arith.constant 0 : i32
    %dma_start3A_279 = arith.constant 0 : i32
    %dma_start3A_280 = tpu.memref_slice %arg10[%dma_start3A_277, %dma_start3A_278, %dma_start3A_279] : memref<2x8x768xf32, #tpu.memory_space<vmem>> -> memref<1x8x768xf32, #tpu.memory_space<vmem>>
    %dma_start3A_281 = tpu.memref_squeeze %dma_start3A_280 : memref<1x8x768xf32, #tpu.memory_space<vmem>> -> memref<8x768xf32, #tpu.memory_space<vmem>>
    %dma_start3A_282 = arith.constant 0 : i32
    %dma_start3A_283 = tpu.memref_slice %arg8[%dma_start3A_276, %dma_start3A_282] : memref<8x8xi32, #tpu.memory_space<vmem>> -> memref<1x8xi32, #tpu.memory_space<vmem>>
    %dma_start3A_284 = tpu.memref_squeeze %dma_start3A_283 : memref<1x8xi32, #tpu.memory_space<vmem>> -> memref<8xi32, #tpu.memory_space<vmem>>
    %dma_start3A_285 = arith.constant 0 : i32
    %dma_start3A_286 = arith.constant 0 : i32
    %dma_start3A_287 = tpu.memref_slice %arg3[%dma_start3A_285, %dma_start3A_286] : memref<8192x768xf32, #tpu.memory_space<hbm>> -> memref<8192x768xf32, #tpu.memory_space<hbm>>
    tpu.enqueue_indirect_dma source(%dma_start3A_287 : memref<8192x768xf32, #tpu.memory_space<hbm>>) target(%dma_start3A_281 : memref<8x768xf32, #tpu.memory_space<vmem>>) offsets(%dma_start3A_284 : memref<8xi32, #tpu.memory_space<vmem>>) semaphore(%arg14 : memref<!tpu.dma_semaphore, #tpu.memory_space<semaphore_mem>>)
    %dma_wait3A_288 = arith.constant 4 : i32
    %dma_wait3A_289 = arith.constant 0 : i32
    %dma_wait3A_290 = arith.constant 0 : i32
    %dma_wait3A_291 = arith.constant 0 : i32
    %dma_wait3A_292 = arith.constant 0 : i32
    %dma_wait3A_293 = tpu.memref_slice %arg9[%dma_wait3A_289, %dma_wait3A_290, %dma_wait3A_291, %dma_wait3A_292] : memref<2x8x8x768xf32, #tpu.memory_space<vmem>> -> memref<1x8x8x768xf32, #tpu.memory_space<vmem>>
    %dma_wait3A_294 = tpu.memref_squeeze %dma_wait3A_293 : memref<1x8x8x768xf32, #tpu.memory_space<vmem>> -> memref<8x8x768xf32, #tpu.memory_space<vmem>>
    %dma_wait3A_295 = arith.constant 0 : i32
    %dma_wait3A_296 = tpu.memref_slice %arg8[%dma_wait3A_288, %dma_wait3A_295] : memref<8x8xi32, #tpu.memory_space<vmem>> -> memref<1x8xi32, #tpu.memory_space<vmem>>
    %dma_wait3A_297 = tpu.memref_squeeze %dma_wait3A_296 : memref<1x8xi32, #tpu.memory_space<vmem>> -> memref<8xi32, #tpu.memory_space<vmem>>
    %dma_wait3A_298 = arith.constant 0 : i32
    %dma_wait3A_299 = arith.constant 0 : i32
    %dma_wait3A_300 = arith.constant 0 : i32
    %dma_wait3A_301 = tpu.memref_slice %arg2[%dma_wait3A_298, %dma_wait3A_299, %dma_wait3A_300] : memref<8192x8x768xf32, #tpu.memory_space<hbm>> -> memref<8192x8x768xf32, #tpu.memory_space<hbm>>
    tpu.wait_indirect_dma semaphore(%arg11 : memref<!tpu.dma_semaphore, #tpu.memory_space<semaphore_mem>>) src(%dma_wait3A_301 : memref<8192x8x768xf32, #tpu.memory_space<hbm>>) dst(%dma_wait3A_294 : memref<8x8x768xf32, #tpu.memory_space<vmem>>)
    %add3A_302 = arith.constant 4 : i32
    %add3A_303 = arith.addi %mul3A_2, %add3A_302 : i32
    %run_scoped3A_304 = arith.constant 0 : i32
    "tpu.region"() ({
      %run_scoped3A_472 = tpu.sem_alloc : memref<!tpu.dma_semaphore, #tpu.memory_space<semaphore_mem>>
      %dma_start3A_473 = arith.constant 0 : i32
      %dma_start3A_474 = arith.constant 0 : i32
      %dma_start3A_475 = arith.constant 0 : i32
      %dma_start3A_476 = tpu.memref_slice %arg9[%run_scoped3A_304, %dma_start3A_473, %dma_start3A_474, %dma_start3A_475] : memref<2x8x8x768xf32, #tpu.memory_space<vmem>> -> memref<1x8x8x768xf32, #tpu.memory_space<vmem>>
      %dma_start3A_477 = tpu.memref_squeeze %dma_start3A_476 : memref<1x8x8x768xf32, #tpu.memory_space<vmem>> -> memref<8x8x768xf32, #tpu.memory_space<vmem>>
      %dma_start3A_478 = arith.constant 0 : i32
      %dma_start3A_479 = arith.constant 0 : i32
      %dma_start3A_480 = arith.constant 0 : i32
      %dma_start3A_481 = tpu.memref_slice %arg5[%add3A_303, %dma_start3A_478, %dma_start3A_479, %dma_start3A_480] : memref<256x8x8x768xf32, #tpu.memory_space<hbm>> -> memref<1x8x8x768xf32, #tpu.memory_space<hbm>>
      %dma_start3A_482 = tpu.memref_squeeze %dma_start3A_481 : memref<1x8x8x768xf32, #tpu.memory_space<hbm>> -> memref<8x8x768xf32, #tpu.memory_space<hbm>>
      %dma_start3A_483 = arith.constant 0 : i32
      %dma_start3A_484 = arith.constant 0 : i32
      %dma_start3A_485 = arith.constant 0 : i32
      %dma_start3A_486 = tpu.memref_slice %arg5[%add3A_303, %dma_start3A_483, %dma_start3A_484, %dma_start3A_485] : memref<256x8x8x768xf32, #tpu.memory_space<hbm>> -> memref<1x8x8x768xf32, #tpu.memory_space<hbm>>
      %dma_start3A_487 = tpu.memref_squeeze %dma_start3A_486 : memref<1x8x8x768xf32, #tpu.memory_space<hbm>> -> memref<8x8x768xf32, #tpu.memory_space<hbm>>
      %dma_start3A_488 = arith.constant 0 : i32
      %dma_start3A_489 = arith.constant 0 : i32
      %dma_start3A_490 = arith.constant 0 : i32
      %dma_start3A_491 = tpu.memref_slice %arg9[%run_scoped3A_304, %dma_start3A_488, %dma_start3A_489, %dma_start3A_490] : memref<2x8x8x768xf32, #tpu.memory_space<vmem>> -> memref<1x8x8x768xf32, #tpu.memory_space<vmem>>
      %dma_start3A_492 = tpu.memref_squeeze %dma_start3A_491 : memref<1x8x8x768xf32, #tpu.memory_space<vmem>> -> memref<8x8x768xf32, #tpu.memory_space<vmem>>
      tpu.enqueue_dma source(%dma_start3A_492 : memref<8x8x768xf32, #tpu.memory_space<vmem>>) target(%dma_start3A_487 : memref<8x8x768xf32, #tpu.memory_space<hbm>>) target_semaphore(%run_scoped3A_472 : memref<!tpu.dma_semaphore, #tpu.memory_space<semaphore_mem>>)
      %dma_wait3A_493 = arith.constant 0 : i32
      %dma_wait3A_494 = arith.constant 0 : i32
      %dma_wait3A_495 = arith.constant 0 : i32
      %dma_wait3A_496 = tpu.memref_slice %arg9[%run_scoped3A_304, %dma_wait3A_493, %dma_wait3A_494, %dma_wait3A_495] : memref<2x8x8x768xf32, #tpu.memory_space<vmem>> -> memref<1x8x8x768xf32, #tpu.memory_space<vmem>>
      %dma_wait3A_497 = tpu.memref_squeeze %dma_wait3A_496 : memref<1x8x8x768xf32, #tpu.memory_space<vmem>> -> memref<8x8x768xf32, #tpu.memory_space<vmem>>
      %dma_wait3A_498 = arith.constant 0 : i32
      %dma_wait3A_499 = arith.constant 0 : i32
      %dma_wait3A_500 = arith.constant 0 : i32
      %dma_wait3A_501 = tpu.memref_slice %arg5[%add3A_303, %dma_wait3A_498, %dma_wait3A_499, %dma_wait3A_500] : memref<256x8x8x768xf32, #tpu.memory_space<hbm>> -> memref<1x8x8x768xf32, #tpu.memory_space<hbm>>
      %dma_wait3A_502 = tpu.memref_squeeze %dma_wait3A_501 : memref<1x8x8x768xf32, #tpu.memory_space<hbm>> -> memref<8x8x768xf32, #tpu.memory_space<hbm>>
      %dma_wait3A_503 = arith.constant 0 : i32
      %dma_wait3A_504 = arith.constant 0 : i32
      %dma_wait3A_505 = arith.constant 0 : i32
      %dma_wait3A_506 = tpu.memref_slice %arg5[%add3A_303, %dma_wait3A_503, %dma_wait3A_504, %dma_wait3A_505] : memref<256x8x8x768xf32, #tpu.memory_space<hbm>> -> memref<1x8x8x768xf32, #tpu.memory_space<hbm>>
      %dma_wait3A_507 = tpu.memref_squeeze %dma_wait3A_506 : memref<1x8x8x768xf32, #tpu.memory_space<hbm>> -> memref<8x8x768xf32, #tpu.memory_space<hbm>>
      %dma_wait3A_508 = arith.constant 0 : i32
      %dma_wait3A_509 = arith.constant 0 : i32
      %dma_wait3A_510 = arith.constant 0 : i32
      %dma_wait3A_511 = tpu.memref_slice %arg9[%run_scoped3A_304, %dma_wait3A_508, %dma_wait3A_509, %dma_wait3A_510] : memref<2x8x8x768xf32, #tpu.memory_space<vmem>> -> memref<1x8x8x768xf32, #tpu.memory_space<vmem>>
      %dma_wait3A_512 = tpu.memref_squeeze %dma_wait3A_511 : memref<1x8x8x768xf32, #tpu.memory_space<vmem>> -> memref<8x8x768xf32, #tpu.memory_space<vmem>>
      tpu.wait_dma2 semaphore(%run_scoped3A_472 : memref<!tpu.dma_semaphore, #tpu.memory_space<semaphore_mem>>) src(%dma_wait3A_512 : memref<8x8x768xf32, #tpu.memory_space<vmem>>) dst(%dma_wait3A_507 : memref<8x8x768xf32, #tpu.memory_space<hbm>>)
      tpu.yield
    }) : () -> ()
    %mul3A_305 = arith.constant 8 : i32
    %mul3A_306 = arith.muli %add3A_303, %mul3A_305 : i32
    %run_scoped3A_307 = arith.constant 0 : i32
    "tpu.region"() ({
      %run_scoped3A_472 = tpu.sem_alloc : memref<!tpu.dma_semaphore, #tpu.memory_space<semaphore_mem>>
      %dma_start3A_473 = arith.constant 0 : i32
      %dma_start3A_474 = arith.constant 0 : i32
      %dma_start3A_475 = arith.constant 0 : i32
      %dma_start3A_476 = tpu.memref_slice %arg9[%run_scoped3A_307, %dma_start3A_473, %dma_start3A_474, %dma_start3A_475] : memref<2x8x8x768xf32, #tpu.memory_space<vmem>> -> memref<1x8x8x768xf32, #tpu.memory_space<vmem>>
      %dma_start3A_477 = tpu.memref_squeeze %dma_start3A_476 : memref<1x8x8x768xf32, #tpu.memory_space<vmem>> -> memref<8x8x768xf32, #tpu.memory_space<vmem>>
      %dma_start3A_478 = arith.constant 0 : i32
      %dma_start3A_479 = arith.constant 0 : i32
      %dma_start3A_480 = tpu.memref_slice %arg6[%mul3A_306, %dma_start3A_478, %dma_start3A_479] : memref<2048x8x768xf32, #tpu.memory_space<hbm>> -> memref<8x8x768xf32, #tpu.memory_space<hbm>>
      %dma_start3A_481 = arith.constant 0 : i32
      %dma_start3A_482 = arith.constant 0 : i32
      %dma_start3A_483 = tpu.memref_slice %arg6[%mul3A_306, %dma_start3A_481, %dma_start3A_482] : memref<2048x8x768xf32, #tpu.memory_space<hbm>> -> memref<8x8x768xf32, #tpu.memory_space<hbm>>
      %dma_start3A_484 = arith.constant 0 : i32
      %dma_start3A_485 = arith.constant 0 : i32
      %dma_start3A_486 = arith.constant 0 : i32
      %dma_start3A_487 = tpu.memref_slice %arg9[%run_scoped3A_307, %dma_start3A_484, %dma_start3A_485, %dma_start3A_486] : memref<2x8x8x768xf32, #tpu.memory_space<vmem>> -> memref<1x8x8x768xf32, #tpu.memory_space<vmem>>
      %dma_start3A_488 = tpu.memref_squeeze %dma_start3A_487 : memref<1x8x8x768xf32, #tpu.memory_space<vmem>> -> memref<8x8x768xf32, #tpu.memory_space<vmem>>
      tpu.enqueue_dma source(%dma_start3A_488 : memref<8x8x768xf32, #tpu.memory_space<vmem>>) target(%dma_start3A_483 : memref<8x8x768xf32, #tpu.memory_space<hbm>>) target_semaphore(%run_scoped3A_472 : memref<!tpu.dma_semaphore, #tpu.memory_space<semaphore_mem>>)
      %dma_wait3A_489 = arith.constant 0 : i32
      %dma_wait3A_490 = arith.constant 0 : i32
      %dma_wait3A_491 = arith.constant 0 : i32
      %dma_wait3A_492 = tpu.memref_slice %arg9[%run_scoped3A_307, %dma_wait3A_489, %dma_wait3A_490, %dma_wait3A_491] : memref<2x8x8x768xf32, #tpu.memory_space<vmem>> -> memref<1x8x8x768xf32, #tpu.memory_space<vmem>>
      %dma_wait3A_493 = tpu.memref_squeeze %dma_wait3A_492 : memref<1x8x8x768xf32, #tpu.memory_space<vmem>> -> memref<8x8x768xf32, #tpu.memory_space<vmem>>
      %dma_wait3A_494 = arith.constant 0 : i32
      %dma_wait3A_495 = arith.constant 0 : i32
      %dma_wait3A_496 = tpu.memref_slice %arg6[%mul3A_306, %dma_wait3A_494, %dma_wait3A_495] : memref<2048x8x768xf32, #tpu.memory_space<hbm>> -> memref<8x8x768xf32, #tpu.memory_space<hbm>>
      %dma_wait3A_497 = arith.constant 0 : i32
      %dma_wait3A_498 = arith.constant 0 : i32
      %dma_wait3A_499 = tpu.memref_slice %arg6[%mul3A_306, %dma_wait3A_497, %dma_wait3A_498] : memref<2048x8x768xf32, #tpu.memory_space<hbm>> -> memref<8x8x768xf32, #tpu.memory_space<hbm>>
      %dma_wait3A_500 = arith.constant 0 : i32
      %dma_wait3A_501 = arith.constant 0 : i32
      %dma_wait3A_502 = arith.constant 0 : i32
      %dma_wait3A_503 = tpu.memref_slice %arg9[%run_scoped3A_307, %dma_wait3A_500, %dma_wait3A_501, %dma_wait3A_502] : memref<2x8x8x768xf32, #tpu.memory_space<vmem>> -> memref<1x8x8x768xf32, #tpu.memory_space<vmem>>
      %dma_wait3A_504 = tpu.memref_squeeze %dma_wait3A_503 : memref<1x8x8x768xf32, #tpu.memory_space<vmem>> -> memref<8x8x768xf32, #tpu.memory_space<vmem>>
      tpu.wait_dma2 semaphore(%run_scoped3A_472 : memref<!tpu.dma_semaphore, #tpu.memory_space<semaphore_mem>>) src(%dma_wait3A_504 : memref<8x8x768xf32, #tpu.memory_space<vmem>>) dst(%dma_wait3A_499 : memref<8x8x768xf32, #tpu.memory_space<hbm>>)
      tpu.yield
    }) : () -> ()
    %dma_wait3A_308 = arith.constant 4 : i32
    %dma_wait3A_309 = arith.constant 0 : i32
    %dma_wait3A_310 = arith.constant 0 : i32
    %dma_wait3A_311 = arith.constant 0 : i32
    %dma_wait3A_312 = tpu.memref_slice %arg10[%dma_wait3A_309, %dma_wait3A_310, %dma_wait3A_311] : memref<2x8x768xf32, #tpu.memory_space<vmem>> -> memref<1x8x768xf32, #tpu.memory_space<vmem>>
    %dma_wait3A_313 = tpu.memref_squeeze %dma_wait3A_312 : memref<1x8x768xf32, #tpu.memory_space<vmem>> -> memref<8x768xf32, #tpu.memory_space<vmem>>
    %dma_wait3A_314 = arith.constant 0 : i32
    %dma_wait3A_315 = tpu.memref_slice %arg8[%dma_wait3A_308, %dma_wait3A_314] : memref<8x8xi32, #tpu.memory_space<vmem>> -> memref<1x8xi32, #tpu.memory_space<vmem>>
    %dma_wait3A_316 = tpu.memref_squeeze %dma_wait3A_315 : memref<1x8xi32, #tpu.memory_space<vmem>> -> memref<8xi32, #tpu.memory_space<vmem>>
    %dma_wait3A_317 = arith.constant 0 : i32
    %dma_wait3A_318 = arith.constant 0 : i32
    %dma_wait3A_319 = tpu.memref_slice %arg3[%dma_wait3A_317, %dma_wait3A_318] : memref<8192x768xf32, #tpu.memory_space<hbm>> -> memref<8192x768xf32, #tpu.memory_space<hbm>>
    tpu.wait_indirect_dma semaphore(%arg13 : memref<!tpu.dma_semaphore, #tpu.memory_space<semaphore_mem>>) src(%dma_wait3A_319 : memref<8192x768xf32, #tpu.memory_space<hbm>>) dst(%dma_wait3A_313 : memref<8x768xf32, #tpu.memory_space<vmem>>)
    %run_scoped3A_320 = arith.constant 0 : i32
    "tpu.region"() ({
      %run_scoped3A_472 = tpu.sem_alloc : memref<!tpu.dma_semaphore, #tpu.memory_space<semaphore_mem>>
      %dma_start3A_473 = arith.constant 0 : i32
      %dma_start3A_474 = arith.constant 0 : i32
      %dma_start3A_475 = tpu.memref_slice %arg10[%run_scoped3A_320, %dma_start3A_473, %dma_start3A_474] : memref<2x8x768xf32, #tpu.memory_space<vmem>> -> memref<1x8x768xf32, #tpu.memory_space<vmem>>
      %dma_start3A_476 = tpu.memref_squeeze %dma_start3A_475 : memref<1x8x768xf32, #tpu.memory_space<vmem>> -> memref<8x768xf32, #tpu.memory_space<vmem>>
      %dma_start3A_477 = arith.constant 0 : i32
      %dma_start3A_478 = arith.constant 0 : i32
      %dma_start3A_479 = tpu.memref_slice %arg7[%add3A_303, %dma_start3A_477, %dma_start3A_478] : memref<256x8x768xf32, #tpu.memory_space<hbm>> -> memref<1x8x768xf32, #tpu.memory_space<hbm>>
      %dma_start3A_480 = tpu.memref_squeeze %dma_start3A_479 : memref<1x8x768xf32, #tpu.memory_space<hbm>> -> memref<8x768xf32, #tpu.memory_space<hbm>>
      %dma_start3A_481 = arith.constant 0 : i32
      %dma_start3A_482 = arith.constant 0 : i32
      %dma_start3A_483 = tpu.memref_slice %arg7[%add3A_303, %dma_start3A_481, %dma_start3A_482] : memref<256x8x768xf32, #tpu.memory_space<hbm>> -> memref<1x8x768xf32, #tpu.memory_space<hbm>>
      %dma_start3A_484 = tpu.memref_squeeze %dma_start3A_483 : memref<1x8x768xf32, #tpu.memory_space<hbm>> -> memref<8x768xf32, #tpu.memory_space<hbm>>
      %dma_start3A_485 = arith.constant 0 : i32
      %dma_start3A_486 = arith.constant 0 : i32
      %dma_start3A_487 = tpu.memref_slice %arg10[%run_scoped3A_320, %dma_start3A_485, %dma_start3A_486] : memref<2x8x768xf32, #tpu.memory_space<vmem>> -> memref<1x8x768xf32, #tpu.memory_space<vmem>>
      %dma_start3A_488 = tpu.memref_squeeze %dma_start3A_487 : memref<1x8x768xf32, #tpu.memory_space<vmem>> -> memref<8x768xf32, #tpu.memory_space<vmem>>
      tpu.enqueue_dma source(%dma_start3A_488 : memref<8x768xf32, #tpu.memory_space<vmem>>) target(%dma_start3A_484 : memref<8x768xf32, #tpu.memory_space<hbm>>) target_semaphore(%run_scoped3A_472 : memref<!tpu.dma_semaphore, #tpu.memory_space<semaphore_mem>>)
      %dma_wait3A_489 = arith.constant 0 : i32
      %dma_wait3A_490 = arith.constant 0 : i32
      %dma_wait3A_491 = tpu.memref_slice %arg10[%run_scoped3A_320, %dma_wait3A_489, %dma_wait3A_490] : memref<2x8x768xf32, #tpu.memory_space<vmem>> -> memref<1x8x768xf32, #tpu.memory_space<vmem>>
      %dma_wait3A_492 = tpu.memref_squeeze %dma_wait3A_491 : memref<1x8x768xf32, #tpu.memory_space<vmem>> -> memref<8x768xf32, #tpu.memory_space<vmem>>
      %dma_wait3A_493 = arith.constant 0 : i32
      %dma_wait3A_494 = arith.constant 0 : i32
      %dma_wait3A_495 = tpu.memref_slice %arg7[%add3A_303, %dma_wait3A_493, %dma_wait3A_494] : memref<256x8x768xf32, #tpu.memory_space<hbm>> -> memref<1x8x768xf32, #tpu.memory_space<hbm>>
      %dma_wait3A_496 = tpu.memref_squeeze %dma_wait3A_495 : memref<1x8x768xf32, #tpu.memory_space<hbm>> -> memref<8x768xf32, #tpu.memory_space<hbm>>
      %dma_wait3A_497 = arith.constant 0 : i32
      %dma_wait3A_498 = arith.constant 0 : i32
      %dma_wait3A_499 = tpu.memref_slice %arg7[%add3A_303, %dma_wait3A_497, %dma_wait3A_498] : memref<256x8x768xf32, #tpu.memory_space<hbm>> -> memref<1x8x768xf32, #tpu.memory_space<hbm>>
      %dma_wait3A_500 = tpu.memref_squeeze %dma_wait3A_499 : memref<1x8x768xf32, #tpu.memory_space<hbm>> -> memref<8x768xf32, #tpu.memory_space<hbm>>
      %dma_wait3A_501 = arith.constant 0 : i32
      %dma_wait3A_502 = arith.constant 0 : i32
      %dma_wait3A_503 = tpu.memref_slice %arg10[%run_scoped3A_320, %dma_wait3A_501, %dma_wait3A_502] : memref<2x8x768xf32, #tpu.memory_space<vmem>> -> memref<1x8x768xf32, #tpu.memory_space<vmem>>
      %dma_wait3A_504 = tpu.memref_squeeze %dma_wait3A_503 : memref<1x8x768xf32, #tpu.memory_space<vmem>> -> memref<8x768xf32, #tpu.memory_space<vmem>>
      tpu.wait_dma2 semaphore(%run_scoped3A_472 : memref<!tpu.dma_semaphore, #tpu.memory_space<semaphore_mem>>) src(%dma_wait3A_504 : memref<8x768xf32, #tpu.memory_space<vmem>>) dst(%dma_wait3A_500 : memref<8x768xf32, #tpu.memory_space<hbm>>)
      tpu.yield
    }) : () -> ()
    %dma_start3A_321 = arith.constant 6 : i32
    %dma_start3A_322 = arith.constant 0 : i32
    %dma_start3A_323 = arith.constant 0 : i32
    %dma_start3A_324 = arith.constant 0 : i32
    %dma_start3A_325 = arith.constant 0 : i32
    %dma_start3A_326 = tpu.memref_slice %arg9[%dma_start3A_322, %dma_start3A_323, %dma_start3A_324, %dma_start3A_325] : memref<2x8x8x768xf32, #tpu.memory_space<vmem>> -> memref<1x8x8x768xf32, #tpu.memory_space<vmem>>
    %dma_start3A_327 = tpu.memref_squeeze %dma_start3A_326 : memref<1x8x8x768xf32, #tpu.memory_space<vmem>> -> memref<8x8x768xf32, #tpu.memory_space<vmem>>
    %dma_start3A_328 = arith.constant 0 : i32
    %dma_start3A_329 = tpu.memref_slice %arg8[%dma_start3A_321, %dma_start3A_328] : memref<8x8xi32, #tpu.memory_space<vmem>> -> memref<1x8xi32, #tpu.memory_space<vmem>>
    %dma_start3A_330 = tpu.memref_squeeze %dma_start3A_329 : memref<1x8xi32, #tpu.memory_space<vmem>> -> memref<8xi32, #tpu.memory_space<vmem>>
    %dma_start3A_331 = arith.constant 0 : i32
    %dma_start3A_332 = arith.constant 0 : i32
    %dma_start3A_333 = arith.constant 0 : i32
    %dma_start3A_334 = tpu.memref_slice %arg2[%dma_start3A_331, %dma_start3A_332, %dma_start3A_333] : memref<8192x8x768xf32, #tpu.memory_space<hbm>> -> memref<8192x8x768xf32, #tpu.memory_space<hbm>>
    tpu.enqueue_indirect_dma source(%dma_start3A_334 : memref<8192x8x768xf32, #tpu.memory_space<hbm>>) target(%dma_start3A_327 : memref<8x8x768xf32, #tpu.memory_space<vmem>>) offsets(%dma_start3A_330 : memref<8xi32, #tpu.memory_space<vmem>>) semaphore(%arg11 : memref<!tpu.dma_semaphore, #tpu.memory_space<semaphore_mem>>)
    %dma_start3A_335 = arith.constant 6 : i32
    %dma_start3A_336 = arith.constant 0 : i32
    %dma_start3A_337 = arith.constant 0 : i32
    %dma_start3A_338 = arith.constant 0 : i32
    %dma_start3A_339 = tpu.memref_slice %arg10[%dma_start3A_336, %dma_start3A_337, %dma_start3A_338] : memref<2x8x768xf32, #tpu.memory_space<vmem>> -> memref<1x8x768xf32, #tpu.memory_space<vmem>>
    %dma_start3A_340 = tpu.memref_squeeze %dma_start3A_339 : memref<1x8x768xf32, #tpu.memory_space<vmem>> -> memref<8x768xf32, #tpu.memory_space<vmem>>
    %dma_start3A_341 = arith.constant 0 : i32
    %dma_start3A_342 = tpu.memref_slice %arg8[%dma_start3A_335, %dma_start3A_341] : memref<8x8xi32, #tpu.memory_space<vmem>> -> memref<1x8xi32, #tpu.memory_space<vmem>>
    %dma_start3A_343 = tpu.memref_squeeze %dma_start3A_342 : memref<1x8xi32, #tpu.memory_space<vmem>> -> memref<8xi32, #tpu.memory_space<vmem>>
    %dma_start3A_344 = arith.constant 0 : i32
    %dma_start3A_345 = arith.constant 0 : i32
    %dma_start3A_346 = tpu.memref_slice %arg3[%dma_start3A_344, %dma_start3A_345] : memref<8192x768xf32, #tpu.memory_space<hbm>> -> memref<8192x768xf32, #tpu.memory_space<hbm>>
    tpu.enqueue_indirect_dma source(%dma_start3A_346 : memref<8192x768xf32, #tpu.memory_space<hbm>>) target(%dma_start3A_340 : memref<8x768xf32, #tpu.memory_space<vmem>>) offsets(%dma_start3A_343 : memref<8xi32, #tpu.memory_space<vmem>>) semaphore(%arg13 : memref<!tpu.dma_semaphore, #tpu.memory_space<semaphore_mem>>)
    %dma_wait3A_347 = arith.constant 5 : i32
    %dma_wait3A_348 = arith.constant 1 : i32
    %dma_wait3A_349 = arith.constant 0 : i32
    %dma_wait3A_350 = arith.constant 0 : i32
    %dma_wait3A_351 = arith.constant 0 : i32
    %dma_wait3A_352 = tpu.memref_slice %arg9[%dma_wait3A_348, %dma_wait3A_349, %dma_wait3A_350, %dma_wait3A_351] : memref<2x8x8x768xf32, #tpu.memory_space<vmem>> -> memref<1x8x8x768xf32, #tpu.memory_space<vmem>>
    %dma_wait3A_353 = tpu.memref_squeeze %dma_wait3A_352 : memref<1x8x8x768xf32, #tpu.memory_space<vmem>> -> memref<8x8x768xf32, #tpu.memory_space<vmem>>
    %dma_wait3A_354 = arith.constant 0 : i32
    %dma_wait3A_355 = tpu.memref_slice %arg8[%dma_wait3A_347, %dma_wait3A_354] : memref<8x8xi32, #tpu.memory_space<vmem>> -> memref<1x8xi32, #tpu.memory_space<vmem>>
    %dma_wait3A_356 = tpu.memref_squeeze %dma_wait3A_355 : memref<1x8xi32, #tpu.memory_space<vmem>> -> memref<8xi32, #tpu.memory_space<vmem>>
    %dma_wait3A_357 = arith.constant 0 : i32
    %dma_wait3A_358 = arith.constant 0 : i32
    %dma_wait3A_359 = arith.constant 0 : i32
    %dma_wait3A_360 = tpu.memref_slice %arg2[%dma_wait3A_357, %dma_wait3A_358, %dma_wait3A_359] : memref<8192x8x768xf32, #tpu.memory_space<hbm>> -> memref<8192x8x768xf32, #tpu.memory_space<hbm>>
    tpu.wait_indirect_dma semaphore(%arg12 : memref<!tpu.dma_semaphore, #tpu.memory_space<semaphore_mem>>) src(%dma_wait3A_360 : memref<8192x8x768xf32, #tpu.memory_space<hbm>>) dst(%dma_wait3A_353 : memref<8x8x768xf32, #tpu.memory_space<vmem>>)
    %add3A_361 = arith.constant 5 : i32
    %add3A_362 = arith.addi %mul3A_2, %add3A_361 : i32
    %run_scoped3A_363 = arith.constant 1 : i32
    "tpu.region"() ({
      %run_scoped3A_472 = tpu.sem_alloc : memref<!tpu.dma_semaphore, #tpu.memory_space<semaphore_mem>>
      %dma_start3A_473 = arith.constant 0 : i32
      %dma_start3A_474 = arith.constant 0 : i32
      %dma_start3A_475 = arith.constant 0 : i32
      %dma_start3A_476 = tpu.memref_slice %arg9[%run_scoped3A_363, %dma_start3A_473, %dma_start3A_474, %dma_start3A_475] : memref<2x8x8x768xf32, #tpu.memory_space<vmem>> -> memref<1x8x8x768xf32, #tpu.memory_space<vmem>>
      %dma_start3A_477 = tpu.memref_squeeze %dma_start3A_476 : memref<1x8x8x768xf32, #tpu.memory_space<vmem>> -> memref<8x8x768xf32, #tpu.memory_space<vmem>>
      %dma_start3A_478 = arith.constant 0 : i32
      %dma_start3A_479 = arith.constant 0 : i32
      %dma_start3A_480 = arith.constant 0 : i32
      %dma_start3A_481 = tpu.memref_slice %arg5[%add3A_362, %dma_start3A_478, %dma_start3A_479, %dma_start3A_480] : memref<256x8x8x768xf32, #tpu.memory_space<hbm>> -> memref<1x8x8x768xf32, #tpu.memory_space<hbm>>
      %dma_start3A_482 = tpu.memref_squeeze %dma_start3A_481 : memref<1x8x8x768xf32, #tpu.memory_space<hbm>> -> memref<8x8x768xf32, #tpu.memory_space<hbm>>
      %dma_start3A_483 = arith.constant 0 : i32
      %dma_start3A_484 = arith.constant 0 : i32
      %dma_start3A_485 = arith.constant 0 : i32
      %dma_start3A_486 = tpu.memref_slice %arg5[%add3A_362, %dma_start3A_483, %dma_start3A_484, %dma_start3A_485] : memref<256x8x8x768xf32, #tpu.memory_space<hbm>> -> memref<1x8x8x768xf32, #tpu.memory_space<hbm>>
      %dma_start3A_487 = tpu.memref_squeeze %dma_start3A_486 : memref<1x8x8x768xf32, #tpu.memory_space<hbm>> -> memref<8x8x768xf32, #tpu.memory_space<hbm>>
      %dma_start3A_488 = arith.constant 0 : i32
      %dma_start3A_489 = arith.constant 0 : i32
      %dma_start3A_490 = arith.constant 0 : i32
      %dma_start3A_491 = tpu.memref_slice %arg9[%run_scoped3A_363, %dma_start3A_488, %dma_start3A_489, %dma_start3A_490] : memref<2x8x8x768xf32, #tpu.memory_space<vmem>> -> memref<1x8x8x768xf32, #tpu.memory_space<vmem>>
      %dma_start3A_492 = tpu.memref_squeeze %dma_start3A_491 : memref<1x8x8x768xf32, #tpu.memory_space<vmem>> -> memref<8x8x768xf32, #tpu.memory_space<vmem>>
      tpu.enqueue_dma source(%dma_start3A_492 : memref<8x8x768xf32, #tpu.memory_space<vmem>>) target(%dma_start3A_487 : memref<8x8x768xf32, #tpu.memory_space<hbm>>) target_semaphore(%run_scoped3A_472 : memref<!tpu.dma_semaphore, #tpu.memory_space<semaphore_mem>>)
      %dma_wait3A_493 = arith.constant 0 : i32
      %dma_wait3A_494 = arith.constant 0 : i32
      %dma_wait3A_495 = arith.constant 0 : i32
      %dma_wait3A_496 = tpu.memref_slice %arg9[%run_scoped3A_363, %dma_wait3A_493, %dma_wait3A_494, %dma_wait3A_495] : memref<2x8x8x768xf32, #tpu.memory_space<vmem>> -> memref<1x8x8x768xf32, #tpu.memory_space<vmem>>
      %dma_wait3A_497 = tpu.memref_squeeze %dma_wait3A_496 : memref<1x8x8x768xf32, #tpu.memory_space<vmem>> -> memref<8x8x768xf32, #tpu.memory_space<vmem>>
      %dma_wait3A_498 = arith.constant 0 : i32
      %dma_wait3A_499 = arith.constant 0 : i32
      %dma_wait3A_500 = arith.constant 0 : i32
      %dma_wait3A_501 = tpu.memref_slice %arg5[%add3A_362, %dma_wait3A_498, %dma_wait3A_499, %dma_wait3A_500] : memref<256x8x8x768xf32, #tpu.memory_space<hbm>> -> memref<1x8x8x768xf32, #tpu.memory_space<hbm>>
      %dma_wait3A_502 = tpu.memref_squeeze %dma_wait3A_501 : memref<1x8x8x768xf32, #tpu.memory_space<hbm>> -> memref<8x8x768xf32, #tpu.memory_space<hbm>>
      %dma_wait3A_503 = arith.constant 0 : i32
      %dma_wait3A_504 = arith.constant 0 : i32
      %dma_wait3A_505 = arith.constant 0 : i32
      %dma_wait3A_506 = tpu.memref_slice %arg5[%add3A_362, %dma_wait3A_503, %dma_wait3A_504, %dma_wait3A_505] : memref<256x8x8x768xf32, #tpu.memory_space<hbm>> -> memref<1x8x8x768xf32, #tpu.memory_space<hbm>>
      %dma_wait3A_507 = tpu.memref_squeeze %dma_wait3A_506 : memref<1x8x8x768xf32, #tpu.memory_space<hbm>> -> memref<8x8x768xf32, #tpu.memory_space<hbm>>
      %dma_wait3A_508 = arith.constant 0 : i32
      %dma_wait3A_509 = arith.constant 0 : i32
      %dma_wait3A_510 = arith.constant 0 : i32
      %dma_wait3A_511 = tpu.memref_slice %arg9[%run_scoped3A_363, %dma_wait3A_508, %dma_wait3A_509, %dma_wait3A_510] : memref<2x8x8x768xf32, #tpu.memory_space<vmem>> -> memref<1x8x8x768xf32, #tpu.memory_space<vmem>>
      %dma_wait3A_512 = tpu.memref_squeeze %dma_wait3A_511 : memref<1x8x8x768xf32, #tpu.memory_space<vmem>> -> memref<8x8x768xf32, #tpu.memory_space<vmem>>
      tpu.wait_dma2 semaphore(%run_scoped3A_472 : memref<!tpu.dma_semaphore, #tpu.memory_space<semaphore_mem>>) src(%dma_wait3A_512 : memref<8x8x768xf32, #tpu.memory_space<vmem>>) dst(%dma_wait3A_507 : memref<8x8x768xf32, #tpu.memory_space<hbm>>)
      tpu.yield
    }) : () -> ()
    %mul3A_364 = arith.constant 8 : i32
    %mul3A_365 = arith.muli %add3A_362, %mul3A_364 : i32
    %run_scoped3A_366 = arith.constant 1 : i32
    "tpu.region"() ({
      %run_scoped3A_472 = tpu.sem_alloc : memref<!tpu.dma_semaphore, #tpu.memory_space<semaphore_mem>>
      %dma_start3A_473 = arith.constant 0 : i32
      %dma_start3A_474 = arith.constant 0 : i32
      %dma_start3A_475 = arith.constant 0 : i32
      %dma_start3A_476 = tpu.memref_slice %arg9[%run_scoped3A_366, %dma_start3A_473, %dma_start3A_474, %dma_start3A_475] : memref<2x8x8x768xf32, #tpu.memory_space<vmem>> -> memref<1x8x8x768xf32, #tpu.memory_space<vmem>>
      %dma_start3A_477 = tpu.memref_squeeze %dma_start3A_476 : memref<1x8x8x768xf32, #tpu.memory_space<vmem>> -> memref<8x8x768xf32, #tpu.memory_space<vmem>>
      %dma_start3A_478 = arith.constant 0 : i32
      %dma_start3A_479 = arith.constant 0 : i32
      %dma_start3A_480 = tpu.memref_slice %arg6[%mul3A_365, %dma_start3A_478, %dma_start3A_479] : memref<2048x8x768xf32, #tpu.memory_space<hbm>> -> memref<8x8x768xf32, #tpu.memory_space<hbm>>
      %dma_start3A_481 = arith.constant 0 : i32
      %dma_start3A_482 = arith.constant 0 : i32
      %dma_start3A_483 = tpu.memref_slice %arg6[%mul3A_365, %dma_start3A_481, %dma_start3A_482] : memref<2048x8x768xf32, #tpu.memory_space<hbm>> -> memref<8x8x768xf32, #tpu.memory_space<hbm>>
      %dma_start3A_484 = arith.constant 0 : i32
      %dma_start3A_485 = arith.constant 0 : i32
      %dma_start3A_486 = arith.constant 0 : i32
      %dma_start3A_487 = tpu.memref_slice %arg9[%run_scoped3A_366, %dma_start3A_484, %dma_start3A_485, %dma_start3A_486] : memref<2x8x8x768xf32, #tpu.memory_space<vmem>> -> memref<1x8x8x768xf32, #tpu.memory_space<vmem>>
      %dma_start3A_488 = tpu.memref_squeeze %dma_start3A_487 : memref<1x8x8x768xf32, #tpu.memory_space<vmem>> -> memref<8x8x768xf32, #tpu.memory_space<vmem>>
      tpu.enqueue_dma source(%dma_start3A_488 : memref<8x8x768xf32, #tpu.memory_space<vmem>>) target(%dma_start3A_483 : memref<8x8x768xf32, #tpu.memory_space<hbm>>) target_semaphore(%run_scoped3A_472 : memref<!tpu.dma_semaphore, #tpu.memory_space<semaphore_mem>>)
      %dma_wait3A_489 = arith.constant 0 : i32
      %dma_wait3A_490 = arith.constant 0 : i32
      %dma_wait3A_491 = arith.constant 0 : i32
      %dma_wait3A_492 = tpu.memref_slice %arg9[%run_scoped3A_366, %dma_wait3A_489, %dma_wait3A_490, %dma_wait3A_491] : memref<2x8x8x768xf32, #tpu.memory_space<vmem>> -> memref<1x8x8x768xf32, #tpu.memory_space<vmem>>
      %dma_wait3A_493 = tpu.memref_squeeze %dma_wait3A_492 : memref<1x8x8x768xf32, #tpu.memory_space<vmem>> -> memref<8x8x768xf32, #tpu.memory_space<vmem>>
      %dma_wait3A_494 = arith.constant 0 : i32
      %dma_wait3A_495 = arith.constant 0 : i32
      %dma_wait3A_496 = tpu.memref_slice %arg6[%mul3A_365, %dma_wait3A_494, %dma_wait3A_495] : memref<2048x8x768xf32, #tpu.memory_space<hbm>> -> memref<8x8x768xf32, #tpu.memory_space<hbm>>
      %dma_wait3A_497 = arith.constant 0 : i32
      %dma_wait3A_498 = arith.constant 0 : i32
      %dma_wait3A_499 = tpu.memref_slice %arg6[%mul3A_365, %dma_wait3A_497, %dma_wait3A_498] : memref<2048x8x768xf32, #tpu.memory_space<hbm>> -> memref<8x8x768xf32, #tpu.memory_space<hbm>>
      %dma_wait3A_500 = arith.constant 0 : i32
      %dma_wait3A_501 = arith.constant 0 : i32
      %dma_wait3A_502 = arith.constant 0 : i32
      %dma_wait3A_503 = tpu.memref_slice %arg9[%run_scoped3A_366, %dma_wait3A_500, %dma_wait3A_501, %dma_wait3A_502] : memref<2x8x8x768xf32, #tpu.memory_space<vmem>> -> memref<1x8x8x768xf32, #tpu.memory_space<vmem>>
      %dma_wait3A_504 = tpu.memref_squeeze %dma_wait3A_503 : memref<1x8x8x768xf32, #tpu.memory_space<vmem>> -> memref<8x8x768xf32, #tpu.memory_space<vmem>>
      tpu.wait_dma2 semaphore(%run_scoped3A_472 : memref<!tpu.dma_semaphore, #tpu.memory_space<semaphore_mem>>) src(%dma_wait3A_504 : memref<8x8x768xf32, #tpu.memory_space<vmem>>) dst(%dma_wait3A_499 : memref<8x8x768xf32, #tpu.memory_space<hbm>>)
      tpu.yield
    }) : () -> ()
    %dma_wait3A_367 = arith.constant 5 : i32
    %dma_wait3A_368 = arith.constant 1 : i32
    %dma_wait3A_369 = arith.constant 0 : i32
    %dma_wait3A_370 = arith.constant 0 : i32
    %dma_wait3A_371 = tpu.memref_slice %arg10[%dma_wait3A_368, %dma_wait3A_369, %dma_wait3A_370] : memref<2x8x768xf32, #tpu.memory_space<vmem>> -> memref<1x8x768xf32, #tpu.memory_space<vmem>>
    %dma_wait3A_372 = tpu.memref_squeeze %dma_wait3A_371 : memref<1x8x768xf32, #tpu.memory_space<vmem>> -> memref<8x768xf32, #tpu.memory_space<vmem>>
    %dma_wait3A_373 = arith.constant 0 : i32
    %dma_wait3A_374 = tpu.memref_slice %arg8[%dma_wait3A_367, %dma_wait3A_373] : memref<8x8xi32, #tpu.memory_space<vmem>> -> memref<1x8xi32, #tpu.memory_space<vmem>>
    %dma_wait3A_375 = tpu.memref_squeeze %dma_wait3A_374 : memref<1x8xi32, #tpu.memory_space<vmem>> -> memref<8xi32, #tpu.memory_space<vmem>>
    %dma_wait3A_376 = arith.constant 0 : i32
    %dma_wait3A_377 = arith.constant 0 : i32
    %dma_wait3A_378 = tpu.memref_slice %arg3[%dma_wait3A_376, %dma_wait3A_377] : memref<8192x768xf32, #tpu.memory_space<hbm>> -> memref<8192x768xf32, #tpu.memory_space<hbm>>
    tpu.wait_indirect_dma semaphore(%arg14 : memref<!tpu.dma_semaphore, #tpu.memory_space<semaphore_mem>>) src(%dma_wait3A_378 : memref<8192x768xf32, #tpu.memory_space<hbm>>) dst(%dma_wait3A_372 : memref<8x768xf32, #tpu.memory_space<vmem>>)
    %run_scoped3A_379 = arith.constant 1 : i32
    "tpu.region"() ({
      %run_scoped3A_472 = tpu.sem_alloc : memref<!tpu.dma_semaphore, #tpu.memory_space<semaphore_mem>>
      %dma_start3A_473 = arith.constant 0 : i32
      %dma_start3A_474 = arith.constant 0 : i32
      %dma_start3A_475 = tpu.memref_slice %arg10[%run_scoped3A_379, %dma_start3A_473, %dma_start3A_474] : memref<2x8x768xf32, #tpu.memory_space<vmem>> -> memref<1x8x768xf32, #tpu.memory_space<vmem>>
      %dma_start3A_476 = tpu.memref_squeeze %dma_start3A_475 : memref<1x8x768xf32, #tpu.memory_space<vmem>> -> memref<8x768xf32, #tpu.memory_space<vmem>>
      %dma_start3A_477 = arith.constant 0 : i32
      %dma_start3A_478 = arith.constant 0 : i32
      %dma_start3A_479 = tpu.memref_slice %arg7[%add3A_362, %dma_start3A_477, %dma_start3A_478] : memref<256x8x768xf32, #tpu.memory_space<hbm>> -> memref<1x8x768xf32, #tpu.memory_space<hbm>>
      %dma_start3A_480 = tpu.memref_squeeze %dma_start3A_479 : memref<1x8x768xf32, #tpu.memory_space<hbm>> -> memref<8x768xf32, #tpu.memory_space<hbm>>
      %dma_start3A_481 = arith.constant 0 : i32
      %dma_start3A_482 = arith.constant 0 : i32
      %dma_start3A_483 = tpu.memref_slice %arg7[%add3A_362, %dma_start3A_481, %dma_start3A_482] : memref<256x8x768xf32, #tpu.memory_space<hbm>> -> memref<1x8x768xf32, #tpu.memory_space<hbm>>
      %dma_start3A_484 = tpu.memref_squeeze %dma_start3A_483 : memref<1x8x768xf32, #tpu.memory_space<hbm>> -> memref<8x768xf32, #tpu.memory_space<hbm>>
      %dma_start3A_485 = arith.constant 0 : i32
      %dma_start3A_486 = arith.constant 0 : i32
      %dma_start3A_487 = tpu.memref_slice %arg10[%run_scoped3A_379, %dma_start3A_485, %dma_start3A_486] : memref<2x8x768xf32, #tpu.memory_space<vmem>> -> memref<1x8x768xf32, #tpu.memory_space<vmem>>
      %dma_start3A_488 = tpu.memref_squeeze %dma_start3A_487 : memref<1x8x768xf32, #tpu.memory_space<vmem>> -> memref<8x768xf32, #tpu.memory_space<vmem>>
      tpu.enqueue_dma source(%dma_start3A_488 : memref<8x768xf32, #tpu.memory_space<vmem>>) target(%dma_start3A_484 : memref<8x768xf32, #tpu.memory_space<hbm>>) target_semaphore(%run_scoped3A_472 : memref<!tpu.dma_semaphore, #tpu.memory_space<semaphore_mem>>)
      %dma_wait3A_489 = arith.constant 0 : i32
      %dma_wait3A_490 = arith.constant 0 : i32
      %dma_wait3A_491 = tpu.memref_slice %arg10[%run_scoped3A_379, %dma_wait3A_489, %dma_wait3A_490] : memref<2x8x768xf32, #tpu.memory_space<vmem>> -> memref<1x8x768xf32, #tpu.memory_space<vmem>>
      %dma_wait3A_492 = tpu.memref_squeeze %dma_wait3A_491 : memref<1x8x768xf32, #tpu.memory_space<vmem>> -> memref<8x768xf32, #tpu.memory_space<vmem>>
      %dma_wait3A_493 = arith.constant 0 : i32
      %dma_wait3A_494 = arith.constant 0 : i32
      %dma_wait3A_495 = tpu.memref_slice %arg7[%add3A_362, %dma_wait3A_493, %dma_wait3A_494] : memref<256x8x768xf32, #tpu.memory_space<hbm>> -> memref<1x8x768xf32, #tpu.memory_space<hbm>>
      %dma_wait3A_496 = tpu.memref_squeeze %dma_wait3A_495 : memref<1x8x768xf32, #tpu.memory_space<hbm>> -> memref<8x768xf32, #tpu.memory_space<hbm>>
      %dma_wait3A_497 = arith.constant 0 : i32
      %dma_wait3A_498 = arith.constant 0 : i32
      %dma_wait3A_499 = tpu.memref_slice %arg7[%add3A_362, %dma_wait3A_497, %dma_wait3A_498] : memref<256x8x768xf32, #tpu.memory_space<hbm>> -> memref<1x8x768xf32, #tpu.memory_space<hbm>>
      %dma_wait3A_500 = tpu.memref_squeeze %dma_wait3A_499 : memref<1x8x768xf32, #tpu.memory_space<hbm>> -> memref<8x768xf32, #tpu.memory_space<hbm>>
      %dma_wait3A_501 = arith.constant 0 : i32
      %dma_wait3A_502 = arith.constant 0 : i32
      %dma_wait3A_503 = tpu.memref_slice %arg10[%run_scoped3A_379, %dma_wait3A_501, %dma_wait3A_502] : memref<2x8x768xf32, #tpu.memory_space<vmem>> -> memref<1x8x768xf32, #tpu.memory_space<vmem>>
      %dma_wait3A_504 = tpu.memref_squeeze %dma_wait3A_503 : memref<1x8x768xf32, #tpu.memory_space<vmem>> -> memref<8x768xf32, #tpu.memory_space<vmem>>
      tpu.wait_dma2 semaphore(%run_scoped3A_472 : memref<!tpu.dma_semaphore, #tpu.memory_space<semaphore_mem>>) src(%dma_wait3A_504 : memref<8x768xf32, #tpu.memory_space<vmem>>) dst(%dma_wait3A_500 : memref<8x768xf32, #tpu.memory_space<hbm>>)
      tpu.yield
    }) : () -> ()
    %dma_start3A_380 = arith.constant 7 : i32
    %dma_start3A_381 = arith.constant 1 : i32
    %dma_start3A_382 = arith.constant 0 : i32
    %dma_start3A_383 = arith.constant 0 : i32
    %dma_start3A_384 = arith.constant 0 : i32
    %dma_start3A_385 = tpu.memref_slice %arg9[%dma_start3A_381, %dma_start3A_382, %dma_start3A_383, %dma_start3A_384] : memref<2x8x8x768xf32, #tpu.memory_space<vmem>> -> memref<1x8x8x768xf32, #tpu.memory_space<vmem>>
    %dma_start3A_386 = tpu.memref_squeeze %dma_start3A_385 : memref<1x8x8x768xf32, #tpu.memory_space<vmem>> -> memref<8x8x768xf32, #tpu.memory_space<vmem>>
    %dma_start3A_387 = arith.constant 0 : i32
    %dma_start3A_388 = tpu.memref_slice %arg8[%dma_start3A_380, %dma_start3A_387] : memref<8x8xi32, #tpu.memory_space<vmem>> -> memref<1x8xi32, #tpu.memory_space<vmem>>
    %dma_start3A_389 = tpu.memref_squeeze %dma_start3A_388 : memref<1x8xi32, #tpu.memory_space<vmem>> -> memref<8xi32, #tpu.memory_space<vmem>>
    %dma_start3A_390 = arith.constant 0 : i32
    %dma_start3A_391 = arith.constant 0 : i32
    %dma_start3A_392 = arith.constant 0 : i32
    %dma_start3A_393 = tpu.memref_slice %arg2[%dma_start3A_390, %dma_start3A_391, %dma_start3A_392] : memref<8192x8x768xf32, #tpu.memory_space<hbm>> -> memref<8192x8x768xf32, #tpu.memory_space<hbm>>
    tpu.enqueue_indirect_dma source(%dma_start3A_393 : memref<8192x8x768xf32, #tpu.memory_space<hbm>>) target(%dma_start3A_386 : memref<8x8x768xf32, #tpu.memory_space<vmem>>) offsets(%dma_start3A_389 : memref<8xi32, #tpu.memory_space<vmem>>) semaphore(%arg12 : memref<!tpu.dma_semaphore, #tpu.memory_space<semaphore_mem>>)
    %dma_start3A_394 = arith.constant 7 : i32
    %dma_start3A_395 = arith.constant 1 : i32
    %dma_start3A_396 = arith.constant 0 : i32
    %dma_start3A_397 = arith.constant 0 : i32
    %dma_start3A_398 = tpu.memref_slice %arg10[%dma_start3A_395, %dma_start3A_396, %dma_start3A_397] : memref<2x8x768xf32, #tpu.memory_space<vmem>> -> memref<1x8x768xf32, #tpu.memory_space<vmem>>
    %dma_start3A_399 = tpu.memref_squeeze %dma_start3A_398 : memref<1x8x768xf32, #tpu.memory_space<vmem>> -> memref<8x768xf32, #tpu.memory_space<vmem>>
    %dma_start3A_400 = arith.constant 0 : i32
    %dma_start3A_401 = tpu.memref_slice %arg8[%dma_start3A_394, %dma_start3A_400] : memref<8x8xi32, #tpu.memory_space<vmem>> -> memref<1x8xi32, #tpu.memory_space<vmem>>
    %dma_start3A_402 = tpu.memref_squeeze %dma_start3A_401 : memref<1x8xi32, #tpu.memory_space<vmem>> -> memref<8xi32, #tpu.memory_space<vmem>>
    %dma_start3A_403 = arith.constant 0 : i32
    %dma_start3A_404 = arith.constant 0 : i32
    %dma_start3A_405 = tpu.memref_slice %arg3[%dma_start3A_403, %dma_start3A_404] : memref<8192x768xf32, #tpu.memory_space<hbm>> -> memref<8192x768xf32, #tpu.memory_space<hbm>>
    tpu.enqueue_indirect_dma source(%dma_start3A_405 : memref<8192x768xf32, #tpu.memory_space<hbm>>) target(%dma_start3A_399 : memref<8x768xf32, #tpu.memory_space<vmem>>) offsets(%dma_start3A_402 : memref<8xi32, #tpu.memory_space<vmem>>) semaphore(%arg14 : memref<!tpu.dma_semaphore, #tpu.memory_space<semaphore_mem>>)
    %dma_wait3A_406 = arith.constant 6 : i32
    %dma_wait3A_407 = arith.constant 0 : i32
    %dma_wait3A_408 = arith.constant 0 : i32
    %dma_wait3A_409 = arith.constant 0 : i32
    %dma_wait3A_410 = arith.constant 0 : i32
    %dma_wait3A_411 = tpu.memref_slice %arg9[%dma_wait3A_407, %dma_wait3A_408, %dma_wait3A_409, %dma_wait3A_410] : memref<2x8x8x768xf32, #tpu.memory_space<vmem>> -> memref<1x8x8x768xf32, #tpu.memory_space<vmem>>
    %dma_wait3A_412 = tpu.memref_squeeze %dma_wait3A_411 : memref<1x8x8x768xf32, #tpu.memory_space<vmem>> -> memref<8x8x768xf32, #tpu.memory_space<vmem>>
    %dma_wait3A_413 = arith.constant 0 : i32
    %dma_wait3A_414 = tpu.memref_slice %arg8[%dma_wait3A_406, %dma_wait3A_413] : memref<8x8xi32, #tpu.memory_space<vmem>> -> memref<1x8xi32, #tpu.memory_space<vmem>>
    %dma_wait3A_415 = tpu.memref_squeeze %dma_wait3A_414 : memref<1x8xi32, #tpu.memory_space<vmem>> -> memref<8xi32, #tpu.memory_space<vmem>>
    %dma_wait3A_416 = arith.constant 0 : i32
    %dma_wait3A_417 = arith.constant 0 : i32
    %dma_wait3A_418 = arith.constant 0 : i32
    %dma_wait3A_419 = tpu.memref_slice %arg2[%dma_wait3A_416, %dma_wait3A_417, %dma_wait3A_418] : memref<8192x8x768xf32, #tpu.memory_space<hbm>> -> memref<8192x8x768xf32, #tpu.memory_space<hbm>>
    tpu.wait_indirect_dma semaphore(%arg11 : memref<!tpu.dma_semaphore, #tpu.memory_space<semaphore_mem>>) src(%dma_wait3A_419 : memref<8192x8x768xf32, #tpu.memory_space<hbm>>) dst(%dma_wait3A_412 : memref<8x8x768xf32, #tpu.memory_space<vmem>>)
    %add3A_420 = arith.constant 6 : i32
    %add3A_421 = arith.addi %mul3A_2, %add3A_420 : i32
    %run_scoped3A_422 = arith.constant 0 : i32
    "tpu.region"() ({
      %run_scoped3A_472 = tpu.sem_alloc : memref<!tpu.dma_semaphore, #tpu.memory_space<semaphore_mem>>
      %dma_start3A_473 = arith.constant 0 : i32
      %dma_start3A_474 = arith.constant 0 : i32
      %dma_start3A_475 = arith.constant 0 : i32
      %dma_start3A_476 = tpu.memref_slice %arg9[%run_scoped3A_422, %dma_start3A_473, %dma_start3A_474, %dma_start3A_475] : memref<2x8x8x768xf32, #tpu.memory_space<vmem>> -> memref<1x8x8x768xf32, #tpu.memory_space<vmem>>
      %dma_start3A_477 = tpu.memref_squeeze %dma_start3A_476 : memref<1x8x8x768xf32, #tpu.memory_space<vmem>> -> memref<8x8x768xf32, #tpu.memory_space<vmem>>
      %dma_start3A_478 = arith.constant 0 : i32
      %dma_start3A_479 = arith.constant 0 : i32
      %dma_start3A_480 = arith.constant 0 : i32
      %dma_start3A_481 = tpu.memref_slice %arg5[%add3A_421, %dma_start3A_478, %dma_start3A_479, %dma_start3A_480] : memref<256x8x8x768xf32, #tpu.memory_space<hbm>> -> memref<1x8x8x768xf32, #tpu.memory_space<hbm>>
      %dma_start3A_482 = tpu.memref_squeeze %dma_start3A_481 : memref<1x8x8x768xf32, #tpu.memory_space<hbm>> -> memref<8x8x768xf32, #tpu.memory_space<hbm>>
      %dma_start3A_483 = arith.constant 0 : i32
      %dma_start3A_484 = arith.constant 0 : i32
      %dma_start3A_485 = arith.constant 0 : i32
      %dma_start3A_486 = tpu.memref_slice %arg5[%add3A_421, %dma_start3A_483, %dma_start3A_484, %dma_start3A_485] : memref<256x8x8x768xf32, #tpu.memory_space<hbm>> -> memref<1x8x8x768xf32, #tpu.memory_space<hbm>>
      %dma_start3A_487 = tpu.memref_squeeze %dma_start3A_486 : memref<1x8x8x768xf32, #tpu.memory_space<hbm>> -> memref<8x8x768xf32, #tpu.memory_space<hbm>>
      %dma_start3A_488 = arith.constant 0 : i32
      %dma_start3A_489 = arith.constant 0 : i32
      %dma_start3A_490 = arith.constant 0 : i32
      %dma_start3A_491 = tpu.memref_slice %arg9[%run_scoped3A_422, %dma_start3A_488, %dma_start3A_489, %dma_start3A_490] : memref<2x8x8x768xf32, #tpu.memory_space<vmem>> -> memref<1x8x8x768xf32, #tpu.memory_space<vmem>>
      %dma_start3A_492 = tpu.memref_squeeze %dma_start3A_491 : memref<1x8x8x768xf32, #tpu.memory_space<vmem>> -> memref<8x8x768xf32, #tpu.memory_space<vmem>>
      tpu.enqueue_dma source(%dma_start3A_492 : memref<8x8x768xf32, #tpu.memory_space<vmem>>) target(%dma_start3A_487 : memref<8x8x768xf32, #tpu.memory_space<hbm>>) target_semaphore(%run_scoped3A_472 : memref<!tpu.dma_semaphore, #tpu.memory_space<semaphore_mem>>)
      %dma_wait3A_493 = arith.constant 0 : i32
      %dma_wait3A_494 = arith.constant 0 : i32
      %dma_wait3A_495 = arith.constant 0 : i32
      %dma_wait3A_496 = tpu.memref_slice %arg9[%run_scoped3A_422, %dma_wait3A_493, %dma_wait3A_494, %dma_wait3A_495] : memref<2x8x8x768xf32, #tpu.memory_space<vmem>> -> memref<1x8x8x768xf32, #tpu.memory_space<vmem>>
      %dma_wait3A_497 = tpu.memref_squeeze %dma_wait3A_496 : memref<1x8x8x768xf32, #tpu.memory_space<vmem>> -> memref<8x8x768xf32, #tpu.memory_space<vmem>>
      %dma_wait3A_498 = arith.constant 0 : i32
      %dma_wait3A_499 = arith.constant 0 : i32
      %dma_wait3A_500 = arith.constant 0 : i32
      %dma_wait3A_501 = tpu.memref_slice %arg5[%add3A_421, %dma_wait3A_498, %dma_wait3A_499, %dma_wait3A_500] : memref<256x8x8x768xf32, #tpu.memory_space<hbm>> -> memref<1x8x8x768xf32, #tpu.memory_space<hbm>>
      %dma_wait3A_502 = tpu.memref_squeeze %dma_wait3A_501 : memref<1x8x8x768xf32, #tpu.memory_space<hbm>> -> memref<8x8x768xf32, #tpu.memory_space<hbm>>
      %dma_wait3A_503 = arith.constant 0 : i32
      %dma_wait3A_504 = arith.constant 0 : i32
      %dma_wait3A_505 = arith.constant 0 : i32
      %dma_wait3A_506 = tpu.memref_slice %arg5[%add3A_421, %dma_wait3A_503, %dma_wait3A_504, %dma_wait3A_505] : memref<256x8x8x768xf32, #tpu.memory_space<hbm>> -> memref<1x8x8x768xf32, #tpu.memory_space<hbm>>
      %dma_wait3A_507 = tpu.memref_squeeze %dma_wait3A_506 : memref<1x8x8x768xf32, #tpu.memory_space<hbm>> -> memref<8x8x768xf32, #tpu.memory_space<hbm>>
      %dma_wait3A_508 = arith.constant 0 : i32
      %dma_wait3A_509 = arith.constant 0 : i32
      %dma_wait3A_510 = arith.constant 0 : i32
      %dma_wait3A_511 = tpu.memref_slice %arg9[%run_scoped3A_422, %dma_wait3A_508, %dma_wait3A_509, %dma_wait3A_510] : memref<2x8x8x768xf32, #tpu.memory_space<vmem>> -> memref<1x8x8x768xf32, #tpu.memory_space<vmem>>
      %dma_wait3A_512 = tpu.memref_squeeze %dma_wait3A_511 : memref<1x8x8x768xf32, #tpu.memory_space<vmem>> -> memref<8x8x768xf32, #tpu.memory_space<vmem>>
      tpu.wait_dma2 semaphore(%run_scoped3A_472 : memref<!tpu.dma_semaphore, #tpu.memory_space<semaphore_mem>>) src(%dma_wait3A_512 : memref<8x8x768xf32, #tpu.memory_space<vmem>>) dst(%dma_wait3A_507 : memref<8x8x768xf32, #tpu.memory_space<hbm>>)
      tpu.yield
    }) : () -> ()
    %mul3A_423 = arith.constant 8 : i32
    %mul3A_424 = arith.muli %add3A_421, %mul3A_423 : i32
    %run_scoped3A_425 = arith.constant 0 : i32
    "tpu.region"() ({
      %run_scoped3A_472 = tpu.sem_alloc : memref<!tpu.dma_semaphore, #tpu.memory_space<semaphore_mem>>
      %dma_start3A_473 = arith.constant 0 : i32
      %dma_start3A_474 = arith.constant 0 : i32
      %dma_start3A_475 = arith.constant 0 : i32
      %dma_start3A_476 = tpu.memref_slice %arg9[%run_scoped3A_425, %dma_start3A_473, %dma_start3A_474, %dma_start3A_475] : memref<2x8x8x768xf32, #tpu.memory_space<vmem>> -> memref<1x8x8x768xf32, #tpu.memory_space<vmem>>
      %dma_start3A_477 = tpu.memref_squeeze %dma_start3A_476 : memref<1x8x8x768xf32, #tpu.memory_space<vmem>> -> memref<8x8x768xf32, #tpu.memory_space<vmem>>
      %dma_start3A_478 = arith.constant 0 : i32
      %dma_start3A_479 = arith.constant 0 : i32
      %dma_start3A_480 = tpu.memref_slice %arg6[%mul3A_424, %dma_start3A_478, %dma_start3A_479] : memref<2048x8x768xf32, #tpu.memory_space<hbm>> -> memref<8x8x768xf32, #tpu.memory_space<hbm>>
      %dma_start3A_481 = arith.constant 0 : i32
      %dma_start3A_482 = arith.constant 0 : i32
      %dma_start3A_483 = tpu.memref_slice %arg6[%mul3A_424, %dma_start3A_481, %dma_start3A_482] : memref<2048x8x768xf32, #tpu.memory_space<hbm>> -> memref<8x8x768xf32, #tpu.memory_space<hbm>>
      %dma_start3A_484 = arith.constant 0 : i32
      %dma_start3A_485 = arith.constant 0 : i32
      %dma_start3A_486 = arith.constant 0 : i32
      %dma_start3A_487 = tpu.memref_slice %arg9[%run_scoped3A_425, %dma_start3A_484, %dma_start3A_485, %dma_start3A_486] : memref<2x8x8x768xf32, #tpu.memory_space<vmem>> -> memref<1x8x8x768xf32, #tpu.memory_space<vmem>>
      %dma_start3A_488 = tpu.memref_squeeze %dma_start3A_487 : memref<1x8x8x768xf32, #tpu.memory_space<vmem>> -> memref<8x8x768xf32, #tpu.memory_space<vmem>>
      tpu.enqueue_dma source(%dma_start3A_488 : memref<8x8x768xf32, #tpu.memory_space<vmem>>) target(%dma_start3A_483 : memref<8x8x768xf32, #tpu.memory_space<hbm>>) target_semaphore(%run_scoped3A_472 : memref<!tpu.dma_semaphore, #tpu.memory_space<semaphore_mem>>)
      %dma_wait3A_489 = arith.constant 0 : i32
      %dma_wait3A_490 = arith.constant 0 : i32
      %dma_wait3A_491 = arith.constant 0 : i32
      %dma_wait3A_492 = tpu.memref_slice %arg9[%run_scoped3A_425, %dma_wait3A_489, %dma_wait3A_490, %dma_wait3A_491] : memref<2x8x8x768xf32, #tpu.memory_space<vmem>> -> memref<1x8x8x768xf32, #tpu.memory_space<vmem>>
      %dma_wait3A_493 = tpu.memref_squeeze %dma_wait3A_492 : memref<1x8x8x768xf32, #tpu.memory_space<vmem>> -> memref<8x8x768xf32, #tpu.memory_space<vmem>>
      %dma_wait3A_494 = arith.constant 0 : i32
      %dma_wait3A_495 = arith.constant 0 : i32
      %dma_wait3A_496 = tpu.memref_slice %arg6[%mul3A_424, %dma_wait3A_494, %dma_wait3A_495] : memref<2048x8x768xf32, #tpu.memory_space<hbm>> -> memref<8x8x768xf32, #tpu.memory_space<hbm>>
      %dma_wait3A_497 = arith.constant 0 : i32
      %dma_wait3A_498 = arith.constant 0 : i32
      %dma_wait3A_499 = tpu.memref_slice %arg6[%mul3A_424, %dma_wait3A_497, %dma_wait3A_498] : memref<2048x8x768xf32, #tpu.memory_space<hbm>> -> memref<8x8x768xf32, #tpu.memory_space<hbm>>
      %dma_wait3A_500 = arith.constant 0 : i32
      %dma_wait3A_501 = arith.constant 0 : i32
      %dma_wait3A_502 = arith.constant 0 : i32
      %dma_wait3A_503 = tpu.memref_slice %arg9[%run_scoped3A_425, %dma_wait3A_500, %dma_wait3A_501, %dma_wait3A_502] : memref<2x8x8x768xf32, #tpu.memory_space<vmem>> -> memref<1x8x8x768xf32, #tpu.memory_space<vmem>>
      %dma_wait3A_504 = tpu.memref_squeeze %dma_wait3A_503 : memref<1x8x8x768xf32, #tpu.memory_space<vmem>> -> memref<8x8x768xf32, #tpu.memory_space<vmem>>
      tpu.wait_dma2 semaphore(%run_scoped3A_472 : memref<!tpu.dma_semaphore, #tpu.memory_space<semaphore_mem>>) src(%dma_wait3A_504 : memref<8x8x768xf32, #tpu.memory_space<vmem>>) dst(%dma_wait3A_499 : memref<8x8x768xf32, #tpu.memory_space<hbm>>)
      tpu.yield
    }) : () -> ()
    %dma_wait3A_426 = arith.constant 6 : i32
    %dma_wait3A_427 = arith.constant 0 : i32
    %dma_wait3A_428 = arith.constant 0 : i32
    %dma_wait3A_429 = arith.constant 0 : i32
    %dma_wait3A_430 = tpu.memref_slice %arg10[%dma_wait3A_427, %dma_wait3A_428, %dma_wait3A_429] : memref<2x8x768xf32, #tpu.memory_space<vmem>> -> memref<1x8x768xf32, #tpu.memory_space<vmem>>
    %dma_wait3A_431 = tpu.memref_squeeze %dma_wait3A_430 : memref<1x8x768xf32, #tpu.memory_space<vmem>> -> memref<8x768xf32, #tpu.memory_space<vmem>>
    %dma_wait3A_432 = arith.constant 0 : i32
    %dma_wait3A_433 = tpu.memref_slice %arg8[%dma_wait3A_426, %dma_wait3A_432] : memref<8x8xi32, #tpu.memory_space<vmem>> -> memref<1x8xi32, #tpu.memory_space<vmem>>
    %dma_wait3A_434 = tpu.memref_squeeze %dma_wait3A_433 : memref<1x8xi32, #tpu.memory_space<vmem>> -> memref<8xi32, #tpu.memory_space<vmem>>
    %dma_wait3A_435 = arith.constant 0 : i32
    %dma_wait3A_436 = arith.constant 0 : i32
    %dma_wait3A_437 = tpu.memref_slice %arg3[%dma_wait3A_435, %dma_wait3A_436] : memref<8192x768xf32, #tpu.memory_space<hbm>> -> memref<8192x768xf32, #tpu.memory_space<hbm>>
    tpu.wait_indirect_dma semaphore(%arg13 : memref<!tpu.dma_semaphore, #tpu.memory_space<semaphore_mem>>) src(%dma_wait3A_437 : memref<8192x768xf32, #tpu.memory_space<hbm>>) dst(%dma_wait3A_431 : memref<8x768xf32, #tpu.memory_space<vmem>>)
    %run_scoped3A_438 = arith.constant 0 : i32
    "tpu.region"() ({
      %run_scoped3A_472 = tpu.sem_alloc : memref<!tpu.dma_semaphore, #tpu.memory_space<semaphore_mem>>
      %dma_start3A_473 = arith.constant 0 : i32
      %dma_start3A_474 = arith.constant 0 : i32
      %dma_start3A_475 = tpu.memref_slice %arg10[%run_scoped3A_438, %dma_start3A_473, %dma_start3A_474] : memref<2x8x768xf32, #tpu.memory_space<vmem>> -> memref<1x8x768xf32, #tpu.memory_space<vmem>>
      %dma_start3A_476 = tpu.memref_squeeze %dma_start3A_475 : memref<1x8x768xf32, #tpu.memory_space<vmem>> -> memref<8x768xf32, #tpu.memory_space<vmem>>
      %dma_start3A_477 = arith.constant 0 : i32
      %dma_start3A_478 = arith.constant 0 : i32
      %dma_start3A_479 = tpu.memref_slice %arg7[%add3A_421, %dma_start3A_477, %dma_start3A_478] : memref<256x8x768xf32, #tpu.memory_space<hbm>> -> memref<1x8x768xf32, #tpu.memory_space<hbm>>
      %dma_start3A_480 = tpu.memref_squeeze %dma_start3A_479 : memref<1x8x768xf32, #tpu.memory_space<hbm>> -> memref<8x768xf32, #tpu.memory_space<hbm>>
      %dma_start3A_481 = arith.constant 0 : i32
      %dma_start3A_482 = arith.constant 0 : i32
      %dma_start3A_483 = tpu.memref_slice %arg7[%add3A_421, %dma_start3A_481, %dma_start3A_482] : memref<256x8x768xf32, #tpu.memory_space<hbm>> -> memref<1x8x768xf32, #tpu.memory_space<hbm>>
      %dma_start3A_484 = tpu.memref_squeeze %dma_start3A_483 : memref<1x8x768xf32, #tpu.memory_space<hbm>> -> memref<8x768xf32, #tpu.memory_space<hbm>>
      %dma_start3A_485 = arith.constant 0 : i32
      %dma_start3A_486 = arith.constant 0 : i32
      %dma_start3A_487 = tpu.memref_slice %arg10[%run_scoped3A_438, %dma_start3A_485, %dma_start3A_486] : memref<2x8x768xf32, #tpu.memory_space<vmem>> -> memref<1x8x768xf32, #tpu.memory_space<vmem>>
      %dma_start3A_488 = tpu.memref_squeeze %dma_start3A_487 : memref<1x8x768xf32, #tpu.memory_space<vmem>> -> memref<8x768xf32, #tpu.memory_space<vmem>>
      tpu.enqueue_dma source(%dma_start3A_488 : memref<8x768xf32, #tpu.memory_space<vmem>>) target(%dma_start3A_484 : memref<8x768xf32, #tpu.memory_space<hbm>>) target_semaphore(%run_scoped3A_472 : memref<!tpu.dma_semaphore, #tpu.memory_space<semaphore_mem>>)
      %dma_wait3A_489 = arith.constant 0 : i32
      %dma_wait3A_490 = arith.constant 0 : i32
      %dma_wait3A_491 = tpu.memref_slice %arg10[%run_scoped3A_438, %dma_wait3A_489, %dma_wait3A_490] : memref<2x8x768xf32, #tpu.memory_space<vmem>> -> memref<1x8x768xf32, #tpu.memory_space<vmem>>
      %dma_wait3A_492 = tpu.memref_squeeze %dma_wait3A_491 : memref<1x8x768xf32, #tpu.memory_space<vmem>> -> memref<8x768xf32, #tpu.memory_space<vmem>>
      %dma_wait3A_493 = arith.constant 0 : i32
      %dma_wait3A_494 = arith.constant 0 : i32
      %dma_wait3A_495 = tpu.memref_slice %arg7[%add3A_421, %dma_wait3A_493, %dma_wait3A_494] : memref<256x8x768xf32, #tpu.memory_space<hbm>> -> memref<1x8x768xf32, #tpu.memory_space<hbm>>
      %dma_wait3A_496 = tpu.memref_squeeze %dma_wait3A_495 : memref<1x8x768xf32, #tpu.memory_space<hbm>> -> memref<8x768xf32, #tpu.memory_space<hbm>>
      %dma_wait3A_497 = arith.constant 0 : i32
      %dma_wait3A_498 = arith.constant 0 : i32
      %dma_wait3A_499 = tpu.memref_slice %arg7[%add3A_421, %dma_wait3A_497, %dma_wait3A_498] : memref<256x8x768xf32, #tpu.memory_space<hbm>> -> memref<1x8x768xf32, #tpu.memory_space<hbm>>
      %dma_wait3A_500 = tpu.memref_squeeze %dma_wait3A_499 : memref<1x8x768xf32, #tpu.memory_space<hbm>> -> memref<8x768xf32, #tpu.memory_space<hbm>>
      %dma_wait3A_501 = arith.constant 0 : i32
      %dma_wait3A_502 = arith.constant 0 : i32
      %dma_wait3A_503 = tpu.memref_slice %arg10[%run_scoped3A_438, %dma_wait3A_501, %dma_wait3A_502] : memref<2x8x768xf32, #tpu.memory_space<vmem>> -> memref<1x8x768xf32, #tpu.memory_space<vmem>>
      %dma_wait3A_504 = tpu.memref_squeeze %dma_wait3A_503 : memref<1x8x768xf32, #tpu.memory_space<vmem>> -> memref<8x768xf32, #tpu.memory_space<vmem>>
      tpu.wait_dma2 semaphore(%run_scoped3A_472 : memref<!tpu.dma_semaphore, #tpu.memory_space<semaphore_mem>>) src(%dma_wait3A_504 : memref<8x768xf32, #tpu.memory_space<vmem>>) dst(%dma_wait3A_500 : memref<8x768xf32, #tpu.memory_space<hbm>>)
      tpu.yield
    }) : () -> ()
    %dma_wait3A_439 = arith.constant 7 : i32
    %dma_wait3A_440 = arith.constant 1 : i32
    %dma_wait3A_441 = arith.constant 0 : i32
    %dma_wait3A_442 = arith.constant 0 : i32
    %dma_wait3A_443 = arith.constant 0 : i32
    %dma_wait3A_444 = tpu.memref_slice %arg9[%dma_wait3A_440, %dma_wait3A_441, %dma_wait3A_442, %dma_wait3A_443] : memref<2x8x8x768xf32, #tpu.memory_space<vmem>> -> memref<1x8x8x768xf32, #tpu.memory_space<vmem>>
    %dma_wait3A_445 = tpu.memref_squeeze %dma_wait3A_444 : memref<1x8x8x768xf32, #tpu.memory_space<vmem>> -> memref<8x8x768xf32, #tpu.memory_space<vmem>>
    %dma_wait3A_446 = arith.constant 0 : i32
    %dma_wait3A_447 = tpu.memref_slice %arg8[%dma_wait3A_439, %dma_wait3A_446] : memref<8x8xi32, #tpu.memory_space<vmem>> -> memref<1x8xi32, #tpu.memory_space<vmem>>
    %dma_wait3A_448 = tpu.memref_squeeze %dma_wait3A_447 : memref<1x8xi32, #tpu.memory_space<vmem>> -> memref<8xi32, #tpu.memory_space<vmem>>
    %dma_wait3A_449 = arith.constant 0 : i32
    %dma_wait3A_450 = arith.constant 0 : i32
    %dma_wait3A_451 = arith.constant 0 : i32
    %dma_wait3A_452 = tpu.memref_slice %arg2[%dma_wait3A_449, %dma_wait3A_450, %dma_wait3A_451] : memref<8192x8x768xf32, #tpu.memory_space<hbm>> -> memref<8192x8x768xf32, #tpu.memory_space<hbm>>
    tpu.wait_indirect_dma semaphore(%arg12 : memref<!tpu.dma_semaphore, #tpu.memory_space<semaphore_mem>>) src(%dma_wait3A_452 : memref<8192x8x768xf32, #tpu.memory_space<hbm>>) dst(%dma_wait3A_445 : memref<8x8x768xf32, #tpu.memory_space<vmem>>)
    %add3A_453 = arith.constant 7 : i32
    %add3A_454 = arith.addi %mul3A_2, %add3A_453 : i32
    %run_scoped3A_455 = arith.constant 1 : i32
    "tpu.region"() ({
      %run_scoped3A_472 = tpu.sem_alloc : memref<!tpu.dma_semaphore, #tpu.memory_space<semaphore_mem>>
      %dma_start3A_473 = arith.constant 0 : i32
      %dma_start3A_474 = arith.constant 0 : i32
      %dma_start3A_475 = arith.constant 0 : i32
      %dma_start3A_476 = tpu.memref_slice %arg9[%run_scoped3A_455, %dma_start3A_473, %dma_start3A_474, %dma_start3A_475] : memref<2x8x8x768xf32, #tpu.memory_space<vmem>> -> memref<1x8x8x768xf32, #tpu.memory_space<vmem>>
      %dma_start3A_477 = tpu.memref_squeeze %dma_start3A_476 : memref<1x8x8x768xf32, #tpu.memory_space<vmem>> -> memref<8x8x768xf32, #tpu.memory_space<vmem>>
      %dma_start3A_478 = arith.constant 0 : i32
      %dma_start3A_479 = arith.constant 0 : i32
      %dma_start3A_480 = arith.constant 0 : i32
      %dma_start3A_481 = tpu.memref_slice %arg5[%add3A_454, %dma_start3A_478, %dma_start3A_479, %dma_start3A_480] : memref<256x8x8x768xf32, #tpu.memory_space<hbm>> -> memref<1x8x8x768xf32, #tpu.memory_space<hbm>>
      %dma_start3A_482 = tpu.memref_squeeze %dma_start3A_481 : memref<1x8x8x768xf32, #tpu.memory_space<hbm>> -> memref<8x8x768xf32, #tpu.memory_space<hbm>>
      %dma_start3A_483 = arith.constant 0 : i32
      %dma_start3A_484 = arith.constant 0 : i32
      %dma_start3A_485 = arith.constant 0 : i32
      %dma_start3A_486 = tpu.memref_slice %arg5[%add3A_454, %dma_start3A_483, %dma_start3A_484, %dma_start3A_485] : memref<256x8x8x768xf32, #tpu.memory_space<hbm>> -> memref<1x8x8x768xf32, #tpu.memory_space<hbm>>
      %dma_start3A_487 = tpu.memref_squeeze %dma_start3A_486 : memref<1x8x8x768xf32, #tpu.memory_space<hbm>> -> memref<8x8x768xf32, #tpu.memory_space<hbm>>
      %dma_start3A_488 = arith.constant 0 : i32
      %dma_start3A_489 = arith.constant 0 : i32
      %dma_start3A_490 = arith.constant 0 : i32
      %dma_start3A_491 = tpu.memref_slice %arg9[%run_scoped3A_455, %dma_start3A_488, %dma_start3A_489, %dma_start3A_490] : memref<2x8x8x768xf32, #tpu.memory_space<vmem>> -> memref<1x8x8x768xf32, #tpu.memory_space<vmem>>
      %dma_start3A_492 = tpu.memref_squeeze %dma_start3A_491 : memref<1x8x8x768xf32, #tpu.memory_space<vmem>> -> memref<8x8x768xf32, #tpu.memory_space<vmem>>
      tpu.enqueue_dma source(%dma_start3A_492 : memref<8x8x768xf32, #tpu.memory_space<vmem>>) target(%dma_start3A_487 : memref<8x8x768xf32, #tpu.memory_space<hbm>>) target_semaphore(%run_scoped3A_472 : memref<!tpu.dma_semaphore, #tpu.memory_space<semaphore_mem>>)
      %dma_wait3A_493 = arith.constant 0 : i32
      %dma_wait3A_494 = arith.constant 0 : i32
      %dma_wait3A_495 = arith.constant 0 : i32
      %dma_wait3A_496 = tpu.memref_slice %arg9[%run_scoped3A_455, %dma_wait3A_493, %dma_wait3A_494, %dma_wait3A_495] : memref<2x8x8x768xf32, #tpu.memory_space<vmem>> -> memref<1x8x8x768xf32, #tpu.memory_space<vmem>>
      %dma_wait3A_497 = tpu.memref_squeeze %dma_wait3A_496 : memref<1x8x8x768xf32, #tpu.memory_space<vmem>> -> memref<8x8x768xf32, #tpu.memory_space<vmem>>
      %dma_wait3A_498 = arith.constant 0 : i32
      %dma_wait3A_499 = arith.constant 0 : i32
      %dma_wait3A_500 = arith.constant 0 : i32
      %dma_wait3A_501 = tpu.memref_slice %arg5[%add3A_454, %dma_wait3A_498, %dma_wait3A_499, %dma_wait3A_500] : memref<256x8x8x768xf32, #tpu.memory_space<hbm>> -> memref<1x8x8x768xf32, #tpu.memory_space<hbm>>
      %dma_wait3A_502 = tpu.memref_squeeze %dma_wait3A_501 : memref<1x8x8x768xf32, #tpu.memory_space<hbm>> -> memref<8x8x768xf32, #tpu.memory_space<hbm>>
      %dma_wait3A_503 = arith.constant 0 : i32
      %dma_wait3A_504 = arith.constant 0 : i32
      %dma_wait3A_505 = arith.constant 0 : i32
      %dma_wait3A_506 = tpu.memref_slice %arg5[%add3A_454, %dma_wait3A_503, %dma_wait3A_504, %dma_wait3A_505] : memref<256x8x8x768xf32, #tpu.memory_space<hbm>> -> memref<1x8x8x768xf32, #tpu.memory_space<hbm>>
      %dma_wait3A_507 = tpu.memref_squeeze %dma_wait3A_506 : memref<1x8x8x768xf32, #tpu.memory_space<hbm>> -> memref<8x8x768xf32, #tpu.memory_space<hbm>>
      %dma_wait3A_508 = arith.constant 0 : i32
      %dma_wait3A_509 = arith.constant 0 : i32
      %dma_wait3A_510 = arith.constant 0 : i32
      %dma_wait3A_511 = tpu.memref_slice %arg9[%run_scoped3A_455, %dma_wait3A_508, %dma_wait3A_509, %dma_wait3A_510] : memref<2x8x8x768xf32, #tpu.memory_space<vmem>> -> memref<1x8x8x768xf32, #tpu.memory_space<vmem>>
      %dma_wait3A_512 = tpu.memref_squeeze %dma_wait3A_511 : memref<1x8x8x768xf32, #tpu.memory_space<vmem>> -> memref<8x8x768xf32, #tpu.memory_space<vmem>>
      tpu.wait_dma2 semaphore(%run_scoped3A_472 : memref<!tpu.dma_semaphore, #tpu.memory_space<semaphore_mem>>) src(%dma_wait3A_512 : memref<8x8x768xf32, #tpu.memory_space<vmem>>) dst(%dma_wait3A_507 : memref<8x8x768xf32, #tpu.memory_space<hbm>>)
      tpu.yield
    }) : () -> ()
    %mul3A_456 = arith.constant 8 : i32
    %mul3A_457 = arith.muli %add3A_454, %mul3A_456 : i32
    %run_scoped3A_458 = arith.constant 1 : i32
    "tpu.region"() ({
      %run_scoped3A_472 = tpu.sem_alloc : memref<!tpu.dma_semaphore, #tpu.memory_space<semaphore_mem>>
      %dma_start3A_473 = arith.constant 0 : i32
      %dma_start3A_474 = arith.constant 0 : i32
      %dma_start3A_475 = arith.constant 0 : i32
      %dma_start3A_476 = tpu.memref_slice %arg9[%run_scoped3A_458, %dma_start3A_473, %dma_start3A_474, %dma_start3A_475] : memref<2x8x8x768xf32, #tpu.memory_space<vmem>> -> memref<1x8x8x768xf32, #tpu.memory_space<vmem>>
      %dma_start3A_477 = tpu.memref_squeeze %dma_start3A_476 : memref<1x8x8x768xf32, #tpu.memory_space<vmem>> -> memref<8x8x768xf32, #tpu.memory_space<vmem>>
      %dma_start3A_478 = arith.constant 0 : i32
      %dma_start3A_479 = arith.constant 0 : i32
      %dma_start3A_480 = tpu.memref_slice %arg6[%mul3A_457, %dma_start3A_478, %dma_start3A_479] : memref<2048x8x768xf32, #tpu.memory_space<hbm>> -> memref<8x8x768xf32, #tpu.memory_space<hbm>>
      %dma_start3A_481 = arith.constant 0 : i32
      %dma_start3A_482 = arith.constant 0 : i32
      %dma_start3A_483 = tpu.memref_slice %arg6[%mul3A_457, %dma_start3A_481, %dma_start3A_482] : memref<2048x8x768xf32, #tpu.memory_space<hbm>> -> memref<8x8x768xf32, #tpu.memory_space<hbm>>
      %dma_start3A_484 = arith.constant 0 : i32
      %dma_start3A_485 = arith.constant 0 : i32
      %dma_start3A_486 = arith.constant 0 : i32
      %dma_start3A_487 = tpu.memref_slice %arg9[%run_scoped3A_458, %dma_start3A_484, %dma_start3A_485, %dma_start3A_486] : memref<2x8x8x768xf32, #tpu.memory_space<vmem>> -> memref<1x8x8x768xf32, #tpu.memory_space<vmem>>
      %dma_start3A_488 = tpu.memref_squeeze %dma_start3A_487 : memref<1x8x8x768xf32, #tpu.memory_space<vmem>> -> memref<8x8x768xf32, #tpu.memory_space<vmem>>
      tpu.enqueue_dma source(%dma_start3A_488 : memref<8x8x768xf32, #tpu.memory_space<vmem>>) target(%dma_start3A_483 : memref<8x8x768xf32, #tpu.memory_space<hbm>>) target_semaphore(%run_scoped3A_472 : memref<!tpu.dma_semaphore, #tpu.memory_space<semaphore_mem>>)
      %dma_wait3A_489 = arith.constant 0 : i32
      %dma_wait3A_490 = arith.constant 0 : i32
      %dma_wait3A_491 = arith.constant 0 : i32
      %dma_wait3A_492 = tpu.memref_slice %arg9[%run_scoped3A_458, %dma_wait3A_489, %dma_wait3A_490, %dma_wait3A_491] : memref<2x8x8x768xf32, #tpu.memory_space<vmem>> -> memref<1x8x8x768xf32, #tpu.memory_space<vmem>>
      %dma_wait3A_493 = tpu.memref_squeeze %dma_wait3A_492 : memref<1x8x8x768xf32, #tpu.memory_space<vmem>> -> memref<8x8x768xf32, #tpu.memory_space<vmem>>
      %dma_wait3A_494 = arith.constant 0 : i32
      %dma_wait3A_495 = arith.constant 0 : i32
      %dma_wait3A_496 = tpu.memref_slice %arg6[%mul3A_457, %dma_wait3A_494, %dma_wait3A_495] : memref<2048x8x768xf32, #tpu.memory_space<hbm>> -> memref<8x8x768xf32, #tpu.memory_space<hbm>>
      %dma_wait3A_497 = arith.constant 0 : i32
      %dma_wait3A_498 = arith.constant 0 : i32
      %dma_wait3A_499 = tpu.memref_slice %arg6[%mul3A_457, %dma_wait3A_497, %dma_wait3A_498] : memref<2048x8x768xf32, #tpu.memory_space<hbm>> -> memref<8x8x768xf32, #tpu.memory_space<hbm>>
      %dma_wait3A_500 = arith.constant 0 : i32
      %dma_wait3A_501 = arith.constant 0 : i32
      %dma_wait3A_502 = arith.constant 0 : i32
      %dma_wait3A_503 = tpu.memref_slice %arg9[%run_scoped3A_458, %dma_wait3A_500, %dma_wait3A_501, %dma_wait3A_502] : memref<2x8x8x768xf32, #tpu.memory_space<vmem>> -> memref<1x8x8x768xf32, #tpu.memory_space<vmem>>
      %dma_wait3A_504 = tpu.memref_squeeze %dma_wait3A_503 : memref<1x8x8x768xf32, #tpu.memory_space<vmem>> -> memref<8x8x768xf32, #tpu.memory_space<vmem>>
      tpu.wait_dma2 semaphore(%run_scoped3A_472 : memref<!tpu.dma_semaphore, #tpu.memory_space<semaphore_mem>>) src(%dma_wait3A_504 : memref<8x8x768xf32, #tpu.memory_space<vmem>>) dst(%dma_wait3A_499 : memref<8x8x768xf32, #tpu.memory_space<hbm>>)
      tpu.yield
    }) : () -> ()
    %dma_wait3A_459 = arith.constant 7 : i32
    %dma_wait3A_460 = arith.constant 1 : i32
    %dma_wait3A_461 = arith.constant 0 : i32
    %dma_wait3A_462 = arith.constant 0 : i32
    %dma_wait3A_463 = tpu.memref_slice %arg10[%dma_wait3A_460, %dma_wait3A_461, %dma_wait3A_462] : memref<2x8x768xf32, #tpu.memory_space<vmem>> -> memref<1x8x768xf32, #tpu.memory_space<vmem>>
    %dma_wait3A_464 = tpu.memref_squeeze %dma_wait3A_463 : memref<1x8x768xf32, #tpu.memory_space<vmem>> -> memref<8x768xf32, #tpu.memory_space<vmem>>
    %dma_wait3A_465 = arith.constant 0 : i32
    %dma_wait3A_466 = tpu.memref_slice %arg8[%dma_wait3A_459, %dma_wait3A_465] : memref<8x8xi32, #tpu.memory_space<vmem>> -> memref<1x8xi32, #tpu.memory_space<vmem>>
    %dma_wait3A_467 = tpu.memref_squeeze %dma_wait3A_466 : memref<1x8xi32, #tpu.memory_space<vmem>> -> memref<8xi32, #tpu.memory_space<vmem>>
    %dma_wait3A_468 = arith.constant 0 : i32
    %dma_wait3A_469 = arith.constant 0 : i32
    %dma_wait3A_470 = tpu.memref_slice %arg3[%dma_wait3A_468, %dma_wait3A_469] : memref<8192x768xf32, #tpu.memory_space<hbm>> -> memref<8192x768xf32, #tpu.memory_space<hbm>>
    tpu.wait_indirect_dma semaphore(%arg14 : memref<!tpu.dma_semaphore, #tpu.memory_space<semaphore_mem>>) src(%dma_wait3A_470 : memref<8192x768xf32, #tpu.memory_space<hbm>>) dst(%dma_wait3A_464 : memref<8x768xf32, #tpu.memory_space<vmem>>)
    %run_scoped3A_471 = arith.constant 1 : i32
    "tpu.region"() ({
      %run_scoped3A_472 = tpu.sem_alloc : memref<!tpu.dma_semaphore, #tpu.memory_space<semaphore_mem>>
      %dma_start3A_473 = arith.constant 0 : i32
      %dma_start3A_474 = arith.constant 0 : i32
      %dma_start3A_475 = tpu.memref_slice %arg10[%run_scoped3A_471, %dma_start3A_473, %dma_start3A_474] : memref<2x8x768xf32, #tpu.memory_space<vmem>> -> memref<1x8x768xf32, #tpu.memory_space<vmem>>
      %dma_start3A_476 = tpu.memref_squeeze %dma_start3A_475 : memref<1x8x768xf32, #tpu.memory_space<vmem>> -> memref<8x768xf32, #tpu.memory_space<vmem>>
      %dma_start3A_477 = arith.constant 0 : i32
      %dma_start3A_478 = arith.constant 0 : i32
      %dma_start3A_479 = tpu.memref_slice %arg7[%add3A_454, %dma_start3A_477, %dma_start3A_478] : memref<256x8x768xf32, #tpu.memory_space<hbm>> -> memref<1x8x768xf32, #tpu.memory_space<hbm>>
      %dma_start3A_480 = tpu.memref_squeeze %dma_start3A_479 : memref<1x8x768xf32, #tpu.memory_space<hbm>> -> memref<8x768xf32, #tpu.memory_space<hbm>>
      %dma_start3A_481 = arith.constant 0 : i32
      %dma_start3A_482 = arith.constant 0 : i32
      %dma_start3A_483 = tpu.memref_slice %arg7[%add3A_454, %dma_start3A_481, %dma_start3A_482] : memref<256x8x768xf32, #tpu.memory_space<hbm>> -> memref<1x8x768xf32, #tpu.memory_space<hbm>>
      %dma_start3A_484 = tpu.memref_squeeze %dma_start3A_483 : memref<1x8x768xf32, #tpu.memory_space<hbm>> -> memref<8x768xf32, #tpu.memory_space<hbm>>
      %dma_start3A_485 = arith.constant 0 : i32
      %dma_start3A_486 = arith.constant 0 : i32
      %dma_start3A_487 = tpu.memref_slice %arg10[%run_scoped3A_471, %dma_start3A_485, %dma_start3A_486] : memref<2x8x768xf32, #tpu.memory_space<vmem>> -> memref<1x8x768xf32, #tpu.memory_space<vmem>>
      %dma_start3A_488 = tpu.memref_squeeze %dma_start3A_487 : memref<1x8x768xf32, #tpu.memory_space<vmem>> -> memref<8x768xf32, #tpu.memory_space<vmem>>
      tpu.enqueue_dma source(%dma_start3A_488 : memref<8x768xf32, #tpu.memory_space<vmem>>) target(%dma_start3A_484 : memref<8x768xf32, #tpu.memory_space<hbm>>) target_semaphore(%run_scoped3A_472 : memref<!tpu.dma_semaphore, #tpu.memory_space<semaphore_mem>>)
      %dma_wait3A_489 = arith.constant 0 : i32
      %dma_wait3A_490 = arith.constant 0 : i32
      %dma_wait3A_491 = tpu.memref_slice %arg10[%run_scoped3A_471, %dma_wait3A_489, %dma_wait3A_490] : memref<2x8x768xf32, #tpu.memory_space<vmem>> -> memref<1x8x768xf32, #tpu.memory_space<vmem>>
      %dma_wait3A_492 = tpu.memref_squeeze %dma_wait3A_491 : memref<1x8x768xf32, #tpu.memory_space<vmem>> -> memref<8x768xf32, #tpu.memory_space<vmem>>
      %dma_wait3A_493 = arith.constant 0 : i32
      %dma_wait3A_494 = arith.constant 0 : i32
      %dma_wait3A_495 = tpu.memref_slice %arg7[%add3A_454, %dma_wait3A_493, %dma_wait3A_494] : memref<256x8x768xf32, #tpu.memory_space<hbm>> -> memref<1x8x768xf32, #tpu.memory_space<hbm>>
      %dma_wait3A_496 = tpu.memref_squeeze %dma_wait3A_495 : memref<1x8x768xf32, #tpu.memory_space<hbm>> -> memref<8x768xf32, #tpu.memory_space<hbm>>
      %dma_wait3A_497 = arith.constant 0 : i32
      %dma_wait3A_498 = arith.constant 0 : i32
      %dma_wait3A_499 = tpu.memref_slice %arg7[%add3A_454, %dma_wait3A_497, %dma_wait3A_498] : memref<256x8x768xf32, #tpu.memory_space<hbm>> -> memref<1x8x768xf32, #tpu.memory_space<hbm>>
      %dma_wait3A_500 = tpu.memref_squeeze %dma_wait3A_499 : memref<1x8x768xf32, #tpu.memory_space<hbm>> -> memref<8x768xf32, #tpu.memory_space<hbm>>
      %dma_wait3A_501 = arith.constant 0 : i32
      %dma_wait3A_502 = arith.constant 0 : i32
      %dma_wait3A_503 = tpu.memref_slice %arg10[%run_scoped3A_471, %dma_wait3A_501, %dma_wait3A_502] : memref<2x8x768xf32, #tpu.memory_space<vmem>> -> memref<1x8x768xf32, #tpu.memory_space<vmem>>
      %dma_wait3A_504 = tpu.memref_squeeze %dma_wait3A_503 : memref<1x8x768xf32, #tpu.memory_space<vmem>> -> memref<8x768xf32, #tpu.memory_space<vmem>>
      tpu.wait_dma2 semaphore(%run_scoped3A_472 : memref<!tpu.dma_semaphore, #tpu.memory_space<semaphore_mem>>) src(%dma_wait3A_504 : memref<8x768xf32, #tpu.memory_space<vmem>>) dst(%dma_wait3A_500 : memref<8x768xf32, #tpu.memory_space<hbm>>)
      tpu.yield
    }) : () -> ()
    return
  }
}

module attributes {stable_mosaic.version = 14 : i64} {
  func.func @_keynorm_body(%arg0: i32, %arg1: memref<512x768xf32, #tpu.memory_space<vmem>>, %arg2: memref<512x768xf32, #tpu.memory_space<vmem>>) attributes {dimension_semantics = [#tpu.dimension_semantics<arbitrary>], iteration_bounds = array<i64: 16>, scalar_prefetch = 0 : i64, scratch_operands = 0 : i64, tpu.core_type = #tpu.core_type<tc>, window_params = [{transform_indices = @transform_0, window_bounds = array<i64: 512, 768>}, {transform_indices = @transform_1, window_bounds = array<i64: 512, 768>}]} {
    %get3A = arith.constant 0 : index
    %get3A_0 = arith.constant 0 : index
    %get3A_1 = vector.load %arg1[%get3A, %get3A_0] : memref<512x768xf32, #tpu.memory_space<vmem>>, vector<512x768xf32>
    %mul3A = arith.mulf %get3A_1, %get3A_1 : vector<512x768xf32>
    %reduce_sum3A = arith.constant dense<0.000000e+00> : vector<512xf32>
    %reduce_sum3A_2 = vector.multi_reduction <add>, %mul3A, %reduce_sum3A [1] : vector<512x768xf32> to vector<512xf32>
    %broadcast_in_dim3A = vector.shape_cast %reduce_sum3A_2 : vector<512xf32> to vector<512x1xf32>
    %max3A = arith.constant 9.99999996E-13 : f32
    %max3A_3 = vector.broadcast %max3A : f32 to vector<512x1xf32>
    %max3A_4 = arith.maximumf %broadcast_in_dim3A, %max3A_3 : vector<512x1xf32>
    %rsqrt3A = math.rsqrt %max3A_4 : vector<512x1xf32>
    %mul3A_5 = vector.broadcast %rsqrt3A : vector<512x1xf32> to vector<512x768xf32>
    %mul3A_6 = arith.mulf %get3A_1, %mul3A_5 : vector<512x768xf32>
    %swap3A = arith.constant 0 : index
    %swap3A_7 = arith.constant 0 : index
    %swap3A_8 = vector.load %arg2[%swap3A, %swap3A_7] : memref<512x768xf32, #tpu.memory_space<vmem>>, vector<512x768xf32>
    tpu.vector_store %arg2[%swap3A, %swap3A_7], %mul3A_6 {strides = array<i32>} : memref<512x768xf32, #tpu.memory_space<vmem>>, vector<512x768xf32>,
    return
  }
  func.func @transform_0(%arg0: i32) -> (i32, i32) {
    %c0_i32 = arith.constant 0 : i32
    %c0_i32_0 = arith.constant 0 : i32
    return %arg0, %c0_i32 : i32, i32
  }
  func.func @transform_1(%arg0: i32) -> (i32, i32) {
    %c0_i32 = arith.constant 0 : i32
    %c0_i32_0 = arith.constant 0 : i32
    return %arg0, %c0_i32 : i32, i32
  }
}

module attributes {stable_mosaic.version = 14 : i64} {
  func.func @_mean_norm_copy_body(%arg0: i32, %arg1: memref<197x8x768xf32, #tpu.memory_space<vmem>>, %arg2: memref<197x8x768xf32, #tpu.memory_space<vmem>>, %arg3: memref<8x768xf32, #tpu.memory_space<vmem>>) attributes {dimension_semantics = [#tpu.dimension_semantics<arbitrary>], iteration_bounds = array<i64: 32>, scalar_prefetch = 0 : i64, scratch_operands = 0 : i64, tpu.core_type = #tpu.core_type<tc>, window_params = [{transform_indices = @transform_0, window_bounds = array<i64: 197, 8, 768>}, {transform_indices = @transform_1, window_bounds = array<i64: 197, 8, 768>}, {transform_indices = @transform_2, window_bounds = array<i64: 8, 768>}]} {
    %get3A = arith.constant 0 : index
    %get3A_0 = arith.constant 0 : index
    %get3A_1 = arith.constant 0 : index
    %get3A_2 = vector.load %arg1[%get3A, %get3A_0, %get3A_1] : memref<197x8x768xf32, #tpu.memory_space<vmem>>, vector<197x8x768xf32>
    %swap3A = arith.constant 0 : index
    %swap3A_3 = arith.constant 0 : index
    %swap3A_4 = arith.constant 0 : index
    %swap3A_5 = vector.load %arg2[%swap3A, %swap3A_3, %swap3A_4] : memref<197x8x768xf32, #tpu.memory_space<vmem>>, vector<197x8x768xf32>
    tpu.vector_store %arg2[%swap3A, %swap3A_3, %swap3A_4], %get3A_2 {strides = array<i32>} : memref<197x8x768xf32, #tpu.memory_space<vmem>>, vector<197x8x768xf32>,
    %reduce_sum3A = arith.constant dense<0.000000e+00> : vector<8x768xf32>
    %reduce_sum3A_6 = vector.multi_reduction <add>, %get3A_2, %reduce_sum3A [0] : vector<197x8x768xf32> to vector<8x768xf32>
    %mul3A = arith.constant 0.00507614203 : f32
    %mul3A_7 = vector.broadcast %mul3A : f32 to vector<8x768xf32>
    %mul3A_8 = arith.mulf %reduce_sum3A_6, %mul3A_7 : vector<8x768xf32>
    %mul3A_9 = arith.mulf %mul3A_8, %mul3A_8 : vector<8x768xf32>
    %reduce_sum3A_10 = arith.constant dense<0.000000e+00> : vector<8xf32>
    %reduce_sum3A_11 = vector.multi_reduction <add>, %mul3A_9, %reduce_sum3A_10 [1] : vector<8x768xf32> to vector<8xf32>
    %broadcast_in_dim3A = vector.shape_cast %reduce_sum3A_11 : vector<8xf32> to vector<8x1xf32>
    %max3A = arith.constant 9.99999996E-13 : f32
    %max3A_12 = vector.broadcast %max3A : f32 to vector<8x1xf32>
    %max3A_13 = arith.maximumf %broadcast_in_dim3A, %max3A_12 : vector<8x1xf32>
    %rsqrt3A = math.rsqrt %max3A_13 : vector<8x1xf32>
    %mul3A_14 = vector.broadcast %rsqrt3A : vector<8x1xf32> to vector<8x768xf32>
    %mul3A_15 = arith.mulf %mul3A_8, %mul3A_14 : vector<8x768xf32>
    %swap3A_16 = arith.constant 0 : index
    %swap3A_17 = arith.constant 0 : index
    %swap3A_18 = vector.load %arg3[%swap3A_16, %swap3A_17] : memref<8x768xf32, #tpu.memory_space<vmem>>, vector<8x768xf32>
    tpu.vector_store %arg3[%swap3A_16, %swap3A_17], %mul3A_15 {strides = array<i32>} : memref<8x768xf32, #tpu.memory_space<vmem>>, vector<8x768xf32>,
    return
  }
  func.func @transform_0(%arg0: i32) -> (i32, i32, i32) {
    %c0_i32 = arith.constant 0 : i32
    %c0_i32_0 = arith.constant 0 : i32
    %c0_i32_1 = arith.constant 0 : i32
    return %c0_i32, %arg0, %c0_i32_0 : i32, i32, i32
  }
  func.func @transform_1(%arg0: i32) -> (i32, i32, i32) {
    %c0_i32 = arith.constant 0 : i32
    %c0_i32_0 = arith.constant 0 : i32
    %c0_i32_1 = arith.constant 0 : i32
    return %c0_i32, %arg0, %c0_i32_0 : i32, i32, i32
  }
  func.func @transform_2(%arg0: i32) -> (i32, i32) {
    %c0_i32 = arith.constant 0 : i32
    %c0_i32_0 = arith.constant 0 : i32
    return %arg0, %c0_i32 : i32, i32
  }
}

module attributes {stable_mosaic.version = 14 : i64} {
  func.func @_sim_topk_body(%arg0: i32, %arg1: memref<256x768xf32, #tpu.memory_space<vmem>>, %arg2: memref<1024x768xf32, #tpu.memory_space<vmem>>, %arg3: memref<256x1024xf32, #tpu.memory_space<vmem>>, %arg4: memref<256x8xf32, #tpu.memory_space<vmem>>, %arg5: memref<256x8xi32, #tpu.memory_space<vmem>>, %arg6: memref<1x1xf32, #tpu.memory_space<smem>>, %arg7: memref<256x8192xf32, #tpu.memory_space<vmem>>) attributes {dimension_semantics = [#tpu.dimension_semantics<arbitrary>], iteration_bounds = array<i64: 8>, scalar_prefetch = 0 : i64, scratch_operands = 1 : i64, tpu.core_type = #tpu.core_type<tc>, window_params = [{pipeline_mode = #tpu.pipeline_mode<synchronous>, transform_indices = @transform_0, window_bounds = array<i64: 256, 768>}, {transform_indices = @transform_1, window_bounds = array<i64: 1024, 768>}, {transform_indices = @transform_2, window_bounds = array<i64: 256, 1024>}, {pipeline_mode = #tpu.pipeline_mode<synchronous>, transform_indices = @transform_3, window_bounds = array<i64: 256, 8>}, {pipeline_mode = #tpu.pipeline_mode<synchronous>, transform_indices = @transform_4, window_bounds = array<i64: 256, 8>}, {transform_indices = @transform_5, window_bounds = array<i64: 1, 1>}]} {
    %get3A = arith.constant 0 : index
    %get3A_0 = arith.constant 0 : index
    %get3A_1 = vector.load %arg1[%get3A, %get3A_0] : memref<256x768xf32, #tpu.memory_space<vmem>>, vector<256x768xf32>
    %get3A_2 = arith.constant 0 : index
    %get3A_3 = arith.constant 0 : index
    %get3A_4 = vector.load %arg2[%get3A_2, %get3A_3] : memref<1024x768xf32, #tpu.memory_space<vmem>>, vector<1024x768xf32>
    %dot_general3A = arith.constant dense<0.000000e+00> : vector<256x1024xf32>
    %dot_general3A_5 = tpu.matmul %get3A_1, %get3A_4, %dot_general3A {dimension_numbers = #tpu.dot_dimension_numbers<[1], [1], [0], [0], [0, 0, 1, 0], [], []>, transpose_lhs_hint = false} : vector<256x768xf32>, vector<1024x768xf32>, vector<256x1024xf32> -> vector<256x1024xf32>
    %swap3A = arith.constant 0 : index
    %swap3A_6 = arith.constant 0 : index
    %swap3A_7 = vector.load %arg3[%swap3A, %swap3A_6] : memref<256x1024xf32, #tpu.memory_space<vmem>>, vector<256x1024xf32>
    tpu.vector_store %arg3[%swap3A, %swap3A_6], %dot_general3A_5 {strides = array<i32>} : memref<256x1024xf32, #tpu.memory_space<vmem>>, vector<256x1024xf32>,
    %mul3A = arith.constant 1024 : i32
    %mul3A_8 = arith.muli %arg0, %mul3A : i32
    %swap3A_9 = arith.constant 0 : index
    %swap3A_10 = arith.index_cast %mul3A_8 : i32 to index
    %swap3A_11 = vector.load %arg7[%swap3A_9, %swap3A_10] : memref<256x8192xf32, #tpu.memory_space<vmem>>, vector<256x1024xf32>
    tpu.vector_store %arg7[%swap3A_9, %swap3A_10], %dot_general3A_5 {strides = array<i32>} : memref<256x8192xf32, #tpu.memory_space<vmem>>, vector<256x1024xf32>,
    %eq3A = arith.constant 7 : i32
    %eq3A_12 = arith.cmpi eq, %arg0, %eq3A : i32
    %convert_element_type3A = arith.extui %eq3A_12 : i1 to i32
    %cond3A = arith.constant 0 : i32
    %cond3A_13 = arith.cmpi ne, %convert_element_type3A, %cond3A : i32
    scf.if %cond3A_13 {
      %get3A_14 = arith.constant 0 : index
      %get3A_15 = arith.constant 0 : index
      %get3A_16 = vector.load %arg7[%get3A_14, %get3A_15] : memref<256x8192xf32, #tpu.memory_space<vmem>>, vector<256x8192xf32>
      %reduce_max3A = arith.constant dense<0xFF800000> : vector<256xf32>
      %reduce_max3A_17 = vector.multi_reduction <maximumf>, %get3A_16, %reduce_max3A [1] : vector<256x8192xf32> to vector<256xf32>
      %broadcast_in_dim3A = vector.shape_cast %reduce_max3A_17 : vector<256xf32> to vector<256x1xf32>
      %iota3A = tpu.iota {dimensions = array<i32: 1>} : vector<256x8192xi32>
      %eq3A_18 = vector.broadcast %broadcast_in_dim3A : vector<256x1xf32> to vector<256x8192xf32>
      %eq3A_19 = arith.cmpf oeq, %get3A_16, %eq3A_18 : vector<256x8192xf32>
      %jit3A = arith.constant 8192 : i32
      %broadcast_in_dim3A_20 = vector.broadcast %jit3A : i32 to vector<256x8192xi32>
      %select_n3A = arith.select %eq3A_19, %iota3A, %broadcast_in_dim3A_20 : vector<256x8192xi1>, vector<256x8192xi32>
      %reduce_min3A = arith.constant dense<2147483647> : vector<256xi32>
      %reduce_min3A_21 = vector.multi_reduction <minsi>, %select_n3A, %reduce_min3A [1] : vector<256x8192xi32> to vector<256xi32>
      %broadcast_in_dim3A_22 = vector.shape_cast %reduce_min3A_21 : vector<256xi32> to vector<256x1xi32>
      %eq3A_23 = vector.broadcast %broadcast_in_dim3A_22 : vector<256x1xi32> to vector<256x8192xi32>
      %eq3A_24 = arith.cmpi eq, %iota3A, %eq3A_23 : vector<256x8192xi32>
      %jit3A_25 = arith.constant 0xFF800000 : f32
      %broadcast_in_dim3A_26 = vector.broadcast %jit3A_25 : f32 to vector<256x8192xf32>
      %select_n3A_27 = arith.select %eq3A_24, %broadcast_in_dim3A_26, %get3A_16 : vector<256x8192xi1>, vector<256x8192xf32>
      %swap3A_28 = arith.constant 0 : index
      %swap3A_29 = arith.constant 0 : index
      %swap3A_30 = vector.load %arg7[%swap3A_28, %swap3A_29] : memref<256x8192xf32, #tpu.memory_space<vmem>>, vector<256x8192xf32>
      tpu.vector_store %arg7[%swap3A_28, %swap3A_29], %select_n3A_27 {strides = array<i32>} : memref<256x8192xf32, #tpu.memory_space<vmem>>, vector<256x8192xf32>,
      %get3A_31 = arith.constant 0 : index
      %get3A_32 = arith.constant 0 : index
      %get3A_33 = vector.load %arg7[%get3A_31, %get3A_32] : memref<256x8192xf32, #tpu.memory_space<vmem>>, vector<256x8192xf32>
      %reduce_max3A_34 = arith.constant dense<0xFF800000> : vector<256xf32>
      %reduce_max3A_35 = vector.multi_reduction <maximumf>, %get3A_33, %reduce_max3A_34 [1] : vector<256x8192xf32> to vector<256xf32>
      %broadcast_in_dim3A_36 = vector.shape_cast %reduce_max3A_35 : vector<256xf32> to vector<256x1xf32>
      %iota3A_37 = tpu.iota {dimensions = array<i32: 1>} : vector<256x8192xi32>
      %eq3A_38 = vector.broadcast %broadcast_in_dim3A_36 : vector<256x1xf32> to vector<256x8192xf32>
      %eq3A_39 = arith.cmpf oeq, %get3A_33, %eq3A_38 : vector<256x8192xf32>
      %jit3A_40 = arith.constant 8192 : i32
      %broadcast_in_dim3A_41 = vector.broadcast %jit3A_40 : i32 to vector<256x8192xi32>
      %select_n3A_42 = arith.select %eq3A_39, %iota3A_37, %broadcast_in_dim3A_41 : vector<256x8192xi1>, vector<256x8192xi32>
      %reduce_min3A_43 = arith.constant dense<2147483647> : vector<256xi32>
      %reduce_min3A_44 = vector.multi_reduction <minsi>, %select_n3A_42, %reduce_min3A_43 [1] : vector<256x8192xi32> to vector<256xi32>
      %broadcast_in_dim3A_45 = vector.shape_cast %reduce_min3A_44 : vector<256xi32> to vector<256x1xi32>
      %eq3A_46 = vector.broadcast %broadcast_in_dim3A_45 : vector<256x1xi32> to vector<256x8192xi32>
      %eq3A_47 = arith.cmpi eq, %iota3A_37, %eq3A_46 : vector<256x8192xi32>
      %jit3A_48 = arith.constant 0xFF800000 : f32
      %broadcast_in_dim3A_49 = vector.broadcast %jit3A_48 : f32 to vector<256x8192xf32>
      %select_n3A_50 = arith.select %eq3A_47, %broadcast_in_dim3A_49, %get3A_33 : vector<256x8192xi1>, vector<256x8192xf32>
      %swap3A_51 = arith.constant 0 : index
      %swap3A_52 = arith.constant 0 : index
      %swap3A_53 = vector.load %arg7[%swap3A_51, %swap3A_52] : memref<256x8192xf32, #tpu.memory_space<vmem>>, vector<256x8192xf32>
      tpu.vector_store %arg7[%swap3A_51, %swap3A_52], %select_n3A_50 {strides = array<i32>} : memref<256x8192xf32, #tpu.memory_space<vmem>>, vector<256x8192xf32>,
      %get3A_54 = arith.constant 0 : index
      %get3A_55 = arith.constant 0 : index
      %get3A_56 = vector.load %arg7[%get3A_54, %get3A_55] : memref<256x8192xf32, #tpu.memory_space<vmem>>, vector<256x8192xf32>
      %reduce_max3A_57 = arith.constant dense<0xFF800000> : vector<256xf32>
      %reduce_max3A_58 = vector.multi_reduction <maximumf>, %get3A_56, %reduce_max3A_57 [1] : vector<256x8192xf32> to vector<256xf32>
      %broadcast_in_dim3A_59 = vector.shape_cast %reduce_max3A_58 : vector<256xf32> to vector<256x1xf32>
      %iota3A_60 = tpu.iota {dimensions = array<i32: 1>} : vector<256x8192xi32>
      %eq3A_61 = vector.broadcast %broadcast_in_dim3A_59 : vector<256x1xf32> to vector<256x8192xf32>
      %eq3A_62 = arith.cmpf oeq, %get3A_56, %eq3A_61 : vector<256x8192xf32>
      %jit3A_63 = arith.constant 8192 : i32
      %broadcast_in_dim3A_64 = vector.broadcast %jit3A_63 : i32 to vector<256x8192xi32>
      %select_n3A_65 = arith.select %eq3A_62, %iota3A_60, %broadcast_in_dim3A_64 : vector<256x8192xi1>, vector<256x8192xi32>
      %reduce_min3A_66 = arith.constant dense<2147483647> : vector<256xi32>
      %reduce_min3A_67 = vector.multi_reduction <minsi>, %select_n3A_65, %reduce_min3A_66 [1] : vector<256x8192xi32> to vector<256xi32>
      %broadcast_in_dim3A_68 = vector.shape_cast %reduce_min3A_67 : vector<256xi32> to vector<256x1xi32>
      %eq3A_69 = vector.broadcast %broadcast_in_dim3A_68 : vector<256x1xi32> to vector<256x8192xi32>
      %eq3A_70 = arith.cmpi eq, %iota3A_60, %eq3A_69 : vector<256x8192xi32>
      %jit3A_71 = arith.constant 0xFF800000 : f32
      %broadcast_in_dim3A_72 = vector.broadcast %jit3A_71 : f32 to vector<256x8192xf32>
      %select_n3A_73 = arith.select %eq3A_70, %broadcast_in_dim3A_72, %get3A_56 : vector<256x8192xi1>, vector<256x8192xf32>
      %swap3A_74 = arith.constant 0 : index
      %swap3A_75 = arith.constant 0 : index
      %swap3A_76 = vector.load %arg7[%swap3A_74, %swap3A_75] : memref<256x8192xf32, #tpu.memory_space<vmem>>, vector<256x8192xf32>
      tpu.vector_store %arg7[%swap3A_74, %swap3A_75], %select_n3A_73 {strides = array<i32>} : memref<256x8192xf32, #tpu.memory_space<vmem>>, vector<256x8192xf32>,
      %get3A_77 = arith.constant 0 : index
      %get3A_78 = arith.constant 0 : index
      %get3A_79 = vector.load %arg7[%get3A_77, %get3A_78] : memref<256x8192xf32, #tpu.memory_space<vmem>>, vector<256x8192xf32>
      %reduce_max3A_80 = arith.constant dense<0xFF800000> : vector<256xf32>
      %reduce_max3A_81 = vector.multi_reduction <maximumf>, %get3A_79, %reduce_max3A_80 [1] : vector<256x8192xf32> to vector<256xf32>
      %broadcast_in_dim3A_82 = vector.shape_cast %reduce_max3A_81 : vector<256xf32> to vector<256x1xf32>
      %iota3A_83 = tpu.iota {dimensions = array<i32: 1>} : vector<256x8192xi32>
      %eq3A_84 = vector.broadcast %broadcast_in_dim3A_82 : vector<256x1xf32> to vector<256x8192xf32>
      %eq3A_85 = arith.cmpf oeq, %get3A_79, %eq3A_84 : vector<256x8192xf32>
      %jit3A_86 = arith.constant 8192 : i32
      %broadcast_in_dim3A_87 = vector.broadcast %jit3A_86 : i32 to vector<256x8192xi32>
      %select_n3A_88 = arith.select %eq3A_85, %iota3A_83, %broadcast_in_dim3A_87 : vector<256x8192xi1>, vector<256x8192xi32>
      %reduce_min3A_89 = arith.constant dense<2147483647> : vector<256xi32>
      %reduce_min3A_90 = vector.multi_reduction <minsi>, %select_n3A_88, %reduce_min3A_89 [1] : vector<256x8192xi32> to vector<256xi32>
      %broadcast_in_dim3A_91 = vector.shape_cast %reduce_min3A_90 : vector<256xi32> to vector<256x1xi32>
      %eq3A_92 = vector.broadcast %broadcast_in_dim3A_91 : vector<256x1xi32> to vector<256x8192xi32>
      %eq3A_93 = arith.cmpi eq, %iota3A_83, %eq3A_92 : vector<256x8192xi32>
      %jit3A_94 = arith.constant 0xFF800000 : f32
      %broadcast_in_dim3A_95 = vector.broadcast %jit3A_94 : f32 to vector<256x8192xf32>
      %select_n3A_96 = arith.select %eq3A_93, %broadcast_in_dim3A_95, %get3A_79 : vector<256x8192xi1>, vector<256x8192xf32>
      %swap3A_97 = arith.constant 0 : index
      %swap3A_98 = arith.constant 0 : index
      %swap3A_99 = vector.load %arg7[%swap3A_97, %swap3A_98] : memref<256x8192xf32, #tpu.memory_space<vmem>>, vector<256x8192xf32>
      tpu.vector_store %arg7[%swap3A_97, %swap3A_98], %select_n3A_96 {strides = array<i32>} : memref<256x8192xf32, #tpu.memory_space<vmem>>, vector<256x8192xf32>,
      %get3A_100 = arith.constant 0 : index
      %get3A_101 = arith.constant 0 : index
      %get3A_102 = vector.load %arg7[%get3A_100, %get3A_101] : memref<256x8192xf32, #tpu.memory_space<vmem>>, vector<256x8192xf32>
      %reduce_max3A_103 = arith.constant dense<0xFF800000> : vector<256xf32>
      %reduce_max3A_104 = vector.multi_reduction <maximumf>, %get3A_102, %reduce_max3A_103 [1] : vector<256x8192xf32> to vector<256xf32>
      %broadcast_in_dim3A_105 = vector.shape_cast %reduce_max3A_104 : vector<256xf32> to vector<256x1xf32>
      %iota3A_106 = tpu.iota {dimensions = array<i32: 1>} : vector<256x8192xi32>
      %eq3A_107 = vector.broadcast %broadcast_in_dim3A_105 : vector<256x1xf32> to vector<256x8192xf32>
      %eq3A_108 = arith.cmpf oeq, %get3A_102, %eq3A_107 : vector<256x8192xf32>
      %jit3A_109 = arith.constant 8192 : i32
      %broadcast_in_dim3A_110 = vector.broadcast %jit3A_109 : i32 to vector<256x8192xi32>
      %select_n3A_111 = arith.select %eq3A_108, %iota3A_106, %broadcast_in_dim3A_110 : vector<256x8192xi1>, vector<256x8192xi32>
      %reduce_min3A_112 = arith.constant dense<2147483647> : vector<256xi32>
      %reduce_min3A_113 = vector.multi_reduction <minsi>, %select_n3A_111, %reduce_min3A_112 [1] : vector<256x8192xi32> to vector<256xi32>
      %broadcast_in_dim3A_114 = vector.shape_cast %reduce_min3A_113 : vector<256xi32> to vector<256x1xi32>
      %eq3A_115 = vector.broadcast %broadcast_in_dim3A_114 : vector<256x1xi32> to vector<256x8192xi32>
      %eq3A_116 = arith.cmpi eq, %iota3A_106, %eq3A_115 : vector<256x8192xi32>
      %jit3A_117 = arith.constant 0xFF800000 : f32
      %broadcast_in_dim3A_118 = vector.broadcast %jit3A_117 : f32 to vector<256x8192xf32>
      %select_n3A_119 = arith.select %eq3A_116, %broadcast_in_dim3A_118, %get3A_102 : vector<256x8192xi1>, vector<256x8192xf32>
      %swap3A_120 = arith.constant 0 : index
      %swap3A_121 = arith.constant 0 : index
      %swap3A_122 = vector.load %arg7[%swap3A_120, %swap3A_121] : memref<256x8192xf32, #tpu.memory_space<vmem>>, vector<256x8192xf32>
      tpu.vector_store %arg7[%swap3A_120, %swap3A_121], %select_n3A_119 {strides = array<i32>} : memref<256x8192xf32, #tpu.memory_space<vmem>>, vector<256x8192xf32>,
      %get3A_123 = arith.constant 0 : index
      %get3A_124 = arith.constant 0 : index
      %get3A_125 = vector.load %arg7[%get3A_123, %get3A_124] : memref<256x8192xf32, #tpu.memory_space<vmem>>, vector<256x8192xf32>
      %reduce_max3A_126 = arith.constant dense<0xFF800000> : vector<256xf32>
      %reduce_max3A_127 = vector.multi_reduction <maximumf>, %get3A_125, %reduce_max3A_126 [1] : vector<256x8192xf32> to vector<256xf32>
      %broadcast_in_dim3A_128 = vector.shape_cast %reduce_max3A_127 : vector<256xf32> to vector<256x1xf32>
      %iota3A_129 = tpu.iota {dimensions = array<i32: 1>} : vector<256x8192xi32>
      %eq3A_130 = vector.broadcast %broadcast_in_dim3A_128 : vector<256x1xf32> to vector<256x8192xf32>
      %eq3A_131 = arith.cmpf oeq, %get3A_125, %eq3A_130 : vector<256x8192xf32>
      %jit3A_132 = arith.constant 8192 : i32
      %broadcast_in_dim3A_133 = vector.broadcast %jit3A_132 : i32 to vector<256x8192xi32>
      %select_n3A_134 = arith.select %eq3A_131, %iota3A_129, %broadcast_in_dim3A_133 : vector<256x8192xi1>, vector<256x8192xi32>
      %reduce_min3A_135 = arith.constant dense<2147483647> : vector<256xi32>
      %reduce_min3A_136 = vector.multi_reduction <minsi>, %select_n3A_134, %reduce_min3A_135 [1] : vector<256x8192xi32> to vector<256xi32>
      %broadcast_in_dim3A_137 = vector.shape_cast %reduce_min3A_136 : vector<256xi32> to vector<256x1xi32>
      %eq3A_138 = vector.broadcast %broadcast_in_dim3A_137 : vector<256x1xi32> to vector<256x8192xi32>
      %eq3A_139 = arith.cmpi eq, %iota3A_129, %eq3A_138 : vector<256x8192xi32>
      %jit3A_140 = arith.constant 0xFF800000 : f32
      %broadcast_in_dim3A_141 = vector.broadcast %jit3A_140 : f32 to vector<256x8192xf32>
      %select_n3A_142 = arith.select %eq3A_139, %broadcast_in_dim3A_141, %get3A_125 : vector<256x8192xi1>, vector<256x8192xf32>
      %swap3A_143 = arith.constant 0 : index
      %swap3A_144 = arith.constant 0 : index
      %swap3A_145 = vector.load %arg7[%swap3A_143, %swap3A_144] : memref<256x8192xf32, #tpu.memory_space<vmem>>, vector<256x8192xf32>
      tpu.vector_store %arg7[%swap3A_143, %swap3A_144], %select_n3A_142 {strides = array<i32>} : memref<256x8192xf32, #tpu.memory_space<vmem>>, vector<256x8192xf32>,
      %get3A_146 = arith.constant 0 : index
      %get3A_147 = arith.constant 0 : index
      %get3A_148 = vector.load %arg7[%get3A_146, %get3A_147] : memref<256x8192xf32, #tpu.memory_space<vmem>>, vector<256x8192xf32>
      %reduce_max3A_149 = arith.constant dense<0xFF800000> : vector<256xf32>
      %reduce_max3A_150 = vector.multi_reduction <maximumf>, %get3A_148, %reduce_max3A_149 [1] : vector<256x8192xf32> to vector<256xf32>
      %broadcast_in_dim3A_151 = vector.shape_cast %reduce_max3A_150 : vector<256xf32> to vector<256x1xf32>
      %iota3A_152 = tpu.iota {dimensions = array<i32: 1>} : vector<256x8192xi32>
      %eq3A_153 = vector.broadcast %broadcast_in_dim3A_151 : vector<256x1xf32> to vector<256x8192xf32>
      %eq3A_154 = arith.cmpf oeq, %get3A_148, %eq3A_153 : vector<256x8192xf32>
      %jit3A_155 = arith.constant 8192 : i32
      %broadcast_in_dim3A_156 = vector.broadcast %jit3A_155 : i32 to vector<256x8192xi32>
      %select_n3A_157 = arith.select %eq3A_154, %iota3A_152, %broadcast_in_dim3A_156 : vector<256x8192xi1>, vector<256x8192xi32>
      %reduce_min3A_158 = arith.constant dense<2147483647> : vector<256xi32>
      %reduce_min3A_159 = vector.multi_reduction <minsi>, %select_n3A_157, %reduce_min3A_158 [1] : vector<256x8192xi32> to vector<256xi32>
      %broadcast_in_dim3A_160 = vector.shape_cast %reduce_min3A_159 : vector<256xi32> to vector<256x1xi32>
      %eq3A_161 = vector.broadcast %broadcast_in_dim3A_160 : vector<256x1xi32> to vector<256x8192xi32>
      %eq3A_162 = arith.cmpi eq, %iota3A_152, %eq3A_161 : vector<256x8192xi32>
      %jit3A_163 = arith.constant 0xFF800000 : f32
      %broadcast_in_dim3A_164 = vector.broadcast %jit3A_163 : f32 to vector<256x8192xf32>
      %select_n3A_165 = arith.select %eq3A_162, %broadcast_in_dim3A_164, %get3A_148 : vector<256x8192xi1>, vector<256x8192xf32>
      %swap3A_166 = arith.constant 0 : index
      %swap3A_167 = arith.constant 0 : index
      %swap3A_168 = vector.load %arg7[%swap3A_166, %swap3A_167] : memref<256x8192xf32, #tpu.memory_space<vmem>>, vector<256x8192xf32>
      tpu.vector_store %arg7[%swap3A_166, %swap3A_167], %select_n3A_165 {strides = array<i32>} : memref<256x8192xf32, #tpu.memory_space<vmem>>, vector<256x8192xf32>,
      %get3A_169 = arith.constant 0 : index
      %get3A_170 = arith.constant 0 : index
      %get3A_171 = vector.load %arg7[%get3A_169, %get3A_170] : memref<256x8192xf32, #tpu.memory_space<vmem>>, vector<256x8192xf32>
      %reduce_max3A_172 = arith.constant dense<0xFF800000> : vector<256xf32>
      %reduce_max3A_173 = vector.multi_reduction <maximumf>, %get3A_171, %reduce_max3A_172 [1] : vector<256x8192xf32> to vector<256xf32>
      %broadcast_in_dim3A_174 = vector.shape_cast %reduce_max3A_173 : vector<256xf32> to vector<256x1xf32>
      %iota3A_175 = tpu.iota {dimensions = array<i32: 1>} : vector<256x8192xi32>
      %eq3A_176 = vector.broadcast %broadcast_in_dim3A_174 : vector<256x1xf32> to vector<256x8192xf32>
      %eq3A_177 = arith.cmpf oeq, %get3A_171, %eq3A_176 : vector<256x8192xf32>
      %jit3A_178 = arith.constant 8192 : i32
      %broadcast_in_dim3A_179 = vector.broadcast %jit3A_178 : i32 to vector<256x8192xi32>
      %select_n3A_180 = arith.select %eq3A_177, %iota3A_175, %broadcast_in_dim3A_179 : vector<256x8192xi1>, vector<256x8192xi32>
      %reduce_min3A_181 = arith.constant dense<2147483647> : vector<256xi32>
      %reduce_min3A_182 = vector.multi_reduction <minsi>, %select_n3A_180, %reduce_min3A_181 [1] : vector<256x8192xi32> to vector<256xi32>
      %broadcast_in_dim3A_183 = vector.shape_cast %reduce_min3A_182 : vector<256xi32> to vector<256x1xi32>
      %eq3A_184 = vector.broadcast %broadcast_in_dim3A_183 : vector<256x1xi32> to vector<256x8192xi32>
      %eq3A_185 = arith.cmpi eq, %iota3A_175, %eq3A_184 : vector<256x8192xi32>
      %jit3A_186 = arith.constant 0xFF800000 : f32
      %broadcast_in_dim3A_187 = vector.broadcast %jit3A_186 : f32 to vector<256x8192xf32>
      %select_n3A_188 = arith.select %eq3A_185, %broadcast_in_dim3A_187, %get3A_171 : vector<256x8192xi1>, vector<256x8192xf32>
      %swap3A_189 = arith.constant 0 : index
      %swap3A_190 = arith.constant 0 : index
      %swap3A_191 = vector.load %arg7[%swap3A_189, %swap3A_190] : memref<256x8192xf32, #tpu.memory_space<vmem>>, vector<256x8192xf32>
      tpu.vector_store %arg7[%swap3A_189, %swap3A_190], %select_n3A_188 {strides = array<i32>} : memref<256x8192xf32, #tpu.memory_space<vmem>>, vector<256x8192xf32>,
      %concatenate3A = tpu.concatenate %broadcast_in_dim3A, %broadcast_in_dim3A_36, %broadcast_in_dim3A_59, %broadcast_in_dim3A_82, %broadcast_in_dim3A_105, %broadcast_in_dim3A_128, %broadcast_in_dim3A_151, %broadcast_in_dim3A_174 in 1 : vector<256x1xf32>, vector<256x1xf32>, vector<256x1xf32>, vector<256x1xf32>, vector<256x1xf32>, vector<256x1xf32>, vector<256x1xf32>, vector<256x1xf32> -> vector<256x8xf32>
      %swap3A_192 = arith.constant 0 : index
      %swap3A_193 = arith.constant 0 : index
      %swap3A_194 = vector.load %arg4[%swap3A_192, %swap3A_193] : memref<256x8xf32, #tpu.memory_space<vmem>>, vector<256x8xf32>
      tpu.vector_store %arg4[%swap3A_192, %swap3A_193], %concatenate3A {strides = array<i32>} : memref<256x8xf32, #tpu.memory_space<vmem>>, vector<256x8xf32>,
      %concatenate3A_195 = tpu.concatenate %broadcast_in_dim3A_22, %broadcast_in_dim3A_45, %broadcast_in_dim3A_68, %broadcast_in_dim3A_91, %broadcast_in_dim3A_114, %broadcast_in_dim3A_137, %broadcast_in_dim3A_160, %broadcast_in_dim3A_183 in 1 : vector<256x1xi32>, vector<256x1xi32>, vector<256x1xi32>, vector<256x1xi32>, vector<256x1xi32>, vector<256x1xi32>, vector<256x1xi32>, vector<256x1xi32> -> vector<256x8xi32>
      %swap3A_196 = arith.constant 0 : index
      %swap3A_197 = arith.constant 0 : index
      %swap3A_198 = vector.load %arg5[%swap3A_196, %swap3A_197] : memref<256x8xi32, #tpu.memory_space<vmem>>, vector<256x8xi32>
      tpu.vector_store %arg5[%swap3A_196, %swap3A_197], %concatenate3A_195 {strides = array<i32>} : memref<256x8xi32, #tpu.memory_space<vmem>>, vector<256x8xi32>,
      %reduce_sum3A = vector.shape_cast %concatenate3A : vector<256x8xf32> to vector<1x256x8xf32>
      %reduce_sum3A_199 = arith.constant dense<0.000000e+00> : vector<1xf32>
      %reduce_sum3A_200 = vector.multi_reduction <add>, %reduce_sum3A, %reduce_sum3A_199 [1, 2] : vector<1x256x8xf32> to vector<1xf32>
      %reduce_sum3A_201 = vector.shape_cast %reduce_sum3A_200 : vector<1xf32> to vector<1x1x1xf32>
      %reduce_sum3A_202 = vector.extract %reduce_sum3A_201[0, 0, 0] : f32 from vector<1x1x1xf32>
      %mul3A_203 = arith.constant 3.906250e-03 : f32
      %mul3A_204 = arith.mulf %reduce_sum3A_202, %mul3A_203 : f32
      %swap3A_205 = arith.constant 0 : index
      %swap3A_206 = arith.constant 0 : index
      %swap3A_207 = memref.load %arg6[%swap3A_205, %swap3A_206] : memref<1x1xf32, #tpu.memory_space<smem>>
      memref.store %mul3A_204, %arg6[%swap3A_205, %swap3A_206] : memref<1x1xf32, #tpu.memory_space<smem>>
    } else {
    }
    return
  }
  func.func @transform_0(%arg0: i32) -> (i32, i32) {
    %c0_i32 = arith.constant 0 : i32
    %c0_i32_0 = arith.constant 0 : i32
    %c0_i32_1 = arith.constant 0 : i32
    return %c0_i32, %c0_i32_0 : i32, i32
  }
  func.func @transform_1(%arg0: i32) -> (i32, i32) {
    %c0_i32 = arith.constant 0 : i32
    %c0_i32_0 = arith.constant 0 : i32
    return %arg0, %c0_i32 : i32, i32
  }
  func.func @transform_2(%arg0: i32) -> (i32, i32) {
    %c0_i32 = arith.constant 0 : i32
    %c0_i32_0 = arith.constant 0 : i32
    return %c0_i32, %arg0 : i32, i32
  }
  func.func @transform_3(%arg0: i32) -> (i32, i32) {
    %c0_i32 = arith.constant 0 : i32
    %c0_i32_0 = arith.constant 0 : i32
    %c0_i32_1 = arith.constant 0 : i32
    return %c0_i32, %c0_i32_0 : i32, i32
  }
  func.func @transform_4(%arg0: i32) -> (i32, i32) {
    %c0_i32 = arith.constant 0 : i32
    %c0_i32_0 = arith.constant 0 : i32
    %c0_i32_1 = arith.constant 0 : i32
    return %c0_i32, %c0_i32_0 : i32, i32
  }
  func.func @transform_5(%arg0: i32) -> (i32, i32) {
    %c0_i32 = arith.constant 0 : i32
    %c0_i32_0 = arith.constant 0 : i32
    %c0_i32_1 = arith.constant 0 : i32
    return %c0_i32, %c0_i32_0 : i32, i32
  }
}

</mosaic_0001>

<sc_bundles>
// kernel: kernel.6.cloned.1.call-start
scs
__scs_entry_jumppad:
0x0: {  	(pc) =	sbr.rel $0x88, $3  }
0x1: {  	(tag) =	ssettag $0x0;
	lr =	simm.s32 $0x1  }
0x2: {  	[smem:$0x3F9E] =	sst lr;
	_ =	strace $0xD0000000  }
0x3: {  	_ = 	snop  }
0x4: {  	_ = 	snop  }
0x5: {  	_ = 	snop  }
0x6: {  	_ = 	snop  }
0x7: {  	_ = 	snop  }
__scs_overlays_trampoline_lowered:
0x8: {  	[smem:$0x3FAD] =	sst s0  }
0x9: {  	[smem:$0x3FAE] =	sst s1  }
0xa: {  	[smem:$0x3FAF] =	sst s2  }
0xb: {  	[smem:$0x3FB0] =	sst s3  }
0xc: {  	[smem:$0x3FB1] =	sst s4  }
0xd: {  	[smem:$0x3FB2] =	sst s5  }
0xe: {  	[smem:$0x3FB3] =	sst s6  }
0xf: {  	[smem:$0x3FB4] =	sst s7  }
0x10: {  	[smem:$0x3FB5] =	sst s8  }
0x11: {  	[smem:$0x3FB6] =	sst s9;
	s0 =	simm.s32 @!p0 $0x0  }
0x12: {  	s1 =	sld [smem:$0x3F9C];
	s0 =	simm.s32 @p0 $0x1  }
0x13: {  	[smem:$0x3FB7] =	sst s0;
	s0 =	simm.s32 @!p1 $0x0  }
0x14: {  	s2 =	sld [smem:$0x3F9B];
	s0 =	simm.s32 @p1 $0x1  }
0x15: {  	[smem:$0x3FB8] =	sst s0;
	s0 =	simm.s32 @!p2 $0x0  }
0x16: {  	s3 =	sld [smem:$0x3FDB];
	s0 =	simm.s32 @p2 $0x1  }
0x17: {  	s4 =	simm.s32 $0x1BF5;
	[smem:$0x3FBA] =	sst s0  }
0x18: {  	s0 =	sld [smem:$0x3F9D];
	_ =	swait.ge [sflag:s4], $0x0  }
0x19: {  	s7 =	sld [smem:$0x3F9E]  }
0x1a: {  	s8 =	sadd.s32 $0xFFFFE003, lr  }
0x1b: {  	s9 =	sadd.s32 $0xFFFFFEF7, lr;
	s5 =	simm.s32 $0xFFFFFFFF;
	p2 =	slt.u32 s8, $0xFFFFF086  }
0x1c: {  	p1 =	slt.u32 s9, $0xF7A;
	s5 =	simm.s32 @!p2 $0x0  }
0x1d: {  	s5 =	simm.s32 @p1 $0x1;
	p0 =	seq.s32 s7, s2  }
0x1e: {  	s7 =	smul.u32 @!p0 $0xF7A, s2;
	p2 =	seq.s32 @!p0 s5, $0x0  }
0x1f: {  	s9 =	smul.u32 $0xF7A, s1;
	s8 =	simm.s32 @!p0 $0x1BF5;
	p2 =	por !p2, p0  }
0x20: {  	[sflag:s8] =	ssyncset.s32 @!p0 $0xFFFFF086;
	s6 =	sadd.s32 @!p0 s3, s7;
	s7 =	simm.s32 @!p0 $0x108  }
0x21: {  	s3 =	sadd.s32 s3, s9;
	s6 =	sadd.s32 @!p0 $0x88, s6;
	s7 =	simm.s32 @p2 $0x1082  }
0x22: {  	[simem:s7], [sflag:s8] =	dma.local @!p0 [hbm:s6], $0xF7A  }
0x23: {  	s9 =	sor.u32 $0xD0000000, s2;
	s6 =	simm.s32 $0x108;
	_ =	swait.ge @!p0 [sflag:s8], $0x0  }
0x24: {  	s3 =	sadd.s32 $0x88, s3;
	s6 =	simm.s32 @!p1 $0x1082;
	[sflag:s4] =	ssyncset.s32 $0xFFFFF086  }
0x25: {  	[simem:s6], [sflag:s4] =	dma.local [hbm:s3], $0xF7A  }
0x26: {  	[smem:$0x3F9E] =	sst s1;
	(tag) =	ssettag s2;
	_ =	strace s9  }
0x27: {  	s1 =	sld [smem:$0x3FAE]  }
0x28: {  	s2 =	sld [smem:$0x3FAF]  }
0x29: {  	s4 =	sld [smem:$0x3FB1]  }
0x2a: {  	p0 =	seq.s32 s5, $0x0;
	s5 =	sld [smem:$0x3FB2]  }
0x2b: {  	s6 =	sld [smem:$0x3FB3]  }
0x2c: {  	s7 =	sld [smem:$0x3FB4]  }
0x2d: {  	s3 =	simm.s32 $0x108;
	s8 =	sld [smem:$0x3FB5]  }
0x2e: {  	s3 =	simm.s32 @!p0 $0x1082;
	s9 =	sld [smem:$0x3FB6]  }
0x2f: {  	lr =	sadd.s32 s0, s3;
	s0 =	sld [smem:$0x3FAD]  }
0x30: {  	s3 =	sld [smem:$0x3FB0]  }
0x31: {  	[smem:$0x3FB9] =	sst s10  }
0x32: {  	s10 =	sld [smem:$0x3FB7];
	_ =	sdelay $0x3  }
0x33: {  	p0 =	seq.s32 s10, $0x1;
	s10 =	sld [smem:$0x3FB9];
	_ =	sdelay $0x3  }
0x34: {  	[smem:$0x3FB9] =	sst s10  }
0x35: {  	s10 =	sld [smem:$0x3FB8];
	_ =	sdelay $0x3  }
0x36: {  	p1 =	seq.s32 s10, $0x1;
	s10 =	sld [smem:$0x3FB9];
	_ =	sdelay $0x3  }
0x37: {  	[smem:$0x3FB9] =	sst s10  }
0x38: {  	s10 =	sld [smem:$0x3FBA]  }
0x39: {  	_ = 	snop;
	(pc) =	sbr.ind lr, $3  }
0x3a: {  	_ = 	snop  }
0x3b: {  	_ = 	snop  }
0x3c: {  	p2 =	seq.s32 s10, $0x1;
	s10 =	sld [smem:$0x3FB9]  }
0x3d: {  	_ =	shalt  }
0x3e: {  	_ =	shalt  }
0x3f: {  	_ =	shalt  }
0x40: {  	_ =	shalt  }
0x41: {  	_ =	shalt  }
0x42: {  	_ =	shalt  }
0x43: {  	_ =	shalt  }
0x44: {  	_ =	shalt  }
0x45: {  	_ =	shalt  }
0x46: {  	_ =	shalt  }
0x47: {  	_ =	shalt  }
0x48: {  	_ =	shalt  }
0x49: {  	_ =	shalt  }
0x4a: {  	_ =	shalt  }
0x4b: {  	_ =	shalt  }
0x4c: {  	_ =	shalt  }
0x4d: {  	_ =	shalt  }
0x4e: {  	_ =	shalt  }
0x4f: {  	_ =	shalt  }
0x50: {  	_ =	shalt  }
0x51: {  	_ =	shalt  }
0x52: {  	_ =	shalt  }
0x53: {  	_ =	shalt  }
0x54: {  	_ =	shalt  }
0x55: {  	_ =	shalt  }
0x56: {  	_ =	shalt  }
0x57: {  	_ =	shalt  }
0x58: {  	_ =	shalt  }
0x59: {  	_ =	shalt  }
0x5a: {  	_ =	shalt  }
0x5b: {  	_ =	shalt  }
0x5c: {  	_ =	shalt  }
0x5d: {  	_ =	shalt  }
0x5e: {  	_ =	shalt  }
0x5f: {  	_ =	shalt  }
0x60: {  	_ =	shalt  }
0x61: {  	_ =	shalt  }
0x62: {  	_ =	shalt  }
0x63: {  	_ =	shalt  }
0x64: {  	_ =	shalt  }
0x65: {  	_ =	shalt  }
0x66: {  	_ =	shalt  }
0x67: {  	_ =	shalt  }
0x68: {  	_ =	shalt  }
0x69: {  	_ =	shalt  }
0x6a: {  	_ =	shalt  }
0x6b: {  	_ =	shalt  }
0x6c: {  	_ =	shalt  }
0x6d: {  	_ =	shalt  }
0x6e: {  	_ =	shalt  }
0x6f: {  	_ =	shalt  }
0x70: {  	_ =	shalt  }
0x71: {  	_ =	shalt  }
0x72: {  	_ =	shalt  }
0x73: {  	_ =	shalt  }
0x74: {  	_ =	shalt  }
0x75: {  	_ =	shalt  }
0x76: {  	_ =	shalt  }
0x77: {  	_ =	shalt  }
0x78: {  	_ =	shalt  }
0x79: {  	_ =	shalt  }
0x7a: {  	_ =	shalt  }
0x7b: {  	_ =	shalt  }
0x7c: {  	_ =	shalt  }
0x7d: {  	_ =	shalt  }
0x7e: {  	_ =	shalt  }
0x7f: {  	_ =	shalt  }
0x80: {  	_ =	shalt  }
0x81: {  	_ =	shalt  }
0x82: {  	_ =	shalt  }
0x83: {  	_ =	shalt  }
0x84: {  	_ =	shalt  }
0x85: {  	_ =	shalt  }
0x86: {  	_ =	shalt  }
0x87: {  	_ =	shalt  }
.Lfunc_end0:
.L_simem_size_0:
called_computation_lowered:
.L_overlay_start_0:
0x88: {  	s2 =	sld [smem:$0x3FD9]  }
0x89: {  	s3 =	sld [smem:$0x3FFE];
	_ =	sdelay $0x1  }
0x8a: {  	s1 =	srdreg.scid  }
0x8b: {  	s0 =	sand.u32 $0x1, s1  }
0x8c: {  	s13 =	sshll.u32 s0, $0xA;
	s2 =	sadd.s32 s3, s2  }
0x8d: {  	s2 =	sadd.s32 s2, s13  }
0x8e: {  	[smem:$0x3FC5] =	sst s2  }
0x8f: {  	_ = 	snop  }
0x90: {  	s2 =	sld [smem:$0x3FD0];
	_ =	sdelay $0x2  }
0x91: {  	s5 =	simm.s32 $0xA  }
0x92: {  	s6 =	simm.s32 $0x10;
	s14 =	sld [smem:$0x3FC8];
	s4 =	sadd.s32 $0x1, s2  }
0x93: {  	[smem:s6], [sflag:s5] =	dma.local [hbm:s4], $0x1  }
0x94: {  	_ =	swait.eq [sflag:s5], $0x1  }
0x95: {  	[sflag:s5] =	ssyncset.done $0x0  }
0x96: {  	[sflag:s5] =	ssyncadd.s32 $0xFFFFFFFF  }
0x97: {  	s15 =	sld [smem:$0x10]  }
0x98: {  	[smem:s6], [sflag:s5] =	dma.local [hbm:s2], $0x1  }
0x99: {  	_ =	swait.eq [sflag:s5], $0x1  }
0x9a: {  	s16 =	sld [smem:$0x10];
	[sflag:s5] =	ssyncset.done $0x0  }
0x9b: {  	s17 =	sld [smem:$0x15];
	[sflag:s5] =	ssyncadd.s32 $0xFFFFFFFF  }
0x9c: {  	s18 =	sld [smem:$0x17];
	(tm) =	ssettm $0x1  }
0x9d: {  	s7 =	sld [smem:$0x3FFB];
	_ =	sdelay $0x3  }
0x9e: {  	_ =	strace s7  }
0x9f: {  	s7 =	sld [smem:$0x3FFC];
	_ =	sdelay $0x3  }
0xa0: {  	_ =	strace s7  }
0xa1: {  	s7 =	sld [smem:$0x3FFD];
	_ =	sdelay $0x3  }
0xa2: {  	_ =	strace s7  }
0xa3: {  	_ =	strace $0x8FFFFFFF  }
0xa4: {  	s19 =	sld [smem:$0x3FDB];
	_ =	sdelay $0x1  }
0xa5: {  	s8 =	simm.s32 $_scs_section_size  }
0xa6: {  	s9 =	simm.s32 $_size__tile_overlayer_lowered;
	s10 =	simm.s32 $_tile_overlayer_lowered  }
0xa7: {  	s22 =	simm.s32 $0x1BFF;
	s21 =	sshll.u32 s10, $0x1;
	s7 =	sadd.s32 s8, s19  }
0xa8: {  	s11 =	simm.s32 $0x0;
	s20 =	sshll.u32 s9, $0x1;
	s9 =	sadd.s32 s21, s7  }
0xa9: {  	[timem:s11], [sflag:s22] =	dma.local [hbm:s9], s20  }
0xaa: {  	_ =	swait.ge [sflag:s22], s20  }
0xab: {  	s8 =	ssub.s32 $0x0, s20;
	[sflag:s22] =	ssyncset.done $0x0  }
0xac: {  	[sflag:s22] =	ssyncadd.s32 s8;
	_ =	sdelay $0x1  }
0xad: {  	s23 =	simm.s32 $0x1B8B  }
0xae: {  	_ =	swait.ge [sflag:s23], $0x1  }
0xaf: {  	[sflag:s23] =	ssyncset.done $0x0  }
0xb0: {  	s25 =	simm.s32 $0x1B8E;
	s24 =	sld [smem:$0x3FFE];
	[sflag:s23] =	ssyncadd.s32 $0xFFFFFFFF  }
0xb1: {  	s26 =	simm.s32 $execute0_lowered;
	[smem:$0x3FD2] =	sst s25  }
0xb2: {  	s9 =	sshll.u32 s26, $0x1;
	_ =	strace $0x80000046;
	[dreg:$0x1] =	wrdreg $0xFFFFFFFF  }
0xb3: {  	s28 =	simm.s32 $_size_execute0_lowered;
	s7 =	sadd.s32 s7, s9;
	[dreg:$0x0] =	wrdreg $0x0  }
0xb4: {  	s9 =	sshll.u32 s28, $0x1;
	[dreg:$0x2] =	wrdreg s7  }
0xb5: {  	[dreg:$0x3] =	wrdreg s9  }
0xb6: {  	[dreg:$0x4] =	wrdreg $0xC0  }
0xb7: {  	_ =	task [dreg:s11], $0x5FFFF  }
0xb8: {  	[dreg:$0x1] =	wrdreg $0xFFFFFFFF  }
0xb9: {  	[dreg:$0x0] =	wrdreg $0x60  }
0xba: {  	[dreg:$0x2] =	wrdreg s14  }
0xbb: {  	[dreg:$0x3] =	wrdreg s17  }
0xbc: {  	[dreg:$0x4] =	wrdreg s18  }
0xbd: {  	[dreg:$0x5] =	wrdreg s16  }
0xbe: {  	[dreg:$0x6] =	wrdreg s24  }
0xbf: {  	[dreg:$0x7] =	wrdreg s15  }
0xc0: {  	[dreg:$0x8] =	wrdreg $0x9  }
0xc1: {  	_ =	task.clear_ibuf [dreg:s11], $0x9FFFF;
	_ =	strace $0x90000046  }
0xc2: {  	s29 =	simm.s32 $0x9;
	_ =	strace $0x80000048  }
0xc3: {  	_ =	swait.ge [sflag:s29], $0x1  }
0xc4: {  	[sflag:s29] =	ssyncadd.s32 $0xFFFFFFFF  }
0xc5: {  	_ =	strace $0x90000048  }
0xc6: {  	_ =	sfence  }
0xc7: {  	s30 =	sld [smem:$0x0];
	_ =	sdelay $0x2  }
0xc8: {  	s31 =	sshll.u32 s1, $0xD;
	s1 =	sshrl.u32 s1, $0x2  }
0xc9: {  	s3 =	sand.u32 $0x4000, s31;
	s1 =	sadd.s32 s1, s30  }
0xca: {  	s0 =	sor.u32 s3, s0;
	s1 =	sshll.u32 s1, $0x11  }
0xcb: {  	s0 =	sor.u32 s1, s0  }
0xcc: {  	s0 =	sadd.s32 $0x8F2B, s0  }
0xcd: {  	[sflag:s0] =	ssyncadd.remote.s32 $0x1  }
0xce: {  	_ =	sfence.sel $0xFFFF  }
0xcf: {  	[dreg:$0x0] =	wrdreg $0xFFFFFFFF;
	(pc) =	sbr.abs _section_cstart, $3  }
0xd0: {  	[dreg:$0x1] =	wrdreg $0xFFFFFFFF  }
0xd1: {  	_ =	task.clear_ibuf [dreg:s11], $0x2FFFF;
	_ =	strace $0x9FFFFFFF  }
0xd2: {  	(tm) =	ssettm $0x7FFFFFFF  }
0xd3: {  	_ =	shalt  }
tec
execute0_lowered:
.L_overlay_start_1:
0x0: {  	(tag) =	ssettag $0x1  }
0x1: {  	s0 =	rddreg [dreg:$0x0]  }
0x2: {  	s1 =	rddreg [dreg:$0x1]  }
0x3: {  	s5 =	rddreg [dreg:$0x2]  }
0x4: {  	s3 =	rddreg [dreg:$0x3]  }
0x5: {  	s6 =	rddreg [dreg:$0x4];
	s4 =	srdreg.scid  }
0x6: {  	s2 =	stileid.u32;
	s17 =	rddreg [dreg:$0x5]  }
0x7: {  	s28 =	simm.s32 $0x1AC00;
	s29 =	simm.s32 $0x1;
	s30 =	simm.s32 $0x3  }
0x8: {  	s31 =	simm.s32 $0x2;
	s7 =	sand.u32 $0x1, s4;
	s8 =	sshll.u32 s2, $0x1  }
0x9: {  	s4 =	simm.s32 $0x0;
	s16 =	sadd.s32 $0x2400, s6;
	s10 =	sor.u32 s7, s8  }
0xa: {  	[smem:$0x7FF] =	sst s4;
	s18 =	smul.u32 $0xC000, s10;
	s9 =	sshll.u32 s10, $0x3  }
0xb: {  	s7 =	ssub.s32 $0x2, s7;
	s20 =	smul.u32 $0x1800, s10;
	s11 =	sor.u32 $0x1, s9  }
0xc: {  	s8 =	sshll.u32 s10, $0x7;
	_ =	strace $0x80000047;
	s22 =	smul.u32 $0x1800, s11  }
0xd: {  	s5 =	sadd.s32 s5, s8;
	s2 =	sor.u32 $0x2, s9;
	s25 =	smul.u32 $0x300, s11  }
0xe: {  	s13 =	sor.u32 $0x3, s9;
	[dreg:$0x7] =	wrdreg s5;
	s11 =	smul.u32 $0x1800, s2  }
0xf: {  	s19 =	sadd.s32 s3, s18;
	s21 =	sadd.s32 s16, s18;
	s8 =	smul.u32 $0x300, s2  }
0x10: {  	s23 =	sadd.s32 s17, s20;
	s15 =	smul.u32 $0x1800, s13;
	[dreg:$0x8] =	wrdreg s19  }
0x11: {  	s20 =	sshrl.u32 s7, $0x1;
	s5 =	sadd.s32 $0x100, s1;
	[dreg:$0x9] =	wrdreg s21  }
0x12: {  	[dreg:$0xa] =	wrdreg s23;
	s18 =	ssub.s32 s7, s20;
	s23 =	sor.u32 $0x4, s9  }
0x13: {  	s24 =	sadd.s32 s3, s22;
	s26 =	sadd.s32 s16, s22;
	s6 =	sadd.s32 s17, s25  }
0x14: {  	s12 =	sadd.s32 s3, s11;
	s14 =	sadd.s32 s16, s11;
	[dreg:$0xb] =	wrdreg s24  }
0x15: {  	s19 =	sadd.s32 s17, s8;
	s22 =	smul.u32 $0x300, s13;
	[dreg:$0xc] =	wrdreg s26  }
0x16: {  	s21 =	sadd.s32 s16, s15;
	s11 =	smul.u32 $0x300, s23;
	[dreg:$0xd] =	wrdreg s6  }
0x17: {  	s25 =	sor.u32 $0x5, s9;
	[dreg:$0xe] =	wrdreg s12;
	s24 =	smul.u32 $0x1800, s23  }
0x18: {  	[dreg:$0xf] =	wrdreg s14;
	s12 =	sadd.s32 s3, s15;
	s13 =	smul.u32 $0x1800, s25  }
0x19: {  	s14 =	sor.u32 $0x6, s9;
	[dreg:$0x11] =	wrdreg s12;
	s12 =	smul.u32 $0x300, s25  }
0x1a: {  	s18 =	smax.u32 s18, $0x1;
	[dreg:$0x10] =	wrdreg s19;
	s15 =	smul.u32 $0x1800, s14  }
0x1b: {  	s6 =	sadd.s32 $0x200, s1;
	s19 =	sshllo.u32 s10, $0x3;
	s14 =	smul.u32 $0x300, s14  }
0x1c: {  	[dreg:$0x12] =	wrdreg s21;
	s21 =	simm.s32 $0x18400;
	s20 =	smul.u32 $0x1800, s19  }
0x1d: {  	s23 =	simm.s32 $0x19400;
	s8 =	sadd.s32 s17, s22;
	s19 =	smul.u32 $0x300, s19  }
0x1e: {  	s22 =	simm.s32 $0x18C00;
	s25 =	simm.s32 $0x19C00;
	[dreg:$0x13] =	wrdreg s8  }
0x1f: {  	s26 =	sadd.s32 s3, s24;
	s7 =	sadd.s32 s16, s24;
	s8 =	sadd.s32 s17, s11  }
0x20: {  	s9 =	sadd.s32 s3, s13;
	s10 =	sadd.s32 s16, s13;
	s24 =	simm.s32 $0xC400  }
0x21: {  	[dreg:$0x14] =	wrdreg s26;
	s11 =	sadd.s32 s17, s12;
	s12 =	sadd.s32 s3, s15  }
0x22: {  	v0 =	vlaneseq.u32;
	s13 =	sadd.s32 s16, s15;
	s14 =	sadd.s32 s17, s14;
	s15 =	sadd.s32 s3, s20  }
0x23: {  	vm0 =	vmmov $0xff;
	v2 =	vshrl.u32 v0, $0x3;
	s16 =	sadd.s32 s16, s20;
	s17 =	sadd.s32 s17, s19;
	s19 =	simm.s32 $0x5  }
0x24: {  	vm1 =	vmmov $0xffff;
	v1 =	vand.u32 $0x7, v0;
	v2 =	vmul.u32 $0x8, v2;
	s20 =	simm.s32 $0x400;
	s26 =	simm.s32 $0x1A400;
	s3 =	simm.s32 $0x4  }
.LBB2_1:
0x25: {  	s2 =	rddreg [dreg:$0x7]  }
0x26: {  	[tilespmem:s4], [sflag:$0x5] =	stream.linear.gather [hbm4b:s2+s4], $0x400, $0x38;
	[tilespmem:$0x1B400] =	vst v63  }
0x27: {  	_ =	swait.ge [sflag:s19], $0x400  }
0x28: {  	[sflag:s19] =	ssyncset.done $0x0  }
0x29: {  	[sflag:s19] =	ssyncadd.s32 $0xFFFFFC00  }
0x2a: {  	v3 =	vld.msk [tilespmem:$0x0], $0xff;
	_ =	sdelay $0x4  }
0x2b: {  	v3 =	vmul.u32 $0x1800, v3;
	_ =	sdelay $0x1  }
0x2c: {  	v3 =	vperm.xlane v3, v0;
	_ =	sdelay $0x5  }
0x2d: {  	[tilespmem:s20], [sflag:$0x1] =	stream.indirect_vreg.gather [hbm4b:s0+s4], $0x1800, v3, vm0, $0x38;
	[tilespmem:$0x1B400] =	vst v63  }
0x2e: {  	v3 =	vld.msk [tilespmem:$0x0], $0xff;
	_ =	sdelay $0x4  }
0x2f: {  	v4 =	vshrl.u32 v3, $0x3  }
0x30: {  	v4 =	vmul.u32 $0x30, v4  }
0x31: {  	v3 =	vand.u32 $0x7, v3  }
0x32: {  	v3 =	vor.u32 v3, v4  }
0x33: {  	v3 =	vperm.xlane v3, v1;
	_ =	sdelay $0x1  }
0x34: {  	v3 =	vadd.s32 v2, v3;
	_ =	sdelay $0x4  }
0x35: {  	[tilespmem:s21], [sflag:$0x3] =	stream.indirect_vreg.gather [hbm4b:s1+s4], $0x80, v3, vm1, $0xb8;
	[tilespmem:$0x1B400] =	vst v63  }
0x36: {  	_ = 	snop  }
0x37: {  	[tilespmem:s22], [sflag:$0x3] =	stream.indirect_vreg.gather [hbm4b:s5+s4], $0x80, v3, vm1, $0xb8;
	[tilespmem:$0x1B400] =	vst v63  }
0x38: {  	_ = 	snop  }
0x39: {  	[tilespmem:s23], [sflag:$0x3] =	stream.indirect_vreg.gather [hbm4b:s6+s4], $0x80, v3, vm1, $0xb8;
	[tilespmem:$0x1B400] =	vst v63  }
0x3a: {  	v3 =	vld.msk [tilespmem:$0x80], $0xff;
	_ =	sdelay $0x4  }
0x3b: {  	v3 =	vmul.u32 $0x1800, v3;
	_ =	sdelay $0x1  }
0x3c: {  	v3 =	vperm.xlane v3, v0;
	_ =	sdelay $0x5  }
0x3d: {  	[tilespmem:s24], [sflag:$0x2] =	stream.indirect_vreg.gather [hbm4b:s0+s4], $0x1800, v3, vm0, $0x38;
	[tilespmem:$0x1B400] =	vst v63  }
0x3e: {  	v3 =	vld.msk [tilespmem:$0x80], $0xff;
	_ =	sdelay $0x4  }
0x3f: {  	v57 =	vshrl.u32 v3, $0x3  }
0x40: {  	v4 =	vmul.u32 $0x30, v57  }
0x41: {  	v3 =	vand.u32 $0x7, v3  }
0x42: {  	v3 =	vor.u32 v3, v4  }
0x43: {  	v3 =	vperm.xlane v3, v1;
	_ =	sdelay $0x1  }
0x44: {  	v3 =	vadd.s32 v2, v3;
	_ =	sdelay $0x4  }
0x45: {  	[tilespmem:s25], [sflag:$0x4] =	stream.indirect_vreg.gather [hbm4b:s1+s4], $0x80, v3, vm1, $0xb8;
	[tilespmem:$0x1B400] =	vst v63  }
0x46: {  	_ = 	snop  }
0x47: {  	[tilespmem:s26], [sflag:$0x4] =	stream.indirect_vreg.gather [hbm4b:s5+s4], $0x80, v3, vm1, $0xb8;
	[tilespmem:$0x1B400] =	vst v63  }
0x48: {  	_ = 	snop  }
0x49: {  	[tilespmem:s28], [sflag:$0x4] =	stream.indirect_vreg.gather [hbm4b:s6+s4], $0x80, v3, vm1, $0xb8;
	[tilespmem:$0x1B400] =	vst v63  }
0x4a: {  	_ =	swait.ge [sflag:s29], $0xC000  }
0x4b: {  	[sflag:s29] =	ssyncset.done $0x0  }
0x4c: {  	s2 =	rddreg [dreg:$0x8];
	[sflag:s29] =	ssyncadd.s32 $0xFFFF4000  }
0x4d: {  	[hbm4b:s2+s4] =	stream.linear.scatter [tilespmem:s20], [sflag:$0x5], $0xC000, $0x38;
	[tilespmem:$0x1B400] =	vst v63  }
0x4e: {  	_ =	swait.ge [sflag:s19], $0xC000  }
0x4f: {  	[sflag:s19] =	ssyncset.done $0x0  }
0x50: {  	s2 =	rddreg [dreg:$0x9];
	[sflag:s19] =	ssyncadd.s32 $0xFFFF4000  }
0x51: {  	[hbm4b:s2+s4] =	stream.linear.scatter [tilespmem:s20], [sflag:$0x5], $0xC000, $0x38;
	[tilespmem:$0x1B400] =	vst v63  }
0x52: {  	_ =	swait.ge [sflag:s19], $0xC000  }
0x53: {  	[sflag:s19] =	ssyncset.done $0x0  }
0x54: {  	[sflag:s19] =	ssyncadd.s32 $0xFFFF4000  }
0x55: {  	_ =	swait.ge [sflag:s30], $0x1800  }
0x56: {  	[sflag:s30] =	ssyncset.done $0x0  }
0x57: {  	s2 =	rddreg [dreg:$0xa];
	[sflag:s30] =	ssyncadd.s32 $0xFFFFE800  }
0x58: {  	[hbm4b:s2+s4] =	stream.linear.scatter [tilespmem:s21], [sflag:$0x5], $0x1800, $0x38;
	[tilespmem:$0x1B400] =	vst v63  }
0x59: {  	_ =	swait.ge [sflag:s19], $0x1800  }
0x5a: {  	[sflag:s19] =	ssyncset.done $0x0  }
0x5b: {  	[sflag:s19] =	ssyncadd.s32 $0xFFFFE800  }
0x5c: {  	v3 =	vld.msk [tilespmem:$0x100], $0xff;
	_ =	sdelay $0x4  }
0x5d: {  	v3 =	vmul.u32 $0x1800, v3;
	_ =	sdelay $0x1  }
0x5e: {  	v3 =	vperm.xlane v3, v0;
	_ =	sdelay $0x5  }
0x5f: {  	[tilespmem:s20], [sflag:$0x1] =	stream.indirect_vreg.gather [hbm4b:s0+s4], $0x1800, v3, vm0, $0x38;
	[tilespmem:$0x1B400] =	vst v63  }
0x60: {  	v3 =	vld.msk [tilespmem:$0x100], $0xff;
	_ =	sdelay $0x4  }
0x61: {  	v58 =	vshrl.u32 v3, $0x3  }
0x62: {  	v4 =	vmul.u32 $0x30, v58  }
0x63: {  	v3 =	vand.u32 $0x7, v3  }
0x64: {  	v3 =	vor.u32 v3, v4  }
0x65: {  	v3 =	vperm.xlane v3, v1;
	_ =	sdelay $0x1  }
0x66: {  	v3 =	vadd.s32 v2, v3;
	_ =	sdelay $0x4  }
0x67: {  	[tilespmem:s21], [sflag:$0x3] =	stream.indirect_vreg.gather [hbm4b:s1+s4], $0x80, v3, vm1, $0xb8;
	[tilespmem:$0x1B400] =	vst v63  }
0x68: {  	_ = 	snop  }
0x69: {  	[tilespmem:s22], [sflag:$0x3] =	stream.indirect_vreg.gather [hbm4b:s5+s4], $0x80, v3, vm1, $0xb8;
	[tilespmem:$0x1B400] =	vst v63  }
0x6a: {  	_ = 	snop  }
0x6b: {  	[tilespmem:s23], [sflag:$0x3] =	stream.indirect_vreg.gather [hbm4b:s6+s4], $0x80, v3, vm1, $0xb8;
	[tilespmem:$0x1B400] =	vst v63  }
0x6c: {  	_ =	swait.ge [sflag:s31], $0xC000  }
0x6d: {  	[sflag:s31] =	ssyncset.done $0x0  }
0x6e: {  	s2 =	rddreg [dreg:$0xb];
	[sflag:s31] =	ssyncadd.s32 $0xFFFF4000  }
0x6f: {  	[hbm4b:s2+s4] =	stream.linear.scatter [tilespmem:s24], [sflag:$0x5], $0xC000, $0x38;
	[tilespmem:$0x1B400] =	vst v63  }
0x70: {  	_ =	swait.ge [sflag:s19], $0xC000  }
0x71: {  	[sflag:s19] =	ssyncset.done $0x0  }
0x72: {  	s2 =	rddreg [dreg:$0xc];
	[sflag:s19] =	ssyncadd.s32 $0xFFFF4000  }
0x73: {  	[hbm4b:s2+s4] =	stream.linear.scatter [tilespmem:s24], [sflag:$0x5], $0xC000, $0x38;
	[tilespmem:$0x1B400] =	vst v63  }
0x74: {  	_ =	swait.ge [sflag:s19], $0xC000  }
0x75: {  	[sflag:s19] =	ssyncset.done $0x0  }
0x76: {  	[sflag:s19] =	ssyncadd.s32 $0xFFFF4000  }
0x77: {  	_ =	swait.ge [sflag:s3], $0x1800  }
0x78: {  	[sflag:s3] =	ssyncset.done $0x0  }
0x79: {  	s2 =	rddreg [dreg:$0xd];
	[sflag:s3] =	ssyncadd.s32 $0xFFFFE800  }
0x7a: {  	[hbm4b:s2+s4] =	stream.linear.scatter [tilespmem:s25], [sflag:$0x5], $0x1800, $0x38;
	[tilespmem:$0x1B400] =	vst v63  }
0x7b: {  	_ =	swait.ge [sflag:s19], $0x1800  }
0x7c: {  	[sflag:s19] =	ssyncset.done $0x0  }
0x7d: {  	[sflag:s19] =	ssyncadd.s32 $0xFFFFE800  }
0x7e: {  	v3 =	vld.msk [tilespmem:$0x180], $0xff;
	_ =	sdelay $0x4  }
0x7f: {  	v3 =	vmul.u32 $0x1800, v3;
	_ =	sdelay $0x1  }
0x80: {  	v3 =	vperm.xlane v3, v0;
	_ =	sdelay $0x5  }
0x81: {  	[tilespmem:s24], [sflag:$0x2] =	stream.indirect_vreg.gather [hbm4b:s0+s4], $0x1800, v3, vm0, $0x38;
	[tilespmem:$0x1B400] =	vst v63  }
0x82: {  	v3 =	vld.msk [tilespmem:$0x180], $0xff;
	_ =	sdelay $0x4  }
0x83: {  	v59 =	vshrl.u32 v3, $0x3  }
0x84: {  	v4 =	vmul.u32 $0x30, v59  }
0x85: {  	v3 =	vand.u32 $0x7, v3  }
0x86: {  	v3 =	vor.u32 v3, v4  }
0x87: {  	v3 =	vperm.xlane v3, v1;
	_ =	sdelay $0x1  }
0x88: {  	v3 =	vadd.s32 v2, v3;
	_ =	sdelay $0x4  }
0x89: {  	[tilespmem:s25], [sflag:$0x4] =	stream.indirect_vreg.gather [hbm4b:s1+s4], $0x80, v3, vm1, $0xb8;
	[tilespmem:$0x1B400] =	vst v63  }
0x8a: {  	_ = 	snop  }
0x8b: {  	[tilespmem:s26], [sflag:$0x4] =	stream.indirect_vreg.gather [hbm4b:s5+s4], $0x80, v3, vm1, $0xb8;
	[tilespmem:$0x1B400] =	vst v63  }
0x8c: {  	_ = 	snop  }
0x8d: {  	[tilespmem:s28], [sflag:$0x4] =	stream.indirect_vreg.gather [hbm4b:s6+s4], $0x80, v3, vm1, $0xb8;
	[tilespmem:$0x1B400] =	vst v63  }
0x8e: {  	_ =	swait.ge [sflag:s29], $0xC000  }
0x8f: {  	[sflag:s29] =	ssyncset.done $0x0  }
0x90: {  	s2 =	rddreg [dreg:$0xe];
	[sflag:s29] =	ssyncadd.s32 $0xFFFF4000  }
0x91: {  	[hbm4b:s2+s4] =	stream.linear.scatter [tilespmem:s20], [sflag:$0x5], $0xC000, $0x38;
	[tilespmem:$0x1B400] =	vst v63  }
0x92: {  	_ =	swait.ge [sflag:s19], $0xC000  }
0x93: {  	[sflag:s19] =	ssyncset.done $0x0  }
0x94: {  	s2 =	rddreg [dreg:$0xf];
	[sflag:s19] =	ssyncadd.s32 $0xFFFF4000  }
0x95: {  	[hbm4b:s2+s4] =	stream.linear.scatter [tilespmem:s20], [sflag:$0x5], $0xC000, $0x38;
	[tilespmem:$0x1B400] =	vst v63  }
0x96: {  	_ =	swait.ge [sflag:s19], $0xC000  }
0x97: {  	[sflag:s19] =	ssyncset.done $0x0  }
0x98: {  	[sflag:s19] =	ssyncadd.s32 $0xFFFF4000  }
0x99: {  	_ =	swait.ge [sflag:s30], $0x1800  }
0x9a: {  	[sflag:s30] =	ssyncset.done $0x0  }
0x9b: {  	s2 =	rddreg [dreg:$0x10];
	[sflag:s30] =	ssyncadd.s32 $0xFFFFE800  }
0x9c: {  	[hbm4b:s2+s4] =	stream.linear.scatter [tilespmem:s21], [sflag:$0x5], $0x1800, $0x38;
	[tilespmem:$0x1B400] =	vst v63  }
0x9d: {  	_ =	swait.ge [sflag:s19], $0x1800  }
0x9e: {  	[sflag:s19] =	ssyncset.done $0x0  }
0x9f: {  	[sflag:s19] =	ssyncadd.s32 $0xFFFFE800  }
0xa0: {  	v3 =	vld.msk [tilespmem:$0x200], $0xff;
	_ =	sdelay $0x4  }
0xa1: {  	v3 =	vmul.u32 $0x1800, v3;
	_ =	sdelay $0x1  }
0xa2: {  	v3 =	vperm.xlane v3, v0;
	_ =	sdelay $0x5  }
0xa3: {  	[tilespmem:s20], [sflag:$0x1] =	stream.indirect_vreg.gather [hbm4b:s0+s4], $0x1800, v3, vm0, $0x38;
	[tilespmem:$0x1B400] =	vst v63  }
0xa4: {  	v3 =	vld.msk [tilespmem:$0x200], $0xff;
	_ =	sdelay $0x4  }
0xa5: {  	v60 =	vshrl.u32 v3, $0x3  }
0xa6: {  	v4 =	vmul.u32 $0x30, v60  }
0xa7: {  	v3 =	vand.u32 $0x7, v3  }
0xa8: {  	v3 =	vor.u32 v3, v4  }
0xa9: {  	v3 =	vperm.xlane v3, v1;
	_ =	sdelay $0x1  }
0xaa: {  	v3 =	vadd.s32 v2, v3;
	_ =	sdelay $0x4  }
0xab: {  	[tilespmem:s21], [sflag:$0x3] =	stream.indirect_vreg.gather [hbm4b:s1+s4], $0x80, v3, vm1, $0xb8;
	[tilespmem:$0x1B400] =	vst v63  }
0xac: {  	_ = 	snop  }
0xad: {  	[tilespmem:s22], [sflag:$0x3] =	stream.indirect_vreg.gather [hbm4b:s5+s4], $0x80, v3, vm1, $0xb8;
	[tilespmem:$0x1B400] =	vst v63  }
0xae: {  	_ = 	snop  }
0xaf: {  	[tilespmem:s23], [sflag:$0x3] =	stream.indirect_vreg.gather [hbm4b:s6+s4], $0x80, v3, vm1, $0xb8;
	[tilespmem:$0x1B400] =	vst v63  }
0xb0: {  	_ =	swait.ge [sflag:s31], $0xC000  }
0xb1: {  	[sflag:s31] =	ssyncset.done $0x0  }
0xb2: {  	s2 =	rddreg [dreg:$0x11];
	[sflag:s31] =	ssyncadd.s32 $0xFFFF4000  }
0xb3: {  	[hbm4b:s2+s4] =	stream.linear.scatter [tilespmem:s24], [sflag:$0x5], $0xC000, $0x38;
	[tilespmem:$0x1B400] =	vst v63  }
0xb4: {  	_ =	swait.ge [sflag:s19], $0xC000  }
0xb5: {  	[sflag:s19] =	ssyncset.done $0x0  }
0xb6: {  	s2 =	rddreg [dreg:$0x12];
	[sflag:s19] =	ssyncadd.s32 $0xFFFF4000  }
0xb7: {  	[hbm4b:s2+s4] =	stream.linear.scatter [tilespmem:s24], [sflag:$0x5], $0xC000, $0x38;
	[tilespmem:$0x1B400] =	vst v63  }
0xb8: {  	_ =	swait.ge [sflag:s19], $0xC000  }
0xb9: {  	[sflag:s19] =	ssyncset.done $0x0  }
0xba: {  	[sflag:s19] =	ssyncadd.s32 $0xFFFF4000  }
0xbb: {  	_ =	swait.ge [sflag:s3], $0x1800  }
0xbc: {  	[sflag:s3] =	ssyncset.done $0x0  }
0xbd: {  	s2 =	rddreg [dreg:$0x13];
	[sflag:s3] =	ssyncadd.s32 $0xFFFFE800  }
0xbe: {  	[hbm4b:s2+s4] =	stream.linear.scatter [tilespmem:s25], [sflag:$0x5], $0x1800, $0x38;
	[tilespmem:$0x1B400] =	vst v63  }
0xbf: {  	_ =	swait.ge [sflag:s19], $0x1800  }
0xc0: {  	[sflag:s19] =	ssyncset.done $0x0  }
0xc1: {  	[sflag:s19] =	ssyncadd.s32 $0xFFFFE800  }
0xc2: {  	v3 =	vld.msk [tilespmem:$0x280], $0xff;
	_ =	sdelay $0x4  }
0xc3: {  	v3 =	vmul.u32 $0x1800, v3;
	_ =	sdelay $0x1  }
0xc4: {  	v3 =	vperm.xlane v3, v0;
	_ =	sdelay $0x5  }
0xc5: {  	[tilespmem:s24], [sflag:$0x2] =	stream.indirect_vreg.gather [hbm4b:s0+s4], $0x1800, v3, vm0, $0x38;
	[tilespmem:$0x1B400] =	vst v63  }
0xc6: {  	v3 =	vld.msk [tilespmem:$0x280], $0xff;
	_ =	sdelay $0x4  }
0xc7: {  	v61 =	vshrl.u32 v3, $0x3  }
0xc8: {  	v4 =	vmul.u32 $0x30, v61  }
0xc9: {  	v3 =	vand.u32 $0x7, v3  }
0xca: {  	v3 =	vor.u32 v3, v4  }
0xcb: {  	v3 =	vperm.xlane v3, v1;
	_ =	sdelay $0x1  }
0xcc: {  	v3 =	vadd.s32 v2, v3;
	_ =	sdelay $0x4  }
0xcd: {  	[tilespmem:s25], [sflag:$0x4] =	stream.indirect_vreg.gather [hbm4b:s1+s4], $0x80, v3, vm1, $0xb8;
	[tilespmem:$0x1B400] =	vst v63  }
0xce: {  	_ = 	snop  }
0xcf: {  	[tilespmem:s26], [sflag:$0x4] =	stream.indirect_vreg.gather [hbm4b:s5+s4], $0x80, v3, vm1, $0xb8;
	[tilespmem:$0x1B400] =	vst v63  }
0xd0: {  	_ = 	snop  }
0xd1: {  	[tilespmem:s28], [sflag:$0x4] =	stream.indirect_vreg.gather [hbm4b:s6+s4], $0x80, v3, vm1, $0xb8;
	[tilespmem:$0x1B400] =	vst v63  }
0xd2: {  	_ =	swait.ge [sflag:s29], $0xC000  }
0xd3: {  	[sflag:s29] =	ssyncset.done $0x0  }
0xd4: {  	s2 =	rddreg [dreg:$0x14];
	[sflag:s29] =	ssyncadd.s32 $0xFFFF4000  }
0xd5: {  	[hbm4b:s2+s4] =	stream.linear.scatter [tilespmem:s20], [sflag:$0x5], $0xC000, $0x38;
	[tilespmem:$0x1B400] =	vst v63  }
0xd6: {  	_ =	swait.ge [sflag:s19], $0xC000  }
0xd7: {  	[sflag:s19] =	ssyncset.done $0x0  }
0xd8: {  	[sflag:s19] =	ssyncadd.s32 $0xFFFF4000  }
0xd9: {  	[hbm4b:s7+s4] =	stream.linear.scatter [tilespmem:s20], [sflag:$0x5], $0xC000, $0x38;
	[tilespmem:$0x1B400] =	vst v63  }
0xda: {  	_ =	swait.ge [sflag:s19], $0xC000  }
0xdb: {  	[sflag:s19] =	ssyncset.done $0x0  }
0xdc: {  	[sflag:s19] =	ssyncadd.s32 $0xFFFF4000  }
0xdd: {  	_ =	swait.ge [sflag:s30], $0x1800  }
0xde: {  	[sflag:s30] =	ssyncset.done $0x0  }
0xdf: {  	[sflag:s30] =	ssyncadd.s32 $0xFFFFE800  }
0xe0: {  	[hbm4b:s8+s4] =	stream.linear.scatter [tilespmem:s21], [sflag:$0x5], $0x1800, $0x38;
	[tilespmem:$0x1B400] =	vst v63  }
0xe1: {  	_ =	swait.ge [sflag:s19], $0x1800  }
0xe2: {  	[sflag:s19] =	ssyncset.done $0x0  }
0xe3: {  	[sflag:s19] =	ssyncadd.s32 $0xFFFFE800  }
0xe4: {  	v3 =	vld.msk [tilespmem:$0x300], $0xff;
	_ =	sdelay $0x4  }
0xe5: {  	v3 =	vmul.u32 $0x1800, v3;
	_ =	sdelay $0x1  }
0xe6: {  	v3 =	vperm.xlane v3, v0;
	_ =	sdelay $0x5  }
0xe7: {  	[tilespmem:s20], [sflag:$0x1] =	stream.indirect_vreg.gather [hbm4b:s0+s4], $0x1800, v3, vm0, $0x38;
	[tilespmem:$0x1B400] =	vst v63  }
0xe8: {  	v3 =	vld.msk [tilespmem:$0x300], $0xff;
	_ =	sdelay $0x4  }
0xe9: {  	v62 =	vshrl.u32 v3, $0x3  }
0xea: {  	v4 =	vmul.u32 $0x30, v62  }
0xeb: {  	v3 =	vand.u32 $0x7, v3  }
0xec: {  	v3 =	vor.u32 v3, v4  }
0xed: {  	v3 =	vperm.xlane v3, v1;
	_ =	sdelay $0x1  }
0xee: {  	v3 =	vadd.s32 v2, v3;
	_ =	sdelay $0x4  }
0xef: {  	[tilespmem:s21], [sflag:$0x3] =	stream.indirect_vreg.gather [hbm4b:s1+s4], $0x80, v3, vm1, $0xb8;
	[tilespmem:$0x1B400] =	vst v63  }
0xf0: {  	_ = 	snop  }
0xf1: {  	[tilespmem:s22], [sflag:$0x3] =	stream.indirect_vreg.gather [hbm4b:s5+s4], $0x80, v3, vm1, $0xb8;
	[tilespmem:$0x1B400] =	vst v63  }
0xf2: {  	_ = 	snop  }
0xf3: {  	[tilespmem:s23], [sflag:$0x3] =	stream.indirect_vreg.gather [hbm4b:s6+s4], $0x80, v3, vm1, $0xb8;
	[tilespmem:$0x1B400] =	vst v63  }
0xf4: {  	_ =	swait.ge [sflag:s31], $0xC000  }
0xf5: {  	[sflag:s31] =	ssyncset.done $0x0  }
0xf6: {  	[sflag:s31] =	ssyncadd.s32 $0xFFFF4000  }
0xf7: {  	[hbm4b:s9+s4] =	stream.linear.scatter [tilespmem:s24], [sflag:$0x5], $0xC000, $0x38;
	[tilespmem:$0x1B400] =	vst v63  }
0xf8: {  	_ =	swait.ge [sflag:s19], $0xC000  }
0xf9: {  	[sflag:s19] =	ssyncset.done $0x0  }
0xfa: {  	[sflag:s19] =	ssyncadd.s32 $0xFFFF4000  }
0xfb: {  	[hbm4b:s10+s4] =	stream.linear.scatter [tilespmem:s24], [sflag:$0x5], $0xC000, $0x38;
	[tilespmem:$0x1B400] =	vst v63  }
0xfc: {  	_ =	swait.ge [sflag:s19], $0xC000  }
0xfd: {  	[sflag:s19] =	ssyncset.done $0x0  }
0xfe: {  	[sflag:s19] =	ssyncadd.s32 $0xFFFF4000  }
0xff: {  	_ =	swait.ge [sflag:s3], $0x1800  }
0x100: {  	[sflag:s3] =	ssyncset.done $0x0  }
0x101: {  	[sflag:s3] =	ssyncadd.s32 $0xFFFFE800  }
0x102: {  	[hbm4b:s11+s4] =	stream.linear.scatter [tilespmem:s25], [sflag:$0x5], $0x1800, $0x38;
	[tilespmem:$0x1B400] =	vst v63  }
0x103: {  	_ =	swait.ge [sflag:s19], $0x1800  }
0x104: {  	[sflag:s19] =	ssyncset.done $0x0  }
0x105: {  	[sflag:s19] =	ssyncadd.s32 $0xFFFFE800  }
0x106: {  	v3 =	vld.msk [tilespmem:$0x380], $0xff;
	_ =	sdelay $0x4  }
0x107: {  	v3 =	vmul.u32 $0x1800, v3;
	_ =	sdelay $0x1  }
0x108: {  	v3 =	vperm.xlane v3, v0;
	_ =	sdelay $0x5  }
0x109: {  	[tilespmem:s24], [sflag:$0x2] =	stream.indirect_vreg.gather [hbm4b:s0+s4], $0x1800, v3, vm0, $0x38;
	[tilespmem:$0x1B400] =	vst v63  }
0x10a: {  	v3 =	vld.msk [tilespmem:$0x380], $0xff;
	_ =	sdelay $0x4  }
0x10b: {  	v63 =	vshrl.u32 v3, $0x3  }
0x10c: {  	v4 =	vmul.u32 $0x30, v63  }
0x10d: {  	v3 =	vand.u32 $0x7, v3  }
0x10e: {  	v3 =	vor.u32 v3, v4  }
0x10f: {  	v3 =	vperm.xlane v3, v1;
	_ =	sdelay $0x1  }
0x110: {  	v3 =	vadd.s32 v2, v3;
	_ =	sdelay $0x4  }
0x111: {  	[tilespmem:s25], [sflag:$0x4] =	stream.indirect_vreg.gather [hbm4b:s1+s4], $0x80, v3, vm1, $0xb8;
	[tilespmem:$0x1B400] =	vst v63  }
0x112: {  	_ = 	snop  }
0x113: {  	[tilespmem:s26], [sflag:$0x4] =	stream.indirect_vreg.gather [hbm4b:s5+s4], $0x80, v3, vm1, $0xb8;
	[tilespmem:$0x1B400] =	vst v63  }
0x114: {  	_ = 	snop  }
0x115: {  	[tilespmem:s28], [sflag:$0x4] =	stream.indirect_vreg.gather [hbm4b:s6+s4], $0x80, v3, vm1, $0xb8;
	[tilespmem:$0x1B400] =	vst v63  }
0x116: {  	_ =	swait.ge [sflag:s29], $0xC000  }
0x117: {  	[sflag:s29] =	ssyncset.done $0x0  }
0x118: {  	[sflag:s29] =	ssyncadd.s32 $0xFFFF4000  }
0x119: {  	[hbm4b:s12+s4] =	stream.linear.scatter [tilespmem:s20], [sflag:$0x5], $0xC000, $0x38;
	[tilespmem:$0x1B400] =	vst v63  }
0x11a: {  	_ =	swait.ge [sflag:s19], $0xC000  }
0x11b: {  	[sflag:s19] =	ssyncset.done $0x0  }
0x11c: {  	[sflag:s19] =	ssyncadd.s32 $0xFFFF4000  }
0x11d: {  	[hbm4b:s13+s4] =	stream.linear.scatter [tilespmem:s20], [sflag:$0x5], $0xC000, $0x38;
	[tilespmem:$0x1B400] =	vst v63  }
0x11e: {  	_ =	swait.ge [sflag:s19], $0xC000  }
0x11f: {  	[sflag:s19] =	ssyncset.done $0x0  }
0x120: {  	[sflag:s19] =	ssyncadd.s32 $0xFFFF4000  }
0x121: {  	_ =	swait.ge [sflag:s30], $0x1800  }
0x122: {  	[sflag:s30] =	ssyncset.done $0x0  }
0x123: {  	[sflag:s30] =	ssyncadd.s32 $0xFFFFE800  }
0x124: {  	[hbm4b:s14+s4] =	stream.linear.scatter [tilespmem:s21], [sflag:$0x5], $0x1800, $0x38;
	[tilespmem:$0x1B400] =	vst v63  }
0x125: {  	_ =	swait.ge [sflag:s19], $0x1800  }
0x126: {  	[sflag:s19] =	ssyncset.done $0x0  }
0x127: {  	[sflag:s19] =	ssyncadd.s32 $0xFFFFE800  }
0x128: {  	_ =	swait.ge [sflag:s31], $0xC000  }
0x129: {  	[sflag:s31] =	ssyncset.done $0x0  }
0x12a: {  	[sflag:s31] =	ssyncadd.s32 $0xFFFF4000  }
0x12b: {  	[hbm4b:s15+s4] =	stream.linear.scatter [tilespmem:s24], [sflag:$0x5], $0xC000, $0x38;
	[tilespmem:$0x1B400] =	vst v63  }
0x12c: {  	_ =	swait.ge [sflag:s19], $0xC000  }
0x12d: {  	[sflag:s19] =	ssyncset.done $0x0  }
0x12e: {  	[sflag:s19] =	ssyncadd.s32 $0xFFFF4000  }
0x12f: {  	[hbm4b:s16+s4] =	stream.linear.scatter [tilespmem:s24], [sflag:$0x5], $0xC000, $0x38;
	[tilespmem:$0x1B400] =	vst v63  }
0x130: {  	_ =	swait.ge [sflag:s19], $0xC000  }
0x131: {  	[sflag:s19] =	ssyncset.done $0x0  }
0x132: {  	[sflag:s19] =	ssyncadd.s32 $0xFFFF4000  }
0x133: {  	_ =	swait.ge [sflag:s3], $0x1800  }
0x134: {  	p0 =	sne.s32 s18, $0x1;
	[sflag:s3] =	ssyncset.done $0x0  }
.Ltmp0:
0x135: {  	[sflag:s3] =	ssyncadd.s32 $0xFFFFE800;
	(pc) =	sbr.rel @p0 .LBB2_1-.Ltmp0, $4  }
0x136: {  	[hbm4b:s17+s4] =	stream.linear.scatter [tilespmem:s25], [sflag:$0x5], $0x1800, $0x38;
	[tilespmem:$0x1B400] =	vst v63  }
0x137: {  	_ =	swait.ge [sflag:s19], $0x1800  }
0x138: {  	[sflag:s19] =	ssyncset.done $0x0  }
0x139: {  	s18 =	sadd.s32 $0xFFFFFFFF, s18;
	[sflag:s19] =	ssyncadd.s32 $0xFFFFE800  }
0x13a: {  	_ =	sfence.sel $0x180000  }
0x13b: {  	[bflag:$0x0] =	sbarrier.arrive $0xFFFF  }
0x13c: {  	_ =	strace $0x90000047  }
0x13d: {  	s0 =	stileid.u32;
	[bflag:$0x2] =	sbarrier.arrive $0xFFFF  }
0x13e: {  	p0 =	sne.s32 s0, $0x0;
	s0 =	rddreg [dreg:$0x6]  }
0x13f: {  	s0 =	sadd.s32 @!p0 $0x100000, s0  }
0x140: {  	[sflag:s0] =	ssyncadd.tile.s32 @!p0 $0x1;
	_ =	shalt  }
.Lfunc_end2:
_tile_overlayer_lowered:
.L_overlay_start_2:
0x141: {  	(tag) =	ssettag $0x2  }
0x142: {  	s0 =	rddreg [dreg:$0x0];
	s2 =	stileid.u32  }
0x143: {  	s1 =	rddreg [dreg:$0x1];
	p0 =	sne.s32 s2, $0x0  }
0x144: {  	s3 =	rddreg [dreg:$0x2];
	[bflag:$0x3] =	sbarrier.arrive $0xFFFF;
	s2 =	simm.s32 @!p0 $0x1C05  }
0x145: {  	[timem:s3], [sflag:s2] =	dma.local @!p0 [hbm:s0], s1  }
0x146: {  	s0 =	simm.s32 @!p0 $0x5  }
0x147: {  	_ =	swait.ge @!p0 [sflag:s0], s1  }
0x148: {  	s1 =	ssub.s32 @!p0 $0x0, s1;
	[sflag:s0] =	ssyncset.done @!p0 $0x0  }
0x149: {  	[sflag:s0] =	ssyncadd.s32 @!p0 s1  }
0x14a: {  	[bflag:$0x3] =	sbarrier.arrive $0xFFFF  }
0x14b: {  	_ =	shalt  }

</sc_bundles>
